<compile_context>
chip_gen: v7x
topology: tpu7x:2x2x1
jax: 0.10.2.dev20260603
libtpu: 0.0.44.dev20260713+nightly
codegen_flags: <defaults>
</compile_context>

<pallas_src>
import functools

import jax
import jax.numpy as jnp
from jax import lax
from jax.experimental import pallas as pl
from jax.experimental.pallas import tpu as pltpu
from jax.experimental.pallas import tpu_sc as plsc

D = 128
DW = D // 2
LANES = 16

_info = plsc.get_sparse_core_info()
NC, NS = _info.num_cores, _info.num_subcores
NW = NC * NS

CHUNK = 80
GROUPS = CHUNK // LANES
PSTRIDE = CHUNK + 5


def _make_score_kernel(num_edges, num_nodes):
    assert num_edges % NW == 0
    assert num_nodes % NS == 0
    rows_per_sub = num_nodes // NS
    per_w = num_edges // NW
    assert per_w % (2 * CHUNK) == 0
    n_chunks = per_w // CHUNK

    mesh = plsc.VectorSubcoreMesh(core_axis_name="c", subcore_axis_name="s")

    @functools.partial(
        pl.kernel,
        mesh=mesh,
        compiler_params=pltpu.CompilerParams(
            needs_layout_passes=False, use_tc_tiling_on_sc=False),
        out_type=jax.ShapeDtypeStruct((num_edges,), jnp.float32),
        scratch_types=[
            pltpu.VMEM((2, CHUNK), jnp.int32),
            pltpu.VMEM((2, CHUNK), jnp.int32),
            pltpu.VMEM((2, CHUNK, DW), jnp.int32),
            pltpu.VMEM((2, CHUNK, DW), jnp.int32),
            pltpu.VMEM((2, CHUNK), jnp.float32),
            pltpu.VMEM((LANES * PSTRIDE,), jnp.float32),
            pltpu.VMEM((DW,), jnp.int32),
            pltpu.VMEM((125, DW), jnp.int32),
            pltpu.VMEM_SHARED((num_nodes, DW), jnp.int32),
            pltpu.VMEM_SHARED((num_nodes, DW), jnp.int32),
            pltpu.SemaphoreType.DMA((2,)),
            pltpu.SemaphoreType.DMA((2,)),
            pltpu.SemaphoreType.DMA((2,)),
        ],
    )
    def score_kernel(srcs_hbm, dsts_hbm, xu_hbm, xv_hbm, r_hbm, out_hbm,
                     src_idx, dst_idx, u_rows, v_rows, scores, pmat, r_v,
                     vtmp, xu_sh, xv_sh, sem_rows, sem_idx, sem_out):
        sid = lax.axis_index("s")
        wid = sid * NC + lax.axis_index("c")
        base = wid * per_w

        row0 = sid * rows_per_sub
        pltpu.sync_copy(xu_hbm.at[pl.ds(row0, rows_per_sub)],
                        xu_sh.at[pl.ds(row0, rows_per_sub)])

        pltpu.sync_copy(r_hbm, r_v)
        r_bf = [plsc.bitcast(r_v[pl.ds(LANES * j, LANES)], jnp.bfloat16)
                for j in range(DW // LANES)]

        scale_rows = 125
        assert rows_per_sub % scale_rows == 0
        for t in range(rows_per_sub // scale_rows):
            r0 = row0 + t * scale_rows
            sl = pl.ds(r0, scale_rows)
            pltpu.sync_copy(xv_hbm.at[sl], vtmp)

            @plsc.parallel_loop(0, scale_rows, 1, unroll=4)
            def scale_body(row):
                for j in range(DW // LANES):
                    w = plsc.bitcast(vtmp[row, pl.ds(LANES * j, LANES)],
                                     jnp.bfloat16)
                    vtmp[row, pl.ds(LANES * j, LANES)] = plsc.bitcast(
                        w * r_bf[j], jnp.int32)

            pltpu.sync_copy(vtmp, xv_sh.at[sl])
        plsc.subcore_barrier()

        lane = lax.broadcasted_iota(jnp.int32, (LANES,), 0)
        col_base = lane * PSTRIDE

        def start_idx(c, b):
            off = base + c * CHUNK
            pltpu.async_copy(srcs_hbm.at[pl.ds(off, CHUNK)],
                             src_idx.at[b], sem_idx.at[b])
            pltpu.async_copy(dsts_hbm.at[pl.ds(off, CHUNK)],
                             dst_idx.at[b], sem_idx.at[b])

        def wait_idx(b):
            pltpu.make_async_copy(srcs_hbm.at[pl.ds(0, CHUNK)],
                                  src_idx.at[b], sem_idx.at[b]).wait()
            pltpu.make_async_copy(srcs_hbm.at[pl.ds(0, CHUNK)],
                                  dst_idx.at[b], sem_idx.at[b]).wait()

        HALF = CHUNK // 2

        def start_rows(b):
            for h in (0, 1):
                s = pl.ds(h * HALF, HALF)
                pltpu.async_copy(xu_sh.at[src_idx.at[b, s]],
                                 u_rows.at[b, s], sem_rows.at[b])
                pltpu.async_copy(xv_sh.at[dst_idx.at[b, s]],
                                 v_rows.at[b, s], sem_rows.at[b])

        def wait_rows(b):
            for h in (0, 1):
                s = pl.ds(h * HALF, HALF)
                pltpu.make_async_copy(xu_sh.at[src_idx.at[b, s]],
                                      u_rows.at[b, s], sem_rows.at[b]).wait()
                pltpu.make_async_copy(xv_sh.at[dst_idx.at[b, s]],
                                      v_rows.at[b, s], sem_rows.at[b]).wait()

        def compute(c, b):
            @plsc.parallel_loop(0, CHUNK, 1, unroll=4)
            def edge_body(e):
                parts = []
                for j in range(DW // LANES):
                    u = plsc.bitcast(
                        u_rows[b, e, pl.ds(LANES * j, LANES)],
                        jnp.bfloat16)
                    v = plsc.bitcast(
                        v_rows[b, e, pl.ds(LANES * j, LANES)],
                        jnp.bfloat16)
                    wa, wb = plsc.unpack(
                        u * v, format=plsc.PackFormat.INTERLEAVED)
                    parts.append(wa)
                    parts.append(wb)
                while len(parts) > 1:
                    parts = [a + bb for a, bb in
                             zip(parts[::2], parts[1::2])]
                plsc.store_scatter(pmat, [col_base + e], parts[0])

            @plsc.parallel_loop(0, GROUPS, 1)
            def group_body(gb):
                gbase = gb * LANES + lane
                accs = [plsc.load_gather(pmat, [gbase + l * PSTRIDE])
                        for l in range(4)]
                for l in range(4, LANES):
                    accs[l % 4] = accs[l % 4] + plsc.load_gather(
                        pmat, [gbase + l * PSTRIDE])
                acc = (accs[0] + accs[1]) + (accs[2] + accs[3])
                scores[b, pl.ds(gb * LANES, LANES)] = acc
            pltpu.async_copy(scores.at[b],
                             out_hbm.at[pl.ds(base + c * CHUNK, CHUNK)],
                             sem_out.at[b])

        def wait_out(c, b):
            pltpu.make_async_copy(scores.at[b],
                                  out_hbm.at[pl.ds(0, CHUNK)],
                                  sem_out.at[b]).wait()

        start_idx(0, 0)
        start_idx(1, 1)
        wait_idx(0)
        start_rows(0)

        def loop_body(i, carry):
            for b in (0, 1):
                c = 2 * i + b
                wait_rows(b)

                @pl.when(c + 2 < n_chunks)
                def _():
                    start_idx(c + 2, b)

                @pl.when(c + 1 < n_chunks)
                def _():
                    wait_idx(1 - b)
                    start_rows(1 - b)

                @pl.when(c >= 2)
                def _():
                    wait_out(c, b)

                compute(c, b)
            return carry

        lax.fori_loop(0, n_chunks // 2, loop_body, 0)
        wait_out(n_chunks - 2, 0)
        wait_out(n_chunks - 1, 1)

    return score_kernel


def kernel(positive_edges, negative_edges, g, x_u, x_v, r):
    e = positive_edges.shape[0]
    n = x_u.shape[0]
    srcs = jnp.concatenate([positive_edges[:, 0], negative_edges[:, 0]])
    dsts = jnp.concatenate([positive_edges[:, 1], negative_edges[:, 1]])

    def to_words(t):
        t16 = t.astype(jnp.bfloat16)
        return lax.bitcast_convert_type(
            t16.reshape(*t16.shape[:-1], DW, 2), jnp.int32)

    scores = _make_score_kernel(2 * e, n)(
        srcs, dsts, to_words(x_u), to_words(x_v), to_words(r))
    return (scores[:e], scores[e:])

# --- scband reference (transcript-rebuilt; emitter-appended) ---
"""Pipeline reference for scband-link-prediction-fullbatch-24721831756412 (READ-ONLY COPY).

The authoritative reference and input builder live on the scoring server;
editing this copy changes nothing except your own understanding.
"""

import jax, jax.numpy as jnp
import numpy as np

N_NODES = 10000
D = 128
E = 320000

def setup_inputs(seed: int = 0) -> dict:
    key = jax.random.key(seed)
    k1, k2, k3, k4, k5 = jax.random.split(key, 5)
    x_u = jax.random.normal(k1, (N_NODES, D), dtype=jnp.float32)
    x_v = jax.random.normal(k2, (N_NODES, D), dtype=jnp.float32)
    positive_edges = jax.random.randint(k3, (E, 2), 0, N_NODES, dtype=jnp.int32)
    negative_edges = jax.random.randint(k4, (E, 2), 0, N_NODES, dtype=jnp.int32)
    g = jax.random.randint(k5, (2, E), 0, N_NODES, dtype=jnp.int32)  # dummy graph edge_index (unused by identity emb_model)
    r = jnp.ones((D,), dtype=jnp.float32)  # learned relation vector, init ones per nn.init.ones_
    return {"positive_edges": positive_edges, "negative_edges": negative_edges, "g": g, "x_u": x_u, "x_v": x_v, "r": r}

def reference(positive_edges, negative_edges, g, x_u, x_v, r):
    # emb_model == identity: h_dict = x_dict, so h_u = x_u, h_v = x_v (g unused)
    h_u = x_u
    h_v = x_v
    pos_score = jnp.sum(jnp.take(h_u, positive_edges[:, 0], axis=0) * r * jnp.take(h_v, positive_edges[:, 1], axis=0), axis=-1)
    neg_score = jnp.sum(jnp.take(h_u, negative_edges[:, 0], axis=0) * r * jnp.take(h_v, negative_edges[:, 1], axis=0), axis=-1)
    return (pos_score, neg_score)

if __name__ == "__main__":
    import jax
    _d = setup_inputs()
    print(jax.jit(kernel)(*tuple(_d.values())))

</pallas_src>

<mosaic_0001>
#map = affine_map<(d0, d1) -> (0)>
#map1 = affine_map<(d0, d1) -> (0, 0)>
module attributes {stable_mosaic.version = 14 : i64} {
  func.func @score_kernel(%arg0: i32, %arg1: i32, %arg2: memref<640000xi32, #tpu.memory_space<hbm>>, %arg3: memref<640000xi32, #tpu.memory_space<hbm>>, %arg4: memref<10000x64xi32, #tpu.memory_space<hbm>>, %arg5: memref<10000x64xi32, #tpu.memory_space<hbm>>, %arg6: memref<64xi32, #tpu.memory_space<hbm>>, %arg7: memref<640000xf32, #tpu.memory_space<hbm>>, %arg8: memref<2x80xi32, #tpu.memory_space<vmem>>, %arg9: memref<2x80xi32, #tpu.memory_space<vmem>>, %arg10: memref<2x80x64xi32, #tpu.memory_space<vmem>>, %arg11: memref<2x80x64xi32, #tpu.memory_space<vmem>>, %arg12: memref<2x80xf32, #tpu.memory_space<vmem>>, %arg13: memref<1360xf32, #tpu.memory_space<vmem>>, %arg14: memref<64xi32, #tpu.memory_space<vmem>>, %arg15: memref<125x64xi32, #tpu.memory_space<vmem>>, %arg16: memref<10000x64xi32, #tpu.memory_space<vmem_shared>>, %arg17: memref<10000x64xi32, #tpu.memory_space<vmem_shared>>, %arg18: memref<2x!tpu.dma_semaphore, #tpu.memory_space<semaphore_mem>>, %arg19: memref<2x!tpu.dma_semaphore, #tpu.memory_space<semaphore_mem>>, %arg20: memref<2x!tpu.dma_semaphore, #tpu.memory_space<semaphore_mem>>) attributes {dimension_semantics = [#tpu.dimension_semantics<core_parallel>, #tpu.dimension_semantics<subcore_parallel>], iteration_bounds = array<i64: 2, 16>, scalar_prefetch = 0 : i64, scratch_operands = 13 : i64, tpu.core_type = #tpu.core_type<sc_vector_subcore>, window_params = [{transform_indices = #map}, {transform_indices = #map}, {transform_indices = #map1}, {transform_indices = #map1}, {transform_indices = #map}, {transform_indices = #map}]} {
    %mul3A = arith.constant 2 : i32
    %mul3A_0 = arith.muli %arg1, %mul3A : i32
    %add3A = arith.addi %mul3A_0, %arg0 : i32
    %mul3A_1 = arith.constant 20000 : i32
    %mul3A_2 = arith.muli %add3A, %mul3A_1 : i32
    %mul3A_3 = arith.constant 625 : i32
    %mul3A_4 = arith.muli %arg1, %mul3A_3 : i32
    "tpu.region"() ({
      %run_scoped3A = tpu.sem_alloc : memref<!tpu.dma_semaphore, #tpu.memory_space<semaphore_mem>>
      %dma_start3A_213 = arith.constant 0 : i32
      %dma_start3A_214 = tpu.memref_slice %arg16[%mul3A_4, %dma_start3A_213] : memref<10000x64xi32, #tpu.memory_space<vmem_shared>> -> memref<625x64xi32, #tpu.memory_space<vmem_shared>>
      %dma_start3A_215 = arith.constant 0 : i32
      %dma_start3A_216 = tpu.memref_slice %arg4[%mul3A_4, %dma_start3A_215] : memref<10000x64xi32, #tpu.memory_space<hbm>> -> memref<625x64xi32, #tpu.memory_space<hbm>>
      tpu.enqueue_dma source(%dma_start3A_216 : memref<625x64xi32, #tpu.memory_space<hbm>>) target(%dma_start3A_214 : memref<625x64xi32, #tpu.memory_space<vmem_shared>>) target_semaphore(%run_scoped3A : memref<!tpu.dma_semaphore, #tpu.memory_space<semaphore_mem>>)
      %dma_wait3A_217 = arith.constant 0 : i32
      %dma_wait3A_218 = tpu.memref_slice %arg16[%mul3A_4, %dma_wait3A_217] : memref<10000x64xi32, #tpu.memory_space<vmem_shared>> -> memref<625x64xi32, #tpu.memory_space<vmem_shared>>
      %dma_wait3A_219 = arith.constant 0 : i32
      %dma_wait3A_220 = tpu.memref_slice %arg4[%mul3A_4, %dma_wait3A_219] : memref<10000x64xi32, #tpu.memory_space<hbm>> -> memref<625x64xi32, #tpu.memory_space<hbm>>
      tpu.wait_dma2 semaphore(%run_scoped3A : memref<!tpu.dma_semaphore, #tpu.memory_space<semaphore_mem>>) src(%dma_wait3A_220 : memref<625x64xi32, #tpu.memory_space<hbm>>) dst(%dma_wait3A_218 : memref<625x64xi32, #tpu.memory_space<vmem_shared>>)
      tpu.yield
    }) : () -> ()
    "tpu.region"() ({
      %run_scoped3A = tpu.sem_alloc : memref<!tpu.dma_semaphore, #tpu.memory_space<semaphore_mem>>
      tpu.enqueue_dma source(%arg6 : memref<64xi32, #tpu.memory_space<hbm>>) target(%arg14 : memref<64xi32, #tpu.memory_space<vmem>>) target_semaphore(%run_scoped3A : memref<!tpu.dma_semaphore, #tpu.memory_space<semaphore_mem>>)
      tpu.wait_dma2 semaphore(%run_scoped3A : memref<!tpu.dma_semaphore, #tpu.memory_space<semaphore_mem>>) src(%arg6 : memref<64xi32, #tpu.memory_space<hbm>>) dst(%arg14 : memref<64xi32, #tpu.memory_space<vmem>>)
      tpu.yield
    }) : () -> ()
    %get3A = arith.constant 0 : index
    %get3A_5 = tpu.vector_load %arg14[%get3A] {strides = array<i32>} : memref<64xi32, #tpu.memory_space<vmem>>, vector<16xi32>,
    %bitcast3A = vector.bitcast %get3A_5 : vector<16xi32> to vector<32xbf16>
    %get3A_6 = arith.constant 16 : index
    %get3A_7 = tpu.vector_load %arg14[%get3A_6] {strides = array<i32>} : memref<64xi32, #tpu.memory_space<vmem>>, vector<16xi32>,
    %bitcast3A_8 = vector.bitcast %get3A_7 : vector<16xi32> to vector<32xbf16>
    %get3A_9 = arith.constant 32 : index
    %get3A_10 = tpu.vector_load %arg14[%get3A_9] {strides = array<i32>} : memref<64xi32, #tpu.memory_space<vmem>>, vector<16xi32>,
    %bitcast3A_11 = vector.bitcast %get3A_10 : vector<16xi32> to vector<32xbf16>
    %get3A_12 = arith.constant 48 : index
    %get3A_13 = tpu.vector_load %arg14[%get3A_12] {strides = array<i32>} : memref<64xi32, #tpu.memory_space<vmem>>, vector<16xi32>,
    %bitcast3A_14 = vector.bitcast %get3A_13 : vector<16xi32> to vector<32xbf16>
    %add3A_15 = arith.constant 0 : i32
    %add3A_16 = arith.addi %mul3A_4, %add3A_15 : i32
    "tpu.region"() ({
      %run_scoped3A = tpu.sem_alloc : memref<!tpu.dma_semaphore, #tpu.memory_space<semaphore_mem>>
      %dma_start3A_213 = arith.constant 0 : i32
      %dma_start3A_214 = tpu.memref_slice %arg5[%add3A_16, %dma_start3A_213] : memref<10000x64xi32, #tpu.memory_space<hbm>> -> memref<125x64xi32, #tpu.memory_space<hbm>>
      %dma_start3A_215 = arith.constant 0 : i32
      %dma_start3A_216 = tpu.memref_slice %arg5[%add3A_16, %dma_start3A_215] : memref<10000x64xi32, #tpu.memory_space<hbm>> -> memref<125x64xi32, #tpu.memory_space<hbm>>
      tpu.enqueue_dma source(%dma_start3A_216 : memref<125x64xi32, #tpu.memory_space<hbm>>) target(%arg15 : memref<125x64xi32, #tpu.memory_space<vmem>>) target_semaphore(%run_scoped3A : memref<!tpu.dma_semaphore, #tpu.memory_space<semaphore_mem>>)
      %dma_wait3A_217 = arith.constant 0 : i32
      %dma_wait3A_218 = tpu.memref_slice %arg5[%add3A_16, %dma_wait3A_217] : memref<10000x64xi32, #tpu.memory_space<hbm>> -> memref<125x64xi32, #tpu.memory_space<hbm>>
      %dma_wait3A_219 = arith.constant 0 : i32
      %dma_wait3A_220 = tpu.memref_slice %arg5[%add3A_16, %dma_wait3A_219] : memref<10000x64xi32, #tpu.memory_space<hbm>> -> memref<125x64xi32, #tpu.memory_space<hbm>>
      tpu.wait_dma2 semaphore(%run_scoped3A : memref<!tpu.dma_semaphore, #tpu.memory_space<semaphore_mem>>) src(%dma_wait3A_220 : memref<125x64xi32, #tpu.memory_space<hbm>>) dst(%arg15 : memref<125x64xi32, #tpu.memory_space<vmem>>)
      tpu.yield
    }) : () -> ()
    %parallel_loop3A = arith.constant 0 : i32
    %parallel_loop3A_17 = arith.constant 125 : i32
    %parallel_loop3A_18 = arith.constant 1 : i32
    scf.for %parallel_loop3A_213 = %parallel_loop3A to %parallel_loop3A_17 step %parallel_loop3A_18  : i32 {
      %parallel_loop3A_214 = arith.index_cast %parallel_loop3A_213 : i32 to index
      %parallel_loop3A_215 = arith.constant 0 : index
      %parallel_loop3A_216 = tpu.vector_load %arg15[%parallel_loop3A_214, %parallel_loop3A_215] {strides = array<i32>} : memref<125x64xi32, #tpu.memory_space<vmem>>, vector<16xi32>,
      %parallel_loop3A_217 = vector.bitcast %parallel_loop3A_216 : vector<16xi32> to vector<32xbf16>
      %parallel_loop3A_218 = arith.mulf %parallel_loop3A_217, %bitcast3A : vector<32xbf16>
      %parallel_loop3A_219 = vector.bitcast %parallel_loop3A_218 : vector<32xbf16> to vector<16xi32>
      %parallel_loop3A_220 = arith.index_cast %parallel_loop3A_213 : i32 to index
      %parallel_loop3A_221 = arith.constant 0 : index
      %parallel_loop3A_222 = tpu.vector_load %arg15[%parallel_loop3A_220, %parallel_loop3A_221] {strides = array<i32>} : memref<125x64xi32, #tpu.memory_space<vmem>>, vector<16xi32>,
      tpu.vector_store %arg15[%parallel_loop3A_220, %parallel_loop3A_221], %parallel_loop3A_219 {strides = array<i32>} : memref<125x64xi32, #tpu.memory_space<vmem>>, vector<16xi32>,
      %parallel_loop3A_223 = arith.index_cast %parallel_loop3A_213 : i32 to index
      %parallel_loop3A_224 = arith.constant 16 : index
      %parallel_loop3A_225 = tpu.vector_load %arg15[%parallel_loop3A_223, %parallel_loop3A_224] {strides = array<i32>} : memref<125x64xi32, #tpu.memory_space<vmem>>, vector<16xi32>,
      %parallel_loop3A_226 = vector.bitcast %parallel_loop3A_225 : vector<16xi32> to vector<32xbf16>
      %parallel_loop3A_227 = arith.mulf %parallel_loop3A_226, %bitcast3A_8 : vector<32xbf16>
      %parallel_loop3A_228 = vector.bitcast %parallel_loop3A_227 : vector<32xbf16> to vector<16xi32>
      %parallel_loop3A_229 = arith.index_cast %parallel_loop3A_213 : i32 to index
      %parallel_loop3A_230 = arith.constant 16 : index
      %parallel_loop3A_231 = tpu.vector_load %arg15[%parallel_loop3A_229, %parallel_loop3A_230] {strides = array<i32>} : memref<125x64xi32, #tpu.memory_space<vmem>>, vector<16xi32>,
      tpu.vector_store %arg15[%parallel_loop3A_229, %parallel_loop3A_230], %parallel_loop3A_228 {strides = array<i32>} : memref<125x64xi32, #tpu.memory_space<vmem>>, vector<16xi32>,
      %parallel_loop3A_232 = arith.index_cast %parallel_loop3A_213 : i32 to index
      %parallel_loop3A_233 = arith.constant 32 : index
      %parallel_loop3A_234 = tpu.vector_load %arg15[%parallel_loop3A_232, %parallel_loop3A_233] {strides = array<i32>} : memref<125x64xi32, #tpu.memory_space<vmem>>, vector<16xi32>,
      %parallel_loop3A_235 = vector.bitcast %parallel_loop3A_234 : vector<16xi32> to vector<32xbf16>
      %parallel_loop3A_236 = arith.mulf %parallel_loop3A_235, %bitcast3A_11 : vector<32xbf16>
      %parallel_loop3A_237 = vector.bitcast %parallel_loop3A_236 : vector<32xbf16> to vector<16xi32>
      %parallel_loop3A_238 = arith.index_cast %parallel_loop3A_213 : i32 to index
      %parallel_loop3A_239 = arith.constant 32 : index
      %parallel_loop3A_240 = tpu.vector_load %arg15[%parallel_loop3A_238, %parallel_loop3A_239] {strides = array<i32>} : memref<125x64xi32, #tpu.memory_space<vmem>>, vector<16xi32>,
      tpu.vector_store %arg15[%parallel_loop3A_238, %parallel_loop3A_239], %parallel_loop3A_237 {strides = array<i32>} : memref<125x64xi32, #tpu.memory_space<vmem>>, vector<16xi32>,
      %parallel_loop3A_241 = arith.index_cast %parallel_loop3A_213 : i32 to index
      %parallel_loop3A_242 = arith.constant 48 : index
      %parallel_loop3A_243 = tpu.vector_load %arg15[%parallel_loop3A_241, %parallel_loop3A_242] {strides = array<i32>} : memref<125x64xi32, #tpu.memory_space<vmem>>, vector<16xi32>,
      %parallel_loop3A_244 = vector.bitcast %parallel_loop3A_243 : vector<16xi32> to vector<32xbf16>
      %parallel_loop3A_245 = arith.mulf %parallel_loop3A_244, %bitcast3A_14 : vector<32xbf16>
      %parallel_loop3A_246 = vector.bitcast %parallel_loop3A_245 : vector<32xbf16> to vector<16xi32>
      %parallel_loop3A_247 = arith.index_cast %parallel_loop3A_213 : i32 to index
      %parallel_loop3A_248 = arith.constant 48 : index
      %parallel_loop3A_249 = tpu.vector_load %arg15[%parallel_loop3A_247, %parallel_loop3A_248] {strides = array<i32>} : memref<125x64xi32, #tpu.memory_space<vmem>>, vector<16xi32>,
      tpu.vector_store %arg15[%parallel_loop3A_247, %parallel_loop3A_248], %parallel_loop3A_246 {strides = array<i32>} : memref<125x64xi32, #tpu.memory_space<vmem>>, vector<16xi32>,
    } {sc.loop_unroll_factor = 4 : i64, sc.parallel_access}
    "tpu.region"() ({
      %run_scoped3A = tpu.sem_alloc : memref<!tpu.dma_semaphore, #tpu.memory_space<semaphore_mem>>
      %dma_start3A_213 = arith.constant 0 : i32
      %dma_start3A_214 = tpu.memref_slice %arg17[%add3A_16, %dma_start3A_213] : memref<10000x64xi32, #tpu.memory_space<vmem_shared>> -> memref<125x64xi32, #tpu.memory_space<vmem_shared>>
      %dma_start3A_215 = arith.constant 0 : i32
      %dma_start3A_216 = tpu.memref_slice %arg17[%add3A_16, %dma_start3A_215] : memref<10000x64xi32, #tpu.memory_space<vmem_shared>> -> memref<125x64xi32, #tpu.memory_space<vmem_shared>>
      tpu.enqueue_dma source(%arg15 : memref<125x64xi32, #tpu.memory_space<vmem>>) target(%dma_start3A_216 : memref<125x64xi32, #tpu.memory_space<vmem_shared>>) target_semaphore(%run_scoped3A : memref<!tpu.dma_semaphore, #tpu.memory_space<semaphore_mem>>)
      %dma_wait3A_217 = arith.constant 0 : i32
      %dma_wait3A_218 = tpu.memref_slice %arg17[%add3A_16, %dma_wait3A_217] : memref<10000x64xi32, #tpu.memory_space<vmem_shared>> -> memref<125x64xi32, #tpu.memory_space<vmem_shared>>
      %dma_wait3A_219 = arith.constant 0 : i32
      %dma_wait3A_220 = tpu.memref_slice %arg17[%add3A_16, %dma_wait3A_219] : memref<10000x64xi32, #tpu.memory_space<vmem_shared>> -> memref<125x64xi32, #tpu.memory_space<vmem_shared>>
      tpu.wait_dma2 semaphore(%run_scoped3A : memref<!tpu.dma_semaphore, #tpu.memory_space<semaphore_mem>>) src(%arg15 : memref<125x64xi32, #tpu.memory_space<vmem>>) dst(%dma_wait3A_220 : memref<125x64xi32, #tpu.memory_space<vmem_shared>>)
      tpu.yield
    }) : () -> ()
    %add3A_19 = arith.constant 125 : i32
    %add3A_20 = arith.addi %mul3A_4, %add3A_19 : i32
    "tpu.region"() ({
      %run_scoped3A = tpu.sem_alloc : memref<!tpu.dma_semaphore, #tpu.memory_space<semaphore_mem>>
      %dma_start3A_213 = arith.constant 0 : i32
      %dma_start3A_214 = tpu.memref_slice %arg5[%add3A_20, %dma_start3A_213] : memref<10000x64xi32, #tpu.memory_space<hbm>> -> memref<125x64xi32, #tpu.memory_space<hbm>>
      %dma_start3A_215 = arith.constant 0 : i32
      %dma_start3A_216 = tpu.memref_slice %arg5[%add3A_20, %dma_start3A_215] : memref<10000x64xi32, #tpu.memory_space<hbm>> -> memref<125x64xi32, #tpu.memory_space<hbm>>
      tpu.enqueue_dma source(%dma_start3A_216 : memref<125x64xi32, #tpu.memory_space<hbm>>) target(%arg15 : memref<125x64xi32, #tpu.memory_space<vmem>>) target_semaphore(%run_scoped3A : memref<!tpu.dma_semaphore, #tpu.memory_space<semaphore_mem>>)
      %dma_wait3A_217 = arith.constant 0 : i32
      %dma_wait3A_218 = tpu.memref_slice %arg5[%add3A_20, %dma_wait3A_217] : memref<10000x64xi32, #tpu.memory_space<hbm>> -> memref<125x64xi32, #tpu.memory_space<hbm>>
      %dma_wait3A_219 = arith.constant 0 : i32
      %dma_wait3A_220 = tpu.memref_slice %arg5[%add3A_20, %dma_wait3A_219] : memref<10000x64xi32, #tpu.memory_space<hbm>> -> memref<125x64xi32, #tpu.memory_space<hbm>>
      tpu.wait_dma2 semaphore(%run_scoped3A : memref<!tpu.dma_semaphore, #tpu.memory_space<semaphore_mem>>) src(%dma_wait3A_220 : memref<125x64xi32, #tpu.memory_space<hbm>>) dst(%arg15 : memref<125x64xi32, #tpu.memory_space<vmem>>)
      tpu.yield
    }) : () -> ()
    %parallel_loop3A_21 = arith.constant 0 : i32
    %parallel_loop3A_22 = arith.constant 125 : i32
    %parallel_loop3A_23 = arith.constant 1 : i32
    scf.for %parallel_loop3A_213 = %parallel_loop3A_21 to %parallel_loop3A_22 step %parallel_loop3A_23  : i32 {
      %parallel_loop3A_214 = arith.index_cast %parallel_loop3A_213 : i32 to index
      %parallel_loop3A_215 = arith.constant 0 : index
      %parallel_loop3A_216 = tpu.vector_load %arg15[%parallel_loop3A_214, %parallel_loop3A_215] {strides = array<i32>} : memref<125x64xi32, #tpu.memory_space<vmem>>, vector<16xi32>,
      %parallel_loop3A_217 = vector.bitcast %parallel_loop3A_216 : vector<16xi32> to vector<32xbf16>
      %parallel_loop3A_218 = arith.mulf %parallel_loop3A_217, %bitcast3A : vector<32xbf16>
      %parallel_loop3A_219 = vector.bitcast %parallel_loop3A_218 : vector<32xbf16> to vector<16xi32>
      %parallel_loop3A_220 = arith.index_cast %parallel_loop3A_213 : i32 to index
      %parallel_loop3A_221 = arith.constant 0 : index
      %parallel_loop3A_222 = tpu.vector_load %arg15[%parallel_loop3A_220, %parallel_loop3A_221] {strides = array<i32>} : memref<125x64xi32, #tpu.memory_space<vmem>>, vector<16xi32>,
      tpu.vector_store %arg15[%parallel_loop3A_220, %parallel_loop3A_221], %parallel_loop3A_219 {strides = array<i32>} : memref<125x64xi32, #tpu.memory_space<vmem>>, vector<16xi32>,
      %parallel_loop3A_223 = arith.index_cast %parallel_loop3A_213 : i32 to index
      %parallel_loop3A_224 = arith.constant 16 : index
      %parallel_loop3A_225 = tpu.vector_load %arg15[%parallel_loop3A_223, %parallel_loop3A_224] {strides = array<i32>} : memref<125x64xi32, #tpu.memory_space<vmem>>, vector<16xi32>,
      %parallel_loop3A_226 = vector.bitcast %parallel_loop3A_225 : vector<16xi32> to vector<32xbf16>
      %parallel_loop3A_227 = arith.mulf %parallel_loop3A_226, %bitcast3A_8 : vector<32xbf16>
      %parallel_loop3A_228 = vector.bitcast %parallel_loop3A_227 : vector<32xbf16> to vector<16xi32>
      %parallel_loop3A_229 = arith.index_cast %parallel_loop3A_213 : i32 to index
      %parallel_loop3A_230 = arith.constant 16 : index
      %parallel_loop3A_231 = tpu.vector_load %arg15[%parallel_loop3A_229, %parallel_loop3A_230] {strides = array<i32>} : memref<125x64xi32, #tpu.memory_space<vmem>>, vector<16xi32>,
      tpu.vector_store %arg15[%parallel_loop3A_229, %parallel_loop3A_230], %parallel_loop3A_228 {strides = array<i32>} : memref<125x64xi32, #tpu.memory_space<vmem>>, vector<16xi32>,
      %parallel_loop3A_232 = arith.index_cast %parallel_loop3A_213 : i32 to index
      %parallel_loop3A_233 = arith.constant 32 : index
      %parallel_loop3A_234 = tpu.vector_load %arg15[%parallel_loop3A_232, %parallel_loop3A_233] {strides = array<i32>} : memref<125x64xi32, #tpu.memory_space<vmem>>, vector<16xi32>,
      %parallel_loop3A_235 = vector.bitcast %parallel_loop3A_234 : vector<16xi32> to vector<32xbf16>
      %parallel_loop3A_236 = arith.mulf %parallel_loop3A_235, %bitcast3A_11 : vector<32xbf16>
      %parallel_loop3A_237 = vector.bitcast %parallel_loop3A_236 : vector<32xbf16> to vector<16xi32>
      %parallel_loop3A_238 = arith.index_cast %parallel_loop3A_213 : i32 to index
      %parallel_loop3A_239 = arith.constant 32 : index
      %parallel_loop3A_240 = tpu.vector_load %arg15[%parallel_loop3A_238, %parallel_loop3A_239] {strides = array<i32>} : memref<125x64xi32, #tpu.memory_space<vmem>>, vector<16xi32>,
      tpu.vector_store %arg15[%parallel_loop3A_238, %parallel_loop3A_239], %parallel_loop3A_237 {strides = array<i32>} : memref<125x64xi32, #tpu.memory_space<vmem>>, vector<16xi32>,
      %parallel_loop3A_241 = arith.index_cast %parallel_loop3A_213 : i32 to index
      %parallel_loop3A_242 = arith.constant 48 : index
      %parallel_loop3A_243 = tpu.vector_load %arg15[%parallel_loop3A_241, %parallel_loop3A_242] {strides = array<i32>} : memref<125x64xi32, #tpu.memory_space<vmem>>, vector<16xi32>,
      %parallel_loop3A_244 = vector.bitcast %parallel_loop3A_243 : vector<16xi32> to vector<32xbf16>
      %parallel_loop3A_245 = arith.mulf %parallel_loop3A_244, %bitcast3A_14 : vector<32xbf16>
      %parallel_loop3A_246 = vector.bitcast %parallel_loop3A_245 : vector<32xbf16> to vector<16xi32>
      %parallel_loop3A_247 = arith.index_cast %parallel_loop3A_213 : i32 to index
      %parallel_loop3A_248 = arith.constant 48 : index
      %parallel_loop3A_249 = tpu.vector_load %arg15[%parallel_loop3A_247, %parallel_loop3A_248] {strides = array<i32>} : memref<125x64xi32, #tpu.memory_space<vmem>>, vector<16xi32>,
      tpu.vector_store %arg15[%parallel_loop3A_247, %parallel_loop3A_248], %parallel_loop3A_246 {strides = array<i32>} : memref<125x64xi32, #tpu.memory_space<vmem>>, vector<16xi32>,
    } {sc.loop_unroll_factor = 4 : i64, sc.parallel_access}
    "tpu.region"() ({
      %run_scoped3A = tpu.sem_alloc : memref<!tpu.dma_semaphore, #tpu.memory_space<semaphore_mem>>
      %dma_start3A_213 = arith.constant 0 : i32
      %dma_start3A_214 = tpu.memref_slice %arg17[%add3A_20, %dma_start3A_213] : memref<10000x64xi32, #tpu.memory_space<vmem_shared>> -> memref<125x64xi32, #tpu.memory_space<vmem_shared>>
      %dma_start3A_215 = arith.constant 0 : i32
      %dma_start3A_216 = tpu.memref_slice %arg17[%add3A_20, %dma_start3A_215] : memref<10000x64xi32, #tpu.memory_space<vmem_shared>> -> memref<125x64xi32, #tpu.memory_space<vmem_shared>>
      tpu.enqueue_dma source(%arg15 : memref<125x64xi32, #tpu.memory_space<vmem>>) target(%dma_start3A_216 : memref<125x64xi32, #tpu.memory_space<vmem_shared>>) target_semaphore(%run_scoped3A : memref<!tpu.dma_semaphore, #tpu.memory_space<semaphore_mem>>)
      %dma_wait3A_217 = arith.constant 0 : i32
      %dma_wait3A_218 = tpu.memref_slice %arg17[%add3A_20, %dma_wait3A_217] : memref<10000x64xi32, #tpu.memory_space<vmem_shared>> -> memref<125x64xi32, #tpu.memory_space<vmem_shared>>
      %dma_wait3A_219 = arith.constant 0 : i32
      %dma_wait3A_220 = tpu.memref_slice %arg17[%add3A_20, %dma_wait3A_219] : memref<10000x64xi32, #tpu.memory_space<vmem_shared>> -> memref<125x64xi32, #tpu.memory_space<vmem_shared>>
      tpu.wait_dma2 semaphore(%run_scoped3A : memref<!tpu.dma_semaphore, #tpu.memory_space<semaphore_mem>>) src(%arg15 : memref<125x64xi32, #tpu.memory_space<vmem>>) dst(%dma_wait3A_220 : memref<125x64xi32, #tpu.memory_space<vmem_shared>>)
      tpu.yield
    }) : () -> ()
    %add3A_24 = arith.constant 250 : i32
    %add3A_25 = arith.addi %mul3A_4, %add3A_24 : i32
    "tpu.region"() ({
      %run_scoped3A = tpu.sem_alloc : memref<!tpu.dma_semaphore, #tpu.memory_space<semaphore_mem>>
      %dma_start3A_213 = arith.constant 0 : i32
      %dma_start3A_214 = tpu.memref_slice %arg5[%add3A_25, %dma_start3A_213] : memref<10000x64xi32, #tpu.memory_space<hbm>> -> memref<125x64xi32, #tpu.memory_space<hbm>>
      %dma_start3A_215 = arith.constant 0 : i32
      %dma_start3A_216 = tpu.memref_slice %arg5[%add3A_25, %dma_start3A_215] : memref<10000x64xi32, #tpu.memory_space<hbm>> -> memref<125x64xi32, #tpu.memory_space<hbm>>
      tpu.enqueue_dma source(%dma_start3A_216 : memref<125x64xi32, #tpu.memory_space<hbm>>) target(%arg15 : memref<125x64xi32, #tpu.memory_space<vmem>>) target_semaphore(%run_scoped3A : memref<!tpu.dma_semaphore, #tpu.memory_space<semaphore_mem>>)
      %dma_wait3A_217 = arith.constant 0 : i32
      %dma_wait3A_218 = tpu.memref_slice %arg5[%add3A_25, %dma_wait3A_217] : memref<10000x64xi32, #tpu.memory_space<hbm>> -> memref<125x64xi32, #tpu.memory_space<hbm>>
      %dma_wait3A_219 = arith.constant 0 : i32
      %dma_wait3A_220 = tpu.memref_slice %arg5[%add3A_25, %dma_wait3A_219] : memref<10000x64xi32, #tpu.memory_space<hbm>> -> memref<125x64xi32, #tpu.memory_space<hbm>>
      tpu.wait_dma2 semaphore(%run_scoped3A : memref<!tpu.dma_semaphore, #tpu.memory_space<semaphore_mem>>) src(%dma_wait3A_220 : memref<125x64xi32, #tpu.memory_space<hbm>>) dst(%arg15 : memref<125x64xi32, #tpu.memory_space<vmem>>)
      tpu.yield
    }) : () -> ()
    %parallel_loop3A_26 = arith.constant 0 : i32
    %parallel_loop3A_27 = arith.constant 125 : i32
    %parallel_loop3A_28 = arith.constant 1 : i32
    scf.for %parallel_loop3A_213 = %parallel_loop3A_26 to %parallel_loop3A_27 step %parallel_loop3A_28  : i32 {
      %parallel_loop3A_214 = arith.index_cast %parallel_loop3A_213 : i32 to index
      %parallel_loop3A_215 = arith.constant 0 : index
      %parallel_loop3A_216 = tpu.vector_load %arg15[%parallel_loop3A_214, %parallel_loop3A_215] {strides = array<i32>} : memref<125x64xi32, #tpu.memory_space<vmem>>, vector<16xi32>,
      %parallel_loop3A_217 = vector.bitcast %parallel_loop3A_216 : vector<16xi32> to vector<32xbf16>
      %parallel_loop3A_218 = arith.mulf %parallel_loop3A_217, %bitcast3A : vector<32xbf16>
      %parallel_loop3A_219 = vector.bitcast %parallel_loop3A_218 : vector<32xbf16> to vector<16xi32>
      %parallel_loop3A_220 = arith.index_cast %parallel_loop3A_213 : i32 to index
      %parallel_loop3A_221 = arith.constant 0 : index
      %parallel_loop3A_222 = tpu.vector_load %arg15[%parallel_loop3A_220, %parallel_loop3A_221] {strides = array<i32>} : memref<125x64xi32, #tpu.memory_space<vmem>>, vector<16xi32>,
      tpu.vector_store %arg15[%parallel_loop3A_220, %parallel_loop3A_221], %parallel_loop3A_219 {strides = array<i32>} : memref<125x64xi32, #tpu.memory_space<vmem>>, vector<16xi32>,
      %parallel_loop3A_223 = arith.index_cast %parallel_loop3A_213 : i32 to index
      %parallel_loop3A_224 = arith.constant 16 : index
      %parallel_loop3A_225 = tpu.vector_load %arg15[%parallel_loop3A_223, %parallel_loop3A_224] {strides = array<i32>} : memref<125x64xi32, #tpu.memory_space<vmem>>, vector<16xi32>,
      %parallel_loop3A_226 = vector.bitcast %parallel_loop3A_225 : vector<16xi32> to vector<32xbf16>
      %parallel_loop3A_227 = arith.mulf %parallel_loop3A_226, %bitcast3A_8 : vector<32xbf16>
      %parallel_loop3A_228 = vector.bitcast %parallel_loop3A_227 : vector<32xbf16> to vector<16xi32>
      %parallel_loop3A_229 = arith.index_cast %parallel_loop3A_213 : i32 to index
      %parallel_loop3A_230 = arith.constant 16 : index
      %parallel_loop3A_231 = tpu.vector_load %arg15[%parallel_loop3A_229, %parallel_loop3A_230] {strides = array<i32>} : memref<125x64xi32, #tpu.memory_space<vmem>>, vector<16xi32>,
      tpu.vector_store %arg15[%parallel_loop3A_229, %parallel_loop3A_230], %parallel_loop3A_228 {strides = array<i32>} : memref<125x64xi32, #tpu.memory_space<vmem>>, vector<16xi32>,
      %parallel_loop3A_232 = arith.index_cast %parallel_loop3A_213 : i32 to index
      %parallel_loop3A_233 = arith.constant 32 : index
      %parallel_loop3A_234 = tpu.vector_load %arg15[%parallel_loop3A_232, %parallel_loop3A_233] {strides = array<i32>} : memref<125x64xi32, #tpu.memory_space<vmem>>, vector<16xi32>,
      %parallel_loop3A_235 = vector.bitcast %parallel_loop3A_234 : vector<16xi32> to vector<32xbf16>
      %parallel_loop3A_236 = arith.mulf %parallel_loop3A_235, %bitcast3A_11 : vector<32xbf16>
      %parallel_loop3A_237 = vector.bitcast %parallel_loop3A_236 : vector<32xbf16> to vector<16xi32>
      %parallel_loop3A_238 = arith.index_cast %parallel_loop3A_213 : i32 to index
      %parallel_loop3A_239 = arith.constant 32 : index
      %parallel_loop3A_240 = tpu.vector_load %arg15[%parallel_loop3A_238, %parallel_loop3A_239] {strides = array<i32>} : memref<125x64xi32, #tpu.memory_space<vmem>>, vector<16xi32>,
      tpu.vector_store %arg15[%parallel_loop3A_238, %parallel_loop3A_239], %parallel_loop3A_237 {strides = array<i32>} : memref<125x64xi32, #tpu.memory_space<vmem>>, vector<16xi32>,
      %parallel_loop3A_241 = arith.index_cast %parallel_loop3A_213 : i32 to index
      %parallel_loop3A_242 = arith.constant 48 : index
      %parallel_loop3A_243 = tpu.vector_load %arg15[%parallel_loop3A_241, %parallel_loop3A_242] {strides = array<i32>} : memref<125x64xi32, #tpu.memory_space<vmem>>, vector<16xi32>,
      %parallel_loop3A_244 = vector.bitcast %parallel_loop3A_243 : vector<16xi32> to vector<32xbf16>
      %parallel_loop3A_245 = arith.mulf %parallel_loop3A_244, %bitcast3A_14 : vector<32xbf16>
      %parallel_loop3A_246 = vector.bitcast %parallel_loop3A_245 : vector<32xbf16> to vector<16xi32>
      %parallel_loop3A_247 = arith.index_cast %parallel_loop3A_213 : i32 to index
      %parallel_loop3A_248 = arith.constant 48 : index
      %parallel_loop3A_249 = tpu.vector_load %arg15[%parallel_loop3A_247, %parallel_loop3A_248] {strides = array<i32>} : memref<125x64xi32, #tpu.memory_space<vmem>>, vector<16xi32>,
      tpu.vector_store %arg15[%parallel_loop3A_247, %parallel_loop3A_248], %parallel_loop3A_246 {strides = array<i32>} : memref<125x64xi32, #tpu.memory_space<vmem>>, vector<16xi32>,
    } {sc.loop_unroll_factor = 4 : i64, sc.parallel_access}
    "tpu.region"() ({
      %run_scoped3A = tpu.sem_alloc : memref<!tpu.dma_semaphore, #tpu.memory_space<semaphore_mem>>
      %dma_start3A_213 = arith.constant 0 : i32
      %dma_start3A_214 = tpu.memref_slice %arg17[%add3A_25, %dma_start3A_213] : memref<10000x64xi32, #tpu.memory_space<vmem_shared>> -> memref<125x64xi32, #tpu.memory_space<vmem_shared>>
      %dma_start3A_215 = arith.constant 0 : i32
      %dma_start3A_216 = tpu.memref_slice %arg17[%add3A_25, %dma_start3A_215] : memref<10000x64xi32, #tpu.memory_space<vmem_shared>> -> memref<125x64xi32, #tpu.memory_space<vmem_shared>>
      tpu.enqueue_dma source(%arg15 : memref<125x64xi32, #tpu.memory_space<vmem>>) target(%dma_start3A_216 : memref<125x64xi32, #tpu.memory_space<vmem_shared>>) target_semaphore(%run_scoped3A : memref<!tpu.dma_semaphore, #tpu.memory_space<semaphore_mem>>)
      %dma_wait3A_217 = arith.constant 0 : i32
      %dma_wait3A_218 = tpu.memref_slice %arg17[%add3A_25, %dma_wait3A_217] : memref<10000x64xi32, #tpu.memory_space<vmem_shared>> -> memref<125x64xi32, #tpu.memory_space<vmem_shared>>
      %dma_wait3A_219 = arith.constant 0 : i32
      %dma_wait3A_220 = tpu.memref_slice %arg17[%add3A_25, %dma_wait3A_219] : memref<10000x64xi32, #tpu.memory_space<vmem_shared>> -> memref<125x64xi32, #tpu.memory_space<vmem_shared>>
      tpu.wait_dma2 semaphore(%run_scoped3A : memref<!tpu.dma_semaphore, #tpu.memory_space<semaphore_mem>>) src(%arg15 : memref<125x64xi32, #tpu.memory_space<vmem>>) dst(%dma_wait3A_220 : memref<125x64xi32, #tpu.memory_space<vmem_shared>>)
      tpu.yield
    }) : () -> ()
    %add3A_29 = arith.constant 375 : i32
    %add3A_30 = arith.addi %mul3A_4, %add3A_29 : i32
    "tpu.region"() ({
      %run_scoped3A = tpu.sem_alloc : memref<!tpu.dma_semaphore, #tpu.memory_space<semaphore_mem>>
      %dma_start3A_213 = arith.constant 0 : i32
      %dma_start3A_214 = tpu.memref_slice %arg5[%add3A_30, %dma_start3A_213] : memref<10000x64xi32, #tpu.memory_space<hbm>> -> memref<125x64xi32, #tpu.memory_space<hbm>>
      %dma_start3A_215 = arith.constant 0 : i32
      %dma_start3A_216 = tpu.memref_slice %arg5[%add3A_30, %dma_start3A_215] : memref<10000x64xi32, #tpu.memory_space<hbm>> -> memref<125x64xi32, #tpu.memory_space<hbm>>
      tpu.enqueue_dma source(%dma_start3A_216 : memref<125x64xi32, #tpu.memory_space<hbm>>) target(%arg15 : memref<125x64xi32, #tpu.memory_space<vmem>>) target_semaphore(%run_scoped3A : memref<!tpu.dma_semaphore, #tpu.memory_space<semaphore_mem>>)
      %dma_wait3A_217 = arith.constant 0 : i32
      %dma_wait3A_218 = tpu.memref_slice %arg5[%add3A_30, %dma_wait3A_217] : memref<10000x64xi32, #tpu.memory_space<hbm>> -> memref<125x64xi32, #tpu.memory_space<hbm>>
      %dma_wait3A_219 = arith.constant 0 : i32
      %dma_wait3A_220 = tpu.memref_slice %arg5[%add3A_30, %dma_wait3A_219] : memref<10000x64xi32, #tpu.memory_space<hbm>> -> memref<125x64xi32, #tpu.memory_space<hbm>>
      tpu.wait_dma2 semaphore(%run_scoped3A : memref<!tpu.dma_semaphore, #tpu.memory_space<semaphore_mem>>) src(%dma_wait3A_220 : memref<125x64xi32, #tpu.memory_space<hbm>>) dst(%arg15 : memref<125x64xi32, #tpu.memory_space<vmem>>)
      tpu.yield
    }) : () -> ()
    %parallel_loop3A_31 = arith.constant 0 : i32
    %parallel_loop3A_32 = arith.constant 125 : i32
    %parallel_loop3A_33 = arith.constant 1 : i32
    scf.for %parallel_loop3A_213 = %parallel_loop3A_31 to %parallel_loop3A_32 step %parallel_loop3A_33  : i32 {
      %parallel_loop3A_214 = arith.index_cast %parallel_loop3A_213 : i32 to index
      %parallel_loop3A_215 = arith.constant 0 : index
      %parallel_loop3A_216 = tpu.vector_load %arg15[%parallel_loop3A_214, %parallel_loop3A_215] {strides = array<i32>} : memref<125x64xi32, #tpu.memory_space<vmem>>, vector<16xi32>,
      %parallel_loop3A_217 = vector.bitcast %parallel_loop3A_216 : vector<16xi32> to vector<32xbf16>
      %parallel_loop3A_218 = arith.mulf %parallel_loop3A_217, %bitcast3A : vector<32xbf16>
      %parallel_loop3A_219 = vector.bitcast %parallel_loop3A_218 : vector<32xbf16> to vector<16xi32>
      %parallel_loop3A_220 = arith.index_cast %parallel_loop3A_213 : i32 to index
      %parallel_loop3A_221 = arith.constant 0 : index
      %parallel_loop3A_222 = tpu.vector_load %arg15[%parallel_loop3A_220, %parallel_loop3A_221] {strides = array<i32>} : memref<125x64xi32, #tpu.memory_space<vmem>>, vector<16xi32>,
      tpu.vector_store %arg15[%parallel_loop3A_220, %parallel_loop3A_221], %parallel_loop3A_219 {strides = array<i32>} : memref<125x64xi32, #tpu.memory_space<vmem>>, vector<16xi32>,
      %parallel_loop3A_223 = arith.index_cast %parallel_loop3A_213 : i32 to index
      %parallel_loop3A_224 = arith.constant 16 : index
      %parallel_loop3A_225 = tpu.vector_load %arg15[%parallel_loop3A_223, %parallel_loop3A_224] {strides = array<i32>} : memref<125x64xi32, #tpu.memory_space<vmem>>, vector<16xi32>,
      %parallel_loop3A_226 = vector.bitcast %parallel_loop3A_225 : vector<16xi32> to vector<32xbf16>
      %parallel_loop3A_227 = arith.mulf %parallel_loop3A_226, %bitcast3A_8 : vector<32xbf16>
      %parallel_loop3A_228 = vector.bitcast %parallel_loop3A_227 : vector<32xbf16> to vector<16xi32>
      %parallel_loop3A_229 = arith.index_cast %parallel_loop3A_213 : i32 to index
      %parallel_loop3A_230 = arith.constant 16 : index
      %parallel_loop3A_231 = tpu.vector_load %arg15[%parallel_loop3A_229, %parallel_loop3A_230] {strides = array<i32>} : memref<125x64xi32, #tpu.memory_space<vmem>>, vector<16xi32>,
      tpu.vector_store %arg15[%parallel_loop3A_229, %parallel_loop3A_230], %parallel_loop3A_228 {strides = array<i32>} : memref<125x64xi32, #tpu.memory_space<vmem>>, vector<16xi32>,
      %parallel_loop3A_232 = arith.index_cast %parallel_loop3A_213 : i32 to index
      %parallel_loop3A_233 = arith.constant 32 : index
      %parallel_loop3A_234 = tpu.vector_load %arg15[%parallel_loop3A_232, %parallel_loop3A_233] {strides = array<i32>} : memref<125x64xi32, #tpu.memory_space<vmem>>, vector<16xi32>,
      %parallel_loop3A_235 = vector.bitcast %parallel_loop3A_234 : vector<16xi32> to vector<32xbf16>
      %parallel_loop3A_236 = arith.mulf %parallel_loop3A_235, %bitcast3A_11 : vector<32xbf16>
      %parallel_loop3A_237 = vector.bitcast %parallel_loop3A_236 : vector<32xbf16> to vector<16xi32>
      %parallel_loop3A_238 = arith.index_cast %parallel_loop3A_213 : i32 to index
      %parallel_loop3A_239 = arith.constant 32 : index
      %parallel_loop3A_240 = tpu.vector_load %arg15[%parallel_loop3A_238, %parallel_loop3A_239] {strides = array<i32>} : memref<125x64xi32, #tpu.memory_space<vmem>>, vector<16xi32>,
      tpu.vector_store %arg15[%parallel_loop3A_238, %parallel_loop3A_239], %parallel_loop3A_237 {strides = array<i32>} : memref<125x64xi32, #tpu.memory_space<vmem>>, vector<16xi32>,
      %parallel_loop3A_241 = arith.index_cast %parallel_loop3A_213 : i32 to index
      %parallel_loop3A_242 = arith.constant 48 : index
      %parallel_loop3A_243 = tpu.vector_load %arg15[%parallel_loop3A_241, %parallel_loop3A_242] {strides = array<i32>} : memref<125x64xi32, #tpu.memory_space<vmem>>, vector<16xi32>,
      %parallel_loop3A_244 = vector.bitcast %parallel_loop3A_243 : vector<16xi32> to vector<32xbf16>
      %parallel_loop3A_245 = arith.mulf %parallel_loop3A_244, %bitcast3A_14 : vector<32xbf16>
      %parallel_loop3A_246 = vector.bitcast %parallel_loop3A_245 : vector<32xbf16> to vector<16xi32>
      %parallel_loop3A_247 = arith.index_cast %parallel_loop3A_213 : i32 to index
      %parallel_loop3A_248 = arith.constant 48 : index
      %parallel_loop3A_249 = tpu.vector_load %arg15[%parallel_loop3A_247, %parallel_loop3A_248] {strides = array<i32>} : memref<125x64xi32, #tpu.memory_space<vmem>>, vector<16xi32>,
      tpu.vector_store %arg15[%parallel_loop3A_247, %parallel_loop3A_248], %parallel_loop3A_246 {strides = array<i32>} : memref<125x64xi32, #tpu.memory_space<vmem>>, vector<16xi32>,
    } {sc.loop_unroll_factor = 4 : i64, sc.parallel_access}
    "tpu.region"() ({
      %run_scoped3A = tpu.sem_alloc : memref<!tpu.dma_semaphore, #tpu.memory_space<semaphore_mem>>
      %dma_start3A_213 = arith.constant 0 : i32
      %dma_start3A_214 = tpu.memref_slice %arg17[%add3A_30, %dma_start3A_213] : memref<10000x64xi32, #tpu.memory_space<vmem_shared>> -> memref<125x64xi32, #tpu.memory_space<vmem_shared>>
      %dma_start3A_215 = arith.constant 0 : i32
      %dma_start3A_216 = tpu.memref_slice %arg17[%add3A_30, %dma_start3A_215] : memref<10000x64xi32, #tpu.memory_space<vmem_shared>> -> memref<125x64xi32, #tpu.memory_space<vmem_shared>>
      tpu.enqueue_dma source(%arg15 : memref<125x64xi32, #tpu.memory_space<vmem>>) target(%dma_start3A_216 : memref<125x64xi32, #tpu.memory_space<vmem_shared>>) target_semaphore(%run_scoped3A : memref<!tpu.dma_semaphore, #tpu.memory_space<semaphore_mem>>)
      %dma_wait3A_217 = arith.constant 0 : i32
      %dma_wait3A_218 = tpu.memref_slice %arg17[%add3A_30, %dma_wait3A_217] : memref<10000x64xi32, #tpu.memory_space<vmem_shared>> -> memref<125x64xi32, #tpu.memory_space<vmem_shared>>
      %dma_wait3A_219 = arith.constant 0 : i32
      %dma_wait3A_220 = tpu.memref_slice %arg17[%add3A_30, %dma_wait3A_219] : memref<10000x64xi32, #tpu.memory_space<vmem_shared>> -> memref<125x64xi32, #tpu.memory_space<vmem_shared>>
      tpu.wait_dma2 semaphore(%run_scoped3A : memref<!tpu.dma_semaphore, #tpu.memory_space<semaphore_mem>>) src(%arg15 : memref<125x64xi32, #tpu.memory_space<vmem>>) dst(%dma_wait3A_220 : memref<125x64xi32, #tpu.memory_space<vmem_shared>>)
      tpu.yield
    }) : () -> ()
    %add3A_34 = arith.constant 500 : i32
    %add3A_35 = arith.addi %mul3A_4, %add3A_34 : i32
    "tpu.region"() ({
      %run_scoped3A = tpu.sem_alloc : memref<!tpu.dma_semaphore, #tpu.memory_space<semaphore_mem>>
      %dma_start3A_213 = arith.constant 0 : i32
      %dma_start3A_214 = tpu.memref_slice %arg5[%add3A_35, %dma_start3A_213] : memref<10000x64xi32, #tpu.memory_space<hbm>> -> memref<125x64xi32, #tpu.memory_space<hbm>>
      %dma_start3A_215 = arith.constant 0 : i32
      %dma_start3A_216 = tpu.memref_slice %arg5[%add3A_35, %dma_start3A_215] : memref<10000x64xi32, #tpu.memory_space<hbm>> -> memref<125x64xi32, #tpu.memory_space<hbm>>
      tpu.enqueue_dma source(%dma_start3A_216 : memref<125x64xi32, #tpu.memory_space<hbm>>) target(%arg15 : memref<125x64xi32, #tpu.memory_space<vmem>>) target_semaphore(%run_scoped3A : memref<!tpu.dma_semaphore, #tpu.memory_space<semaphore_mem>>)
      %dma_wait3A_217 = arith.constant 0 : i32
      %dma_wait3A_218 = tpu.memref_slice %arg5[%add3A_35, %dma_wait3A_217] : memref<10000x64xi32, #tpu.memory_space<hbm>> -> memref<125x64xi32, #tpu.memory_space<hbm>>
      %dma_wait3A_219 = arith.constant 0 : i32
      %dma_wait3A_220 = tpu.memref_slice %arg5[%add3A_35, %dma_wait3A_219] : memref<10000x64xi32, #tpu.memory_space<hbm>> -> memref<125x64xi32, #tpu.memory_space<hbm>>
      tpu.wait_dma2 semaphore(%run_scoped3A : memref<!tpu.dma_semaphore, #tpu.memory_space<semaphore_mem>>) src(%dma_wait3A_220 : memref<125x64xi32, #tpu.memory_space<hbm>>) dst(%arg15 : memref<125x64xi32, #tpu.memory_space<vmem>>)
      tpu.yield
    }) : () -> ()
    %parallel_loop3A_36 = arith.constant 0 : i32
    %parallel_loop3A_37 = arith.constant 125 : i32
    %parallel_loop3A_38 = arith.constant 1 : i32
    scf.for %parallel_loop3A_213 = %parallel_loop3A_36 to %parallel_loop3A_37 step %parallel_loop3A_38  : i32 {
      %parallel_loop3A_214 = arith.index_cast %parallel_loop3A_213 : i32 to index
      %parallel_loop3A_215 = arith.constant 0 : index
      %parallel_loop3A_216 = tpu.vector_load %arg15[%parallel_loop3A_214, %parallel_loop3A_215] {strides = array<i32>} : memref<125x64xi32, #tpu.memory_space<vmem>>, vector<16xi32>,
      %parallel_loop3A_217 = vector.bitcast %parallel_loop3A_216 : vector<16xi32> to vector<32xbf16>
      %parallel_loop3A_218 = arith.mulf %parallel_loop3A_217, %bitcast3A : vector<32xbf16>
      %parallel_loop3A_219 = vector.bitcast %parallel_loop3A_218 : vector<32xbf16> to vector<16xi32>
      %parallel_loop3A_220 = arith.index_cast %parallel_loop3A_213 : i32 to index
      %parallel_loop3A_221 = arith.constant 0 : index
      %parallel_loop3A_222 = tpu.vector_load %arg15[%parallel_loop3A_220, %parallel_loop3A_221] {strides = array<i32>} : memref<125x64xi32, #tpu.memory_space<vmem>>, vector<16xi32>,
      tpu.vector_store %arg15[%parallel_loop3A_220, %parallel_loop3A_221], %parallel_loop3A_219 {strides = array<i32>} : memref<125x64xi32, #tpu.memory_space<vmem>>, vector<16xi32>,
      %parallel_loop3A_223 = arith.index_cast %parallel_loop3A_213 : i32 to index
      %parallel_loop3A_224 = arith.constant 16 : index
      %parallel_loop3A_225 = tpu.vector_load %arg15[%parallel_loop3A_223, %parallel_loop3A_224] {strides = array<i32>} : memref<125x64xi32, #tpu.memory_space<vmem>>, vector<16xi32>,
      %parallel_loop3A_226 = vector.bitcast %parallel_loop3A_225 : vector<16xi32> to vector<32xbf16>
      %parallel_loop3A_227 = arith.mulf %parallel_loop3A_226, %bitcast3A_8 : vector<32xbf16>
      %parallel_loop3A_228 = vector.bitcast %parallel_loop3A_227 : vector<32xbf16> to vector<16xi32>
      %parallel_loop3A_229 = arith.index_cast %parallel_loop3A_213 : i32 to index
      %parallel_loop3A_230 = arith.constant 16 : index
      %parallel_loop3A_231 = tpu.vector_load %arg15[%parallel_loop3A_229, %parallel_loop3A_230] {strides = array<i32>} : memref<125x64xi32, #tpu.memory_space<vmem>>, vector<16xi32>,
      tpu.vector_store %arg15[%parallel_loop3A_229, %parallel_loop3A_230], %parallel_loop3A_228 {strides = array<i32>} : memref<125x64xi32, #tpu.memory_space<vmem>>, vector<16xi32>,
      %parallel_loop3A_232 = arith.index_cast %parallel_loop3A_213 : i32 to index
      %parallel_loop3A_233 = arith.constant 32 : index
      %parallel_loop3A_234 = tpu.vector_load %arg15[%parallel_loop3A_232, %parallel_loop3A_233] {strides = array<i32>} : memref<125x64xi32, #tpu.memory_space<vmem>>, vector<16xi32>,
      %parallel_loop3A_235 = vector.bitcast %parallel_loop3A_234 : vector<16xi32> to vector<32xbf16>
      %parallel_loop3A_236 = arith.mulf %parallel_loop3A_235, %bitcast3A_11 : vector<32xbf16>
      %parallel_loop3A_237 = vector.bitcast %parallel_loop3A_236 : vector<32xbf16> to vector<16xi32>
      %parallel_loop3A_238 = arith.index_cast %parallel_loop3A_213 : i32 to index
      %parallel_loop3A_239 = arith.constant 32 : index
      %parallel_loop3A_240 = tpu.vector_load %arg15[%parallel_loop3A_238, %parallel_loop3A_239] {strides = array<i32>} : memref<125x64xi32, #tpu.memory_space<vmem>>, vector<16xi32>,
      tpu.vector_store %arg15[%parallel_loop3A_238, %parallel_loop3A_239], %parallel_loop3A_237 {strides = array<i32>} : memref<125x64xi32, #tpu.memory_space<vmem>>, vector<16xi32>,
      %parallel_loop3A_241 = arith.index_cast %parallel_loop3A_213 : i32 to index
      %parallel_loop3A_242 = arith.constant 48 : index
      %parallel_loop3A_243 = tpu.vector_load %arg15[%parallel_loop3A_241, %parallel_loop3A_242] {strides = array<i32>} : memref<125x64xi32, #tpu.memory_space<vmem>>, vector<16xi32>,
      %parallel_loop3A_244 = vector.bitcast %parallel_loop3A_243 : vector<16xi32> to vector<32xbf16>
      %parallel_loop3A_245 = arith.mulf %parallel_loop3A_244, %bitcast3A_14 : vector<32xbf16>
      %parallel_loop3A_246 = vector.bitcast %parallel_loop3A_245 : vector<32xbf16> to vector<16xi32>
      %parallel_loop3A_247 = arith.index_cast %parallel_loop3A_213 : i32 to index
      %parallel_loop3A_248 = arith.constant 48 : index
      %parallel_loop3A_249 = tpu.vector_load %arg15[%parallel_loop3A_247, %parallel_loop3A_248] {strides = array<i32>} : memref<125x64xi32, #tpu.memory_space<vmem>>, vector<16xi32>,
      tpu.vector_store %arg15[%parallel_loop3A_247, %parallel_loop3A_248], %parallel_loop3A_246 {strides = array<i32>} : memref<125x64xi32, #tpu.memory_space<vmem>>, vector<16xi32>,
    } {sc.loop_unroll_factor = 4 : i64, sc.parallel_access}
    "tpu.region"() ({
      %run_scoped3A = tpu.sem_alloc : memref<!tpu.dma_semaphore, #tpu.memory_space<semaphore_mem>>
      %dma_start3A_213 = arith.constant 0 : i32
      %dma_start3A_214 = tpu.memref_slice %arg17[%add3A_35, %dma_start3A_213] : memref<10000x64xi32, #tpu.memory_space<vmem_shared>> -> memref<125x64xi32, #tpu.memory_space<vmem_shared>>
      %dma_start3A_215 = arith.constant 0 : i32
      %dma_start3A_216 = tpu.memref_slice %arg17[%add3A_35, %dma_start3A_215] : memref<10000x64xi32, #tpu.memory_space<vmem_shared>> -> memref<125x64xi32, #tpu.memory_space<vmem_shared>>
      tpu.enqueue_dma source(%arg15 : memref<125x64xi32, #tpu.memory_space<vmem>>) target(%dma_start3A_216 : memref<125x64xi32, #tpu.memory_space<vmem_shared>>) target_semaphore(%run_scoped3A : memref<!tpu.dma_semaphore, #tpu.memory_space<semaphore_mem>>)
      %dma_wait3A_217 = arith.constant 0 : i32
      %dma_wait3A_218 = tpu.memref_slice %arg17[%add3A_35, %dma_wait3A_217] : memref<10000x64xi32, #tpu.memory_space<vmem_shared>> -> memref<125x64xi32, #tpu.memory_space<vmem_shared>>
      %dma_wait3A_219 = arith.constant 0 : i32
      %dma_wait3A_220 = tpu.memref_slice %arg17[%add3A_35, %dma_wait3A_219] : memref<10000x64xi32, #tpu.memory_space<vmem_shared>> -> memref<125x64xi32, #tpu.memory_space<vmem_shared>>
      tpu.wait_dma2 semaphore(%run_scoped3A : memref<!tpu.dma_semaphore, #tpu.memory_space<semaphore_mem>>) src(%arg15 : memref<125x64xi32, #tpu.memory_space<vmem>>) dst(%dma_wait3A_220 : memref<125x64xi32, #tpu.memory_space<vmem_shared>>)
      tpu.yield
    }) : () -> ()
    %barrier3A = arith.constant 0 : index
    tpu.barrier barrier_id(%barrier3A)
    %iota3A = tpu.iota {dimensions = array<i32: 0>} : vector<16xi32>
    %mul3A_39 = arith.constant 85 : i32
    %mul3A_40 = vector.broadcast %mul3A_39 : i32 to vector<16xi32>
    %mul3A_41 = arith.muli %iota3A, %mul3A_40 : vector<16xi32>
    %add3A_42 = arith.constant 0 : i32
    %add3A_43 = arith.addi %mul3A_2, %add3A_42 : i32
    %dma_start3A = arith.constant 0 : i32
    %dma_start3A_44 = arith.constant 0 : i32
    %dma_start3A_45 = arith.constant 0 : i32
    %dma_start3A_46 = tpu.memref_slice %arg8[%dma_start3A, %dma_start3A_45] : memref<2x80xi32, #tpu.memory_space<vmem>> -> memref<1x80xi32, #tpu.memory_space<vmem>>
    %dma_start3A_47 = tpu.memref_squeeze %dma_start3A_46 : memref<1x80xi32, #tpu.memory_space<vmem>> -> memref<80xi32, #tpu.memory_space<vmem>>
    %dma_start3A_48 = tpu.memref_slice %arg2[%add3A_43] : memref<640000xi32, #tpu.memory_space<hbm>> -> memref<80xi32, #tpu.memory_space<hbm>>
    %dma_start3A_49 = tpu.memref_slice %arg19[%dma_start3A_44] : memref<2x!tpu.dma_semaphore, #tpu.memory_space<semaphore_mem>> -> memref<1x!tpu.dma_semaphore, #tpu.memory_space<semaphore_mem>>
    %dma_start3A_50 = tpu.memref_squeeze %dma_start3A_49 : memref<1x!tpu.dma_semaphore, #tpu.memory_space<semaphore_mem>> -> memref<!tpu.dma_semaphore, #tpu.memory_space<semaphore_mem>>
    %dma_start3A_51 = arith.constant 0 : i32
    %dma_start3A_52 = tpu.memref_slice %arg8[%dma_start3A, %dma_start3A_51] : memref<2x80xi32, #tpu.memory_space<vmem>> -> memref<1x80xi32, #tpu.memory_space<vmem>>
    %dma_start3A_53 = tpu.memref_squeeze %dma_start3A_52 : memref<1x80xi32, #tpu.memory_space<vmem>> -> memref<80xi32, #tpu.memory_space<vmem>>
    %dma_start3A_54 = tpu.memref_slice %arg2[%add3A_43] : memref<640000xi32, #tpu.memory_space<hbm>> -> memref<80xi32, #tpu.memory_space<hbm>>
    tpu.enqueue_dma source(%dma_start3A_54 : memref<80xi32, #tpu.memory_space<hbm>>) target(%dma_start3A_53 : memref<80xi32, #tpu.memory_space<vmem>>) target_semaphore(%dma_start3A_50 : memref<!tpu.dma_semaphore, #tpu.memory_space<semaphore_mem>>)
    %dma_start3A_55 = arith.constant 0 : i32
    %dma_start3A_56 = arith.constant 0 : i32
    %dma_start3A_57 = arith.constant 0 : i32
    %dma_start3A_58 = tpu.memref_slice %arg9[%dma_start3A_55, %dma_start3A_57] : memref<2x80xi32, #tpu.memory_space<vmem>> -> memref<1x80xi32, #tpu.memory_space<vmem>>
    %dma_start3A_59 = tpu.memref_squeeze %dma_start3A_58 : memref<1x80xi32, #tpu.memory_space<vmem>> -> memref<80xi32, #tpu.memory_space<vmem>>
    %dma_start3A_60 = tpu.memref_slice %arg3[%add3A_43] : memref<640000xi32, #tpu.memory_space<hbm>> -> memref<80xi32, #tpu.memory_space<hbm>>
    %dma_start3A_61 = tpu.memref_slice %arg19[%dma_start3A_56] : memref<2x!tpu.dma_semaphore, #tpu.memory_space<semaphore_mem>> -> memref<1x!tpu.dma_semaphore, #tpu.memory_space<semaphore_mem>>
    %dma_start3A_62 = tpu.memref_squeeze %dma_start3A_61 : memref<1x!tpu.dma_semaphore, #tpu.memory_space<semaphore_mem>> -> memref<!tpu.dma_semaphore, #tpu.memory_space<semaphore_mem>>
    %dma_start3A_63 = arith.constant 0 : i32
    %dma_start3A_64 = tpu.memref_slice %arg9[%dma_start3A_55, %dma_start3A_63] : memref<2x80xi32, #tpu.memory_space<vmem>> -> memref<1x80xi32, #tpu.memory_space<vmem>>
    %dma_start3A_65 = tpu.memref_squeeze %dma_start3A_64 : memref<1x80xi32, #tpu.memory_space<vmem>> -> memref<80xi32, #tpu.memory_space<vmem>>
    %dma_start3A_66 = tpu.memref_slice %arg3[%add3A_43] : memref<640000xi32, #tpu.memory_space<hbm>> -> memref<80xi32, #tpu.memory_space<hbm>>
    tpu.enqueue_dma source(%dma_start3A_66 : memref<80xi32, #tpu.memory_space<hbm>>) target(%dma_start3A_65 : memref<80xi32, #tpu.memory_space<vmem>>) target_semaphore(%dma_start3A_62 : memref<!tpu.dma_semaphore, #tpu.memory_space<semaphore_mem>>)
    %add3A_67 = arith.constant 80 : i32
    %add3A_68 = arith.addi %mul3A_2, %add3A_67 : i32
    %dma_start3A_69 = arith.constant 1 : i32
    %dma_start3A_70 = arith.constant 1 : i32
    %dma_start3A_71 = arith.constant 0 : i32
    %dma_start3A_72 = tpu.memref_slice %arg8[%dma_start3A_69, %dma_start3A_71] : memref<2x80xi32, #tpu.memory_space<vmem>> -> memref<1x80xi32, #tpu.memory_space<vmem>>
    %dma_start3A_73 = tpu.memref_squeeze %dma_start3A_72 : memref<1x80xi32, #tpu.memory_space<vmem>> -> memref<80xi32, #tpu.memory_space<vmem>>
    %dma_start3A_74 = tpu.memref_slice %arg2[%add3A_68] : memref<640000xi32, #tpu.memory_space<hbm>> -> memref<80xi32, #tpu.memory_space<hbm>>
    %dma_start3A_75 = tpu.memref_slice %arg19[%dma_start3A_70] : memref<2x!tpu.dma_semaphore, #tpu.memory_space<semaphore_mem>> -> memref<1x!tpu.dma_semaphore, #tpu.memory_space<semaphore_mem>>
    %dma_start3A_76 = tpu.memref_squeeze %dma_start3A_75 : memref<1x!tpu.dma_semaphore, #tpu.memory_space<semaphore_mem>> -> memref<!tpu.dma_semaphore, #tpu.memory_space<semaphore_mem>>
    %dma_start3A_77 = arith.constant 0 : i32
    %dma_start3A_78 = tpu.memref_slice %arg8[%dma_start3A_69, %dma_start3A_77] : memref<2x80xi32, #tpu.memory_space<vmem>> -> memref<1x80xi32, #tpu.memory_space<vmem>>
    %dma_start3A_79 = tpu.memref_squeeze %dma_start3A_78 : memref<1x80xi32, #tpu.memory_space<vmem>> -> memref<80xi32, #tpu.memory_space<vmem>>
    %dma_start3A_80 = tpu.memref_slice %arg2[%add3A_68] : memref<640000xi32, #tpu.memory_space<hbm>> -> memref<80xi32, #tpu.memory_space<hbm>>
    tpu.enqueue_dma source(%dma_start3A_80 : memref<80xi32, #tpu.memory_space<hbm>>) target(%dma_start3A_79 : memref<80xi32, #tpu.memory_space<vmem>>) target_semaphore(%dma_start3A_76 : memref<!tpu.dma_semaphore, #tpu.memory_space<semaphore_mem>>)
    %dma_start3A_81 = arith.constant 1 : i32
    %dma_start3A_82 = arith.constant 1 : i32
    %dma_start3A_83 = arith.constant 0 : i32
    %dma_start3A_84 = tpu.memref_slice %arg9[%dma_start3A_81, %dma_start3A_83] : memref<2x80xi32, #tpu.memory_space<vmem>> -> memref<1x80xi32, #tpu.memory_space<vmem>>
    %dma_start3A_85 = tpu.memref_squeeze %dma_start3A_84 : memref<1x80xi32, #tpu.memory_space<vmem>> -> memref<80xi32, #tpu.memory_space<vmem>>
    %dma_start3A_86 = tpu.memref_slice %arg3[%add3A_68] : memref<640000xi32, #tpu.memory_space<hbm>> -> memref<80xi32, #tpu.memory_space<hbm>>
    %dma_start3A_87 = tpu.memref_slice %arg19[%dma_start3A_82] : memref<2x!tpu.dma_semaphore, #tpu.memory_space<semaphore_mem>> -> memref<1x!tpu.dma_semaphore, #tpu.memory_space<semaphore_mem>>
    %dma_start3A_88 = tpu.memref_squeeze %dma_start3A_87 : memref<1x!tpu.dma_semaphore, #tpu.memory_space<semaphore_mem>> -> memref<!tpu.dma_semaphore, #tpu.memory_space<semaphore_mem>>
    %dma_start3A_89 = arith.constant 0 : i32
    %dma_start3A_90 = tpu.memref_slice %arg9[%dma_start3A_81, %dma_start3A_89] : memref<2x80xi32, #tpu.memory_space<vmem>> -> memref<1x80xi32, #tpu.memory_space<vmem>>
    %dma_start3A_91 = tpu.memref_squeeze %dma_start3A_90 : memref<1x80xi32, #tpu.memory_space<vmem>> -> memref<80xi32, #tpu.memory_space<vmem>>
    %dma_start3A_92 = tpu.memref_slice %arg3[%add3A_68] : memref<640000xi32, #tpu.memory_space<hbm>> -> memref<80xi32, #tpu.memory_space<hbm>>
    tpu.enqueue_dma source(%dma_start3A_92 : memref<80xi32, #tpu.memory_space<hbm>>) target(%dma_start3A_91 : memref<80xi32, #tpu.memory_space<vmem>>) target_semaphore(%dma_start3A_88 : memref<!tpu.dma_semaphore, #tpu.memory_space<semaphore_mem>>)
    %dma_wait3A = arith.constant 0 : i32
    %dma_wait3A_93 = arith.constant 0 : i32
    %dma_wait3A_94 = arith.constant 0 : i32
    %dma_wait3A_95 = tpu.memref_slice %arg8[%dma_wait3A, %dma_wait3A_94] : memref<2x80xi32, #tpu.memory_space<vmem>> -> memref<1x80xi32, #tpu.memory_space<vmem>>
    %dma_wait3A_96 = tpu.memref_squeeze %dma_wait3A_95 : memref<1x80xi32, #tpu.memory_space<vmem>> -> memref<80xi32, #tpu.memory_space<vmem>>
    %dma_wait3A_97 = arith.constant 0 : i32
    %dma_wait3A_98 = tpu.memref_slice %arg2[%dma_wait3A_97] : memref<640000xi32, #tpu.memory_space<hbm>> -> memref<80xi32, #tpu.memory_space<hbm>>
    %dma_wait3A_99 = tpu.memref_slice %arg19[%dma_wait3A_93] : memref<2x!tpu.dma_semaphore, #tpu.memory_space<semaphore_mem>> -> memref<1x!tpu.dma_semaphore, #tpu.memory_space<semaphore_mem>>
    %dma_wait3A_100 = tpu.memref_squeeze %dma_wait3A_99 : memref<1x!tpu.dma_semaphore, #tpu.memory_space<semaphore_mem>> -> memref<!tpu.dma_semaphore, #tpu.memory_space<semaphore_mem>>
    %dma_wait3A_101 = arith.constant 0 : i32
    %dma_wait3A_102 = tpu.memref_slice %arg8[%dma_wait3A, %dma_wait3A_101] : memref<2x80xi32, #tpu.memory_space<vmem>> -> memref<1x80xi32, #tpu.memory_space<vmem>>
    %dma_wait3A_103 = tpu.memref_squeeze %dma_wait3A_102 : memref<1x80xi32, #tpu.memory_space<vmem>> -> memref<80xi32, #tpu.memory_space<vmem>>
    %dma_wait3A_104 = arith.constant 0 : i32
    %dma_wait3A_105 = tpu.memref_slice %arg2[%dma_wait3A_104] : memref<640000xi32, #tpu.memory_space<hbm>> -> memref<80xi32, #tpu.memory_space<hbm>>
    tpu.wait_dma2 semaphore(%dma_wait3A_100 : memref<!tpu.dma_semaphore, #tpu.memory_space<semaphore_mem>>) src(%dma_wait3A_105 : memref<80xi32, #tpu.memory_space<hbm>>) dst(%dma_wait3A_103 : memref<80xi32, #tpu.memory_space<vmem>>)
    %dma_wait3A_106 = arith.constant 0 : i32
    %dma_wait3A_107 = arith.constant 0 : i32
    %dma_wait3A_108 = arith.constant 0 : i32
    %dma_wait3A_109 = tpu.memref_slice %arg9[%dma_wait3A_106, %dma_wait3A_108] : memref<2x80xi32, #tpu.memory_space<vmem>> -> memref<1x80xi32, #tpu.memory_space<vmem>>
    %dma_wait3A_110 = tpu.memref_squeeze %dma_wait3A_109 : memref<1x80xi32, #tpu.memory_space<vmem>> -> memref<80xi32, #tpu.memory_space<vmem>>
    %dma_wait3A_111 = arith.constant 0 : i32
    %dma_wait3A_112 = tpu.memref_slice %arg2[%dma_wait3A_111] : memref<640000xi32, #tpu.memory_space<hbm>> -> memref<80xi32, #tpu.memory_space<hbm>>
    %dma_wait3A_113 = tpu.memref_slice %arg19[%dma_wait3A_107] : memref<2x!tpu.dma_semaphore, #tpu.memory_space<semaphore_mem>> -> memref<1x!tpu.dma_semaphore, #tpu.memory_space<semaphore_mem>>
    %dma_wait3A_114 = tpu.memref_squeeze %dma_wait3A_113 : memref<1x!tpu.dma_semaphore, #tpu.memory_space<semaphore_mem>> -> memref<!tpu.dma_semaphore, #tpu.memory_space<semaphore_mem>>
    %dma_wait3A_115 = arith.constant 0 : i32
    %dma_wait3A_116 = tpu.memref_slice %arg9[%dma_wait3A_106, %dma_wait3A_115] : memref<2x80xi32, #tpu.memory_space<vmem>> -> memref<1x80xi32, #tpu.memory_space<vmem>>
    %dma_wait3A_117 = tpu.memref_squeeze %dma_wait3A_116 : memref<1x80xi32, #tpu.memory_space<vmem>> -> memref<80xi32, #tpu.memory_space<vmem>>
    %dma_wait3A_118 = arith.constant 0 : i32
    %dma_wait3A_119 = tpu.memref_slice %arg2[%dma_wait3A_118] : memref<640000xi32, #tpu.memory_space<hbm>> -> memref<80xi32, #tpu.memory_space<hbm>>
    tpu.wait_dma2 semaphore(%dma_wait3A_114 : memref<!tpu.dma_semaphore, #tpu.memory_space<semaphore_mem>>) src(%dma_wait3A_119 : memref<80xi32, #tpu.memory_space<hbm>>) dst(%dma_wait3A_117 : memref<80xi32, #tpu.memory_space<vmem>>)
    %dma_start3A_120 = arith.constant 0 : i32
    %dma_start3A_121 = arith.constant 0 : i32
    %dma_start3A_122 = arith.constant 0 : i32
    %dma_start3A_123 = arith.constant 0 : i32
    %dma_start3A_124 = arith.constant 0 : i32
    %dma_start3A_125 = tpu.memref_slice %arg10[%dma_start3A_121, %dma_start3A_123, %dma_start3A_124] : memref<2x80x64xi32, #tpu.memory_space<vmem>> -> memref<1x40x64xi32, #tpu.memory_space<vmem>>
    %dma_start3A_126 = tpu.memref_squeeze %dma_start3A_125 : memref<1x40x64xi32, #tpu.memory_space<vmem>> -> memref<40x64xi32, #tpu.memory_space<vmem>>
    %dma_start3A_127 = arith.constant 0 : i32
    %dma_start3A_128 = tpu.memref_slice %arg8[%dma_start3A_120, %dma_start3A_127] : memref<2x80xi32, #tpu.memory_space<vmem>> -> memref<1x40xi32, #tpu.memory_space<vmem>>
    %dma_start3A_129 = tpu.memref_squeeze %dma_start3A_128 : memref<1x40xi32, #tpu.memory_space<vmem>> -> memref<40xi32, #tpu.memory_space<vmem>>
    %dma_start3A_130 = arith.constant 0 : i32
    %dma_start3A_131 = arith.constant 0 : i32
    %dma_start3A_132 = tpu.memref_slice %arg16[%dma_start3A_130, %dma_start3A_131] : memref<10000x64xi32, #tpu.memory_space<vmem_shared>> -> memref<10000x64xi32, #tpu.memory_space<vmem_shared>>
    %dma_start3A_133 = tpu.memref_slice %arg18[%dma_start3A_122] : memref<2x!tpu.dma_semaphore, #tpu.memory_space<semaphore_mem>> -> memref<1x!tpu.dma_semaphore, #tpu.memory_space<semaphore_mem>>
    %dma_start3A_134 = tpu.memref_squeeze %dma_start3A_133 : memref<1x!tpu.dma_semaphore, #tpu.memory_space<semaphore_mem>> -> memref<!tpu.dma_semaphore, #tpu.memory_space<semaphore_mem>>
    tpu.enqueue_indirect_dma source(%dma_start3A_132 : memref<10000x64xi32, #tpu.memory_space<vmem_shared>>) target(%dma_start3A_126 : memref<40x64xi32, #tpu.memory_space<vmem>>) offsets(%dma_start3A_129 : memref<40xi32, #tpu.memory_space<vmem>>) semaphore(%dma_start3A_134 : memref<!tpu.dma_semaphore, #tpu.memory_space<semaphore_mem>>)
    %dma_start3A_135 = arith.constant 0 : i32
    %dma_start3A_136 = arith.constant 0 : i32
    %dma_start3A_137 = arith.constant 0 : i32
    %dma_start3A_138 = arith.constant 0 : i32
    %dma_start3A_139 = arith.constant 0 : i32
    %dma_start3A_140 = tpu.memref_slice %arg11[%dma_start3A_136, %dma_start3A_138, %dma_start3A_139] : memref<2x80x64xi32, #tpu.memory_space<vmem>> -> memref<1x40x64xi32, #tpu.memory_space<vmem>>
    %dma_start3A_141 = tpu.memref_squeeze %dma_start3A_140 : memref<1x40x64xi32, #tpu.memory_space<vmem>> -> memref<40x64xi32, #tpu.memory_space<vmem>>
    %dma_start3A_142 = arith.constant 0 : i32
    %dma_start3A_143 = tpu.memref_slice %arg9[%dma_start3A_135, %dma_start3A_142] : memref<2x80xi32, #tpu.memory_space<vmem>> -> memref<1x40xi32, #tpu.memory_space<vmem>>
    %dma_start3A_144 = tpu.memref_squeeze %dma_start3A_143 : memref<1x40xi32, #tpu.memory_space<vmem>> -> memref<40xi32, #tpu.memory_space<vmem>>
    %dma_start3A_145 = arith.constant 0 : i32
    %dma_start3A_146 = arith.constant 0 : i32
    %dma_start3A_147 = tpu.memref_slice %arg17[%dma_start3A_145, %dma_start3A_146] : memref<10000x64xi32, #tpu.memory_space<vmem_shared>> -> memref<10000x64xi32, #tpu.memory_space<vmem_shared>>
    %dma_start3A_148 = tpu.memref_slice %arg18[%dma_start3A_137] : memref<2x!tpu.dma_semaphore, #tpu.memory_space<semaphore_mem>> -> memref<1x!tpu.dma_semaphore, #tpu.memory_space<semaphore_mem>>
    %dma_start3A_149 = tpu.memref_squeeze %dma_start3A_148 : memref<1x!tpu.dma_semaphore, #tpu.memory_space<semaphore_mem>> -> memref<!tpu.dma_semaphore, #tpu.memory_space<semaphore_mem>>
    tpu.enqueue_indirect_dma source(%dma_start3A_147 : memref<10000x64xi32, #tpu.memory_space<vmem_shared>>) target(%dma_start3A_141 : memref<40x64xi32, #tpu.memory_space<vmem>>) offsets(%dma_start3A_144 : memref<40xi32, #tpu.memory_space<vmem>>) semaphore(%dma_start3A_149 : memref<!tpu.dma_semaphore, #tpu.memory_space<semaphore_mem>>)
    %dma_start3A_150 = arith.constant 0 : i32
    %dma_start3A_151 = arith.constant 0 : i32
    %dma_start3A_152 = arith.constant 0 : i32
    %dma_start3A_153 = arith.constant 40 : i32
    %dma_start3A_154 = arith.constant 0 : i32
    %dma_start3A_155 = tpu.memref_slice %arg10[%dma_start3A_151, %dma_start3A_153, %dma_start3A_154] : memref<2x80x64xi32, #tpu.memory_space<vmem>> -> memref<1x40x64xi32, #tpu.memory_space<vmem>>
    %dma_start3A_156 = tpu.memref_squeeze %dma_start3A_155 : memref<1x40x64xi32, #tpu.memory_space<vmem>> -> memref<40x64xi32, #tpu.memory_space<vmem>>
    %dma_start3A_157 = arith.constant 40 : i32
    %dma_start3A_158 = tpu.memref_slice %arg8[%dma_start3A_150, %dma_start3A_157] : memref<2x80xi32, #tpu.memory_space<vmem>> -> memref<1x40xi32, #tpu.memory_space<vmem>>
    %dma_start3A_159 = tpu.memref_squeeze %dma_start3A_158 : memref<1x40xi32, #tpu.memory_space<vmem>> -> memref<40xi32, #tpu.memory_space<vmem>>
    %dma_start3A_160 = arith.constant 0 : i32
    %dma_start3A_161 = arith.constant 0 : i32
    %dma_start3A_162 = tpu.memref_slice %arg16[%dma_start3A_160, %dma_start3A_161] : memref<10000x64xi32, #tpu.memory_space<vmem_shared>> -> memref<10000x64xi32, #tpu.memory_space<vmem_shared>>
    %dma_start3A_163 = tpu.memref_slice %arg18[%dma_start3A_152] : memref<2x!tpu.dma_semaphore, #tpu.memory_space<semaphore_mem>> -> memref<1x!tpu.dma_semaphore, #tpu.memory_space<semaphore_mem>>
    %dma_start3A_164 = tpu.memref_squeeze %dma_start3A_163 : memref<1x!tpu.dma_semaphore, #tpu.memory_space<semaphore_mem>> -> memref<!tpu.dma_semaphore, #tpu.memory_space<semaphore_mem>>
    tpu.enqueue_indirect_dma source(%dma_start3A_162 : memref<10000x64xi32, #tpu.memory_space<vmem_shared>>) target(%dma_start3A_156 : memref<40x64xi32, #tpu.memory_space<vmem>>) offsets(%dma_start3A_159 : memref<40xi32, #tpu.memory_space<vmem>>) semaphore(%dma_start3A_164 : memref<!tpu.dma_semaphore, #tpu.memory_space<semaphore_mem>>)
    %dma_start3A_165 = arith.constant 0 : i32
    %dma_start3A_166 = arith.constant 0 : i32
    %dma_start3A_167 = arith.constant 0 : i32
    %dma_start3A_168 = arith.constant 40 : i32
    %dma_start3A_169 = arith.constant 0 : i32
    %dma_start3A_170 = tpu.memref_slice %arg11[%dma_start3A_166, %dma_start3A_168, %dma_start3A_169] : memref<2x80x64xi32, #tpu.memory_space<vmem>> -> memref<1x40x64xi32, #tpu.memory_space<vmem>>
    %dma_start3A_171 = tpu.memref_squeeze %dma_start3A_170 : memref<1x40x64xi32, #tpu.memory_space<vmem>> -> memref<40x64xi32, #tpu.memory_space<vmem>>
    %dma_start3A_172 = arith.constant 40 : i32
    %dma_start3A_173 = tpu.memref_slice %arg9[%dma_start3A_165, %dma_start3A_172] : memref<2x80xi32, #tpu.memory_space<vmem>> -> memref<1x40xi32, #tpu.memory_space<vmem>>
    %dma_start3A_174 = tpu.memref_squeeze %dma_start3A_173 : memref<1x40xi32, #tpu.memory_space<vmem>> -> memref<40xi32, #tpu.memory_space<vmem>>
    %dma_start3A_175 = arith.constant 0 : i32
    %dma_start3A_176 = arith.constant 0 : i32
    %dma_start3A_177 = tpu.memref_slice %arg17[%dma_start3A_175, %dma_start3A_176] : memref<10000x64xi32, #tpu.memory_space<vmem_shared>> -> memref<10000x64xi32, #tpu.memory_space<vmem_shared>>
    %dma_start3A_178 = tpu.memref_slice %arg18[%dma_start3A_167] : memref<2x!tpu.dma_semaphore, #tpu.memory_space<semaphore_mem>> -> memref<1x!tpu.dma_semaphore, #tpu.memory_space<semaphore_mem>>
    %dma_start3A_179 = tpu.memref_squeeze %dma_start3A_178 : memref<1x!tpu.dma_semaphore, #tpu.memory_space<semaphore_mem>> -> memref<!tpu.dma_semaphore, #tpu.memory_space<semaphore_mem>>
    tpu.enqueue_indirect_dma source(%dma_start3A_177 : memref<10000x64xi32, #tpu.memory_space<vmem_shared>>) target(%dma_start3A_171 : memref<40x64xi32, #tpu.memory_space<vmem>>) offsets(%dma_start3A_174 : memref<40xi32, #tpu.memory_space<vmem>>) semaphore(%dma_start3A_179 : memref<!tpu.dma_semaphore, #tpu.memory_space<semaphore_mem>>)
    %scan3A = arith.constant 0 : i32
    %scan3A_180 = arith.constant 0 : i32
    %scan3A_181 = arith.constant 125 : i32
    %scan3A_182 = arith.addi %scan3A_180, %scan3A_181 : i32
    %scan3A_183 = arith.constant 1 : i32
    scf.for %scan3A_213 = %scan3A_180 to %scan3A_182 step %scan3A_183  : i32 {
      %mul3A_214 = arith.constant 2 : i32
      %mul3A_215 = arith.muli %mul3A_214, %scan3A_213 : i32
      %add3A_216 = arith.constant 0 : i32
      %add3A_217 = arith.addi %mul3A_215, %add3A_216 : i32
      %dma_wait3A_218 = arith.constant 0 : i32
      %dma_wait3A_219 = arith.constant 0 : i32
      %dma_wait3A_220 = arith.constant 0 : i32
      %dma_wait3A_221 = arith.constant 0 : i32
      %dma_wait3A_222 = arith.constant 0 : i32
      %dma_wait3A_223 = tpu.memref_slice %arg10[%dma_wait3A_219, %dma_wait3A_221, %dma_wait3A_222] : memref<2x80x64xi32, #tpu.memory_space<vmem>> -> memref<1x40x64xi32, #tpu.memory_space<vmem>>
      %dma_wait3A_224 = tpu.memref_squeeze %dma_wait3A_223 : memref<1x40x64xi32, #tpu.memory_space<vmem>> -> memref<40x64xi32, #tpu.memory_space<vmem>>
      %dma_wait3A_225 = arith.constant 0 : i32
      %dma_wait3A_226 = tpu.memref_slice %arg8[%dma_wait3A_218, %dma_wait3A_225] : memref<2x80xi32, #tpu.memory_space<vmem>> -> memref<1x40xi32, #tpu.memory_space<vmem>>
      %dma_wait3A_227 = tpu.memref_squeeze %dma_wait3A_226 : memref<1x40xi32, #tpu.memory_space<vmem>> -> memref<40xi32, #tpu.memory_space<vmem>>
      %dma_wait3A_228 = arith.constant 0 : i32
      %dma_wait3A_229 = arith.constant 0 : i32
      %dma_wait3A_230 = tpu.memref_slice %arg16[%dma_wait3A_228, %dma_wait3A_229] : memref<10000x64xi32, #tpu.memory_space<vmem_shared>> -> memref<10000x64xi32, #tpu.memory_space<vmem_shared>>
      %dma_wait3A_231 = tpu.memref_slice %arg18[%dma_wait3A_220] : memref<2x!tpu.dma_semaphore, #tpu.memory_space<semaphore_mem>> -> memref<1x!tpu.dma_semaphore, #tpu.memory_space<semaphore_mem>>
      %dma_wait3A_232 = tpu.memref_squeeze %dma_wait3A_231 : memref<1x!tpu.dma_semaphore, #tpu.memory_space<semaphore_mem>> -> memref<!tpu.dma_semaphore, #tpu.memory_space<semaphore_mem>>
      tpu.wait_indirect_dma semaphore(%dma_wait3A_232 : memref<!tpu.dma_semaphore, #tpu.memory_space<semaphore_mem>>) src(%dma_wait3A_230 : memref<10000x64xi32, #tpu.memory_space<vmem_shared>>) dst(%dma_wait3A_224 : memref<40x64xi32, #tpu.memory_space<vmem>>)
      %dma_wait3A_233 = arith.constant 0 : i32
      %dma_wait3A_234 = arith.constant 0 : i32
      %dma_wait3A_235 = arith.constant 0 : i32
      %dma_wait3A_236 = arith.constant 0 : i32
      %dma_wait3A_237 = arith.constant 0 : i32
      %dma_wait3A_238 = tpu.memref_slice %arg11[%dma_wait3A_234, %dma_wait3A_236, %dma_wait3A_237] : memref<2x80x64xi32, #tpu.memory_space<vmem>> -> memref<1x40x64xi32, #tpu.memory_space<vmem>>
      %dma_wait3A_239 = tpu.memref_squeeze %dma_wait3A_238 : memref<1x40x64xi32, #tpu.memory_space<vmem>> -> memref<40x64xi32, #tpu.memory_space<vmem>>
      %dma_wait3A_240 = arith.constant 0 : i32
      %dma_wait3A_241 = tpu.memref_slice %arg9[%dma_wait3A_233, %dma_wait3A_240] : memref<2x80xi32, #tpu.memory_space<vmem>> -> memref<1x40xi32, #tpu.memory_space<vmem>>
      %dma_wait3A_242 = tpu.memref_squeeze %dma_wait3A_241 : memref<1x40xi32, #tpu.memory_space<vmem>> -> memref<40xi32, #tpu.memory_space<vmem>>
      %dma_wait3A_243 = arith.constant 0 : i32
      %dma_wait3A_244 = arith.constant 0 : i32
      %dma_wait3A_245 = tpu.memref_slice %arg17[%dma_wait3A_243, %dma_wait3A_244] : memref<10000x64xi32, #tpu.memory_space<vmem_shared>> -> memref<10000x64xi32, #tpu.memory_space<vmem_shared>>
      %dma_wait3A_246 = tpu.memref_slice %arg18[%dma_wait3A_235] : memref<2x!tpu.dma_semaphore, #tpu.memory_space<semaphore_mem>> -> memref<1x!tpu.dma_semaphore, #tpu.memory_space<semaphore_mem>>
      %dma_wait3A_247 = tpu.memref_squeeze %dma_wait3A_246 : memref<1x!tpu.dma_semaphore, #tpu.memory_space<semaphore_mem>> -> memref<!tpu.dma_semaphore, #tpu.memory_space<semaphore_mem>>
      tpu.wait_indirect_dma semaphore(%dma_wait3A_247 : memref<!tpu.dma_semaphore, #tpu.memory_space<semaphore_mem>>) src(%dma_wait3A_245 : memref<10000x64xi32, #tpu.memory_space<vmem_shared>>) dst(%dma_wait3A_239 : memref<40x64xi32, #tpu.memory_space<vmem>>)
      %dma_wait3A_248 = arith.constant 0 : i32
      %dma_wait3A_249 = arith.constant 0 : i32
      %dma_wait3A_250 = arith.constant 0 : i32
      %dma_wait3A_251 = arith.constant 40 : i32
      %dma_wait3A_252 = arith.constant 0 : i32
      %dma_wait3A_253 = tpu.memref_slice %arg10[%dma_wait3A_249, %dma_wait3A_251, %dma_wait3A_252] : memref<2x80x64xi32, #tpu.memory_space<vmem>> -> memref<1x40x64xi32, #tpu.memory_space<vmem>>
      %dma_wait3A_254 = tpu.memref_squeeze %dma_wait3A_253 : memref<1x40x64xi32, #tpu.memory_space<vmem>> -> memref<40x64xi32, #tpu.memory_space<vmem>>
      %dma_wait3A_255 = arith.constant 40 : i32
      %dma_wait3A_256 = tpu.memref_slice %arg8[%dma_wait3A_248, %dma_wait3A_255] : memref<2x80xi32, #tpu.memory_space<vmem>> -> memref<1x40xi32, #tpu.memory_space<vmem>>
      %dma_wait3A_257 = tpu.memref_squeeze %dma_wait3A_256 : memref<1x40xi32, #tpu.memory_space<vmem>> -> memref<40xi32, #tpu.memory_space<vmem>>
      %dma_wait3A_258 = arith.constant 0 : i32
      %dma_wait3A_259 = arith.constant 0 : i32
      %dma_wait3A_260 = tpu.memref_slice %arg16[%dma_wait3A_258, %dma_wait3A_259] : memref<10000x64xi32, #tpu.memory_space<vmem_shared>> -> memref<10000x64xi32, #tpu.memory_space<vmem_shared>>
      %dma_wait3A_261 = tpu.memref_slice %arg18[%dma_wait3A_250] : memref<2x!tpu.dma_semaphore, #tpu.memory_space<semaphore_mem>> -> memref<1x!tpu.dma_semaphore, #tpu.memory_space<semaphore_mem>>
      %dma_wait3A_262 = tpu.memref_squeeze %dma_wait3A_261 : memref<1x!tpu.dma_semaphore, #tpu.memory_space<semaphore_mem>> -> memref<!tpu.dma_semaphore, #tpu.memory_space<semaphore_mem>>
      tpu.wait_indirect_dma semaphore(%dma_wait3A_262 : memref<!tpu.dma_semaphore, #tpu.memory_space<semaphore_mem>>) src(%dma_wait3A_260 : memref<10000x64xi32, #tpu.memory_space<vmem_shared>>) dst(%dma_wait3A_254 : memref<40x64xi32, #tpu.memory_space<vmem>>)
      %dma_wait3A_263 = arith.constant 0 : i32
      %dma_wait3A_264 = arith.constant 0 : i32
      %dma_wait3A_265 = arith.constant 0 : i32
      %dma_wait3A_266 = arith.constant 40 : i32
      %dma_wait3A_267 = arith.constant 0 : i32
      %dma_wait3A_268 = tpu.memref_slice %arg11[%dma_wait3A_264, %dma_wait3A_266, %dma_wait3A_267] : memref<2x80x64xi32, #tpu.memory_space<vmem>> -> memref<1x40x64xi32, #tpu.memory_space<vmem>>
      %dma_wait3A_269 = tpu.memref_squeeze %dma_wait3A_268 : memref<1x40x64xi32, #tpu.memory_space<vmem>> -> memref<40x64xi32, #tpu.memory_space<vmem>>
      %dma_wait3A_270 = arith.constant 40 : i32
      %dma_wait3A_271 = tpu.memref_slice %arg9[%dma_wait3A_263, %dma_wait3A_270] : memref<2x80xi32, #tpu.memory_space<vmem>> -> memref<1x40xi32, #tpu.memory_space<vmem>>
      %dma_wait3A_272 = tpu.memref_squeeze %dma_wait3A_271 : memref<1x40xi32, #tpu.memory_space<vmem>> -> memref<40xi32, #tpu.memory_space<vmem>>
      %dma_wait3A_273 = arith.constant 0 : i32
      %dma_wait3A_274 = arith.constant 0 : i32
      %dma_wait3A_275 = tpu.memref_slice %arg17[%dma_wait3A_273, %dma_wait3A_274] : memref<10000x64xi32, #tpu.memory_space<vmem_shared>> -> memref<10000x64xi32, #tpu.memory_space<vmem_shared>>
      %dma_wait3A_276 = tpu.memref_slice %arg18[%dma_wait3A_265] : memref<2x!tpu.dma_semaphore, #tpu.memory_space<semaphore_mem>> -> memref<1x!tpu.dma_semaphore, #tpu.memory_space<semaphore_mem>>
      %dma_wait3A_277 = tpu.memref_squeeze %dma_wait3A_276 : memref<1x!tpu.dma_semaphore, #tpu.memory_space<semaphore_mem>> -> memref<!tpu.dma_semaphore, #tpu.memory_space<semaphore_mem>>
      tpu.wait_indirect_dma semaphore(%dma_wait3A_277 : memref<!tpu.dma_semaphore, #tpu.memory_space<semaphore_mem>>) src(%dma_wait3A_275 : memref<10000x64xi32, #tpu.memory_space<vmem_shared>>) dst(%dma_wait3A_269 : memref<40x64xi32, #tpu.memory_space<vmem>>)
      %add3A_278 = arith.constant 2 : i32
      %add3A_279 = arith.addi %add3A_217, %add3A_278 : i32
      %lt3A = arith.constant 250 : i32
      %lt3A_280 = arith.cmpi slt, %add3A_279, %lt3A : i32
      %convert_element_type3A = arith.extui %lt3A_280 : i1 to i32
      %cond3A = arith.constant 0 : i32
      %cond3A_281 = arith.cmpi ne, %convert_element_type3A, %cond3A : i32
      scf.if %cond3A_281 {
        %add3A_418 = arith.constant 2 : i32
        %add3A_419 = arith.addi %add3A_217, %add3A_418 : i32
        %mul3A_420 = arith.constant 80 : i32
        %mul3A_421 = arith.muli %add3A_419, %mul3A_420 : i32
        %add3A_422 = arith.addi %mul3A_2, %mul3A_421 : i32
        %dma_start3A_423 = arith.constant 0 : i32
        %dma_start3A_424 = arith.constant 0 : i32
        %dma_start3A_425 = arith.constant 0 : i32
        %dma_start3A_426 = tpu.memref_slice %arg8[%dma_start3A_423, %dma_start3A_425] : memref<2x80xi32, #tpu.memory_space<vmem>> -> memref<1x80xi32, #tpu.memory_space<vmem>>
        %dma_start3A_427 = tpu.memref_squeeze %dma_start3A_426 : memref<1x80xi32, #tpu.memory_space<vmem>> -> memref<80xi32, #tpu.memory_space<vmem>>
        %dma_start3A_428 = tpu.memref_slice %arg2[%add3A_422] : memref<640000xi32, #tpu.memory_space<hbm>> -> memref<80xi32, #tpu.memory_space<hbm>>
        %dma_start3A_429 = tpu.memref_slice %arg19[%dma_start3A_424] : memref<2x!tpu.dma_semaphore, #tpu.memory_space<semaphore_mem>> -> memref<1x!tpu.dma_semaphore, #tpu.memory_space<semaphore_mem>>
        %dma_start3A_430 = tpu.memref_squeeze %dma_start3A_429 : memref<1x!tpu.dma_semaphore, #tpu.memory_space<semaphore_mem>> -> memref<!tpu.dma_semaphore, #tpu.memory_space<semaphore_mem>>
        %dma_start3A_431 = arith.constant 0 : i32
        %dma_start3A_432 = tpu.memref_slice %arg8[%dma_start3A_423, %dma_start3A_431] : memref<2x80xi32, #tpu.memory_space<vmem>> -> memref<1x80xi32, #tpu.memory_space<vmem>>
        %dma_start3A_433 = tpu.memref_squeeze %dma_start3A_432 : memref<1x80xi32, #tpu.memory_space<vmem>> -> memref<80xi32, #tpu.memory_space<vmem>>
        %dma_start3A_434 = tpu.memref_slice %arg2[%add3A_422] : memref<640000xi32, #tpu.memory_space<hbm>> -> memref<80xi32, #tpu.memory_space<hbm>>
        tpu.enqueue_dma source(%dma_start3A_434 : memref<80xi32, #tpu.memory_space<hbm>>) target(%dma_start3A_433 : memref<80xi32, #tpu.memory_space<vmem>>) target_semaphore(%dma_start3A_430 : memref<!tpu.dma_semaphore, #tpu.memory_space<semaphore_mem>>)
        %dma_start3A_435 = arith.constant 0 : i32
        %dma_start3A_436 = arith.constant 0 : i32
        %dma_start3A_437 = arith.constant 0 : i32
        %dma_start3A_438 = tpu.memref_slice %arg9[%dma_start3A_435, %dma_start3A_437] : memref<2x80xi32, #tpu.memory_space<vmem>> -> memref<1x80xi32, #tpu.memory_space<vmem>>
        %dma_start3A_439 = tpu.memref_squeeze %dma_start3A_438 : memref<1x80xi32, #tpu.memory_space<vmem>> -> memref<80xi32, #tpu.memory_space<vmem>>
        %dma_start3A_440 = tpu.memref_slice %arg3[%add3A_422] : memref<640000xi32, #tpu.memory_space<hbm>> -> memref<80xi32, #tpu.memory_space<hbm>>
        %dma_start3A_441 = tpu.memref_slice %arg19[%dma_start3A_436] : memref<2x!tpu.dma_semaphore, #tpu.memory_space<semaphore_mem>> -> memref<1x!tpu.dma_semaphore, #tpu.memory_space<semaphore_mem>>
        %dma_start3A_442 = tpu.memref_squeeze %dma_start3A_441 : memref<1x!tpu.dma_semaphore, #tpu.memory_space<semaphore_mem>> -> memref<!tpu.dma_semaphore, #tpu.memory_space<semaphore_mem>>
        %dma_start3A_443 = arith.constant 0 : i32
        %dma_start3A_444 = tpu.memref_slice %arg9[%dma_start3A_435, %dma_start3A_443] : memref<2x80xi32, #tpu.memory_space<vmem>> -> memref<1x80xi32, #tpu.memory_space<vmem>>
        %dma_start3A_445 = tpu.memref_squeeze %dma_start3A_444 : memref<1x80xi32, #tpu.memory_space<vmem>> -> memref<80xi32, #tpu.memory_space<vmem>>
        %dma_start3A_446 = tpu.memref_slice %arg3[%add3A_422] : memref<640000xi32, #tpu.memory_space<hbm>> -> memref<80xi32, #tpu.memory_space<hbm>>
        tpu.enqueue_dma source(%dma_start3A_446 : memref<80xi32, #tpu.memory_space<hbm>>) target(%dma_start3A_445 : memref<80xi32, #tpu.memory_space<vmem>>) target_semaphore(%dma_start3A_442 : memref<!tpu.dma_semaphore, #tpu.memory_space<semaphore_mem>>)
      } else {
      }
      %add3A_282 = arith.constant 1 : i32
      %add3A_283 = arith.addi %add3A_217, %add3A_282 : i32
      %lt3A_284 = arith.constant 250 : i32
      %lt3A_285 = arith.cmpi slt, %add3A_283, %lt3A_284 : i32
      %convert_element_type3A_286 = arith.extui %lt3A_285 : i1 to i32
      %cond3A_287 = arith.constant 0 : i32
      %cond3A_288 = arith.cmpi ne, %convert_element_type3A_286, %cond3A_287 : i32
      scf.if %cond3A_288 {
        %dma_wait3A_418 = arith.constant 1 : i32
        %dma_wait3A_419 = arith.constant 1 : i32
        %dma_wait3A_420 = arith.constant 0 : i32
        %dma_wait3A_421 = tpu.memref_slice %arg8[%dma_wait3A_418, %dma_wait3A_420] : memref<2x80xi32, #tpu.memory_space<vmem>> -> memref<1x80xi32, #tpu.memory_space<vmem>>
        %dma_wait3A_422 = tpu.memref_squeeze %dma_wait3A_421 : memref<1x80xi32, #tpu.memory_space<vmem>> -> memref<80xi32, #tpu.memory_space<vmem>>
        %dma_wait3A_423 = arith.constant 0 : i32
        %dma_wait3A_424 = tpu.memref_slice %arg2[%dma_wait3A_423] : memref<640000xi32, #tpu.memory_space<hbm>> -> memref<80xi32, #tpu.memory_space<hbm>>
        %dma_wait3A_425 = tpu.memref_slice %arg19[%dma_wait3A_419] : memref<2x!tpu.dma_semaphore, #tpu.memory_space<semaphore_mem>> -> memref<1x!tpu.dma_semaphore, #tpu.memory_space<semaphore_mem>>
        %dma_wait3A_426 = tpu.memref_squeeze %dma_wait3A_425 : memref<1x!tpu.dma_semaphore, #tpu.memory_space<semaphore_mem>> -> memref<!tpu.dma_semaphore, #tpu.memory_space<semaphore_mem>>
        %dma_wait3A_427 = arith.constant 0 : i32
        %dma_wait3A_428 = tpu.memref_slice %arg8[%dma_wait3A_418, %dma_wait3A_427] : memref<2x80xi32, #tpu.memory_space<vmem>> -> memref<1x80xi32, #tpu.memory_space<vmem>>
        %dma_wait3A_429 = tpu.memref_squeeze %dma_wait3A_428 : memref<1x80xi32, #tpu.memory_space<vmem>> -> memref<80xi32, #tpu.memory_space<vmem>>
        %dma_wait3A_430 = arith.constant 0 : i32
        %dma_wait3A_431 = tpu.memref_slice %arg2[%dma_wait3A_430] : memref<640000xi32, #tpu.memory_space<hbm>> -> memref<80xi32, #tpu.memory_space<hbm>>
        tpu.wait_dma2 semaphore(%dma_wait3A_426 : memref<!tpu.dma_semaphore, #tpu.memory_space<semaphore_mem>>) src(%dma_wait3A_431 : memref<80xi32, #tpu.memory_space<hbm>>) dst(%dma_wait3A_429 : memref<80xi32, #tpu.memory_space<vmem>>)
        %dma_wait3A_432 = arith.constant 1 : i32
        %dma_wait3A_433 = arith.constant 1 : i32
        %dma_wait3A_434 = arith.constant 0 : i32
        %dma_wait3A_435 = tpu.memref_slice %arg9[%dma_wait3A_432, %dma_wait3A_434] : memref<2x80xi32, #tpu.memory_space<vmem>> -> memref<1x80xi32, #tpu.memory_space<vmem>>
        %dma_wait3A_436 = tpu.memref_squeeze %dma_wait3A_435 : memref<1x80xi32, #tpu.memory_space<vmem>> -> memref<80xi32, #tpu.memory_space<vmem>>
        %dma_wait3A_437 = arith.constant 0 : i32
        %dma_wait3A_438 = tpu.memref_slice %arg2[%dma_wait3A_437] : memref<640000xi32, #tpu.memory_space<hbm>> -> memref<80xi32, #tpu.memory_space<hbm>>
        %dma_wait3A_439 = tpu.memref_slice %arg19[%dma_wait3A_433] : memref<2x!tpu.dma_semaphore, #tpu.memory_space<semaphore_mem>> -> memref<1x!tpu.dma_semaphore, #tpu.memory_space<semaphore_mem>>
        %dma_wait3A_440 = tpu.memref_squeeze %dma_wait3A_439 : memref<1x!tpu.dma_semaphore, #tpu.memory_space<semaphore_mem>> -> memref<!tpu.dma_semaphore, #tpu.memory_space<semaphore_mem>>
        %dma_wait3A_441 = arith.constant 0 : i32
        %dma_wait3A_442 = tpu.memref_slice %arg9[%dma_wait3A_432, %dma_wait3A_441] : memref<2x80xi32, #tpu.memory_space<vmem>> -> memref<1x80xi32, #tpu.memory_space<vmem>>
        %dma_wait3A_443 = tpu.memref_squeeze %dma_wait3A_442 : memref<1x80xi32, #tpu.memory_space<vmem>> -> memref<80xi32, #tpu.memory_space<vmem>>
        %dma_wait3A_444 = arith.constant 0 : i32
        %dma_wait3A_445 = tpu.memref_slice %arg2[%dma_wait3A_444] : memref<640000xi32, #tpu.memory_space<hbm>> -> memref<80xi32, #tpu.memory_space<hbm>>
        tpu.wait_dma2 semaphore(%dma_wait3A_440 : memref<!tpu.dma_semaphore, #tpu.memory_space<semaphore_mem>>) src(%dma_wait3A_445 : memref<80xi32, #tpu.memory_space<hbm>>) dst(%dma_wait3A_443 : memref<80xi32, #tpu.memory_space<vmem>>)
        %dma_start3A_446 = arith.constant 1 : i32
        %dma_start3A_447 = arith.constant 1 : i32
        %dma_start3A_448 = arith.constant 1 : i32
        %dma_start3A_449 = arith.constant 0 : i32
        %dma_start3A_450 = arith.constant 0 : i32
        %dma_start3A_451 = tpu.memref_slice %arg10[%dma_start3A_447, %dma_start3A_449, %dma_start3A_450] : memref<2x80x64xi32, #tpu.memory_space<vmem>> -> memref<1x40x64xi32, #tpu.memory_space<vmem>>
        %dma_start3A_452 = tpu.memref_squeeze %dma_start3A_451 : memref<1x40x64xi32, #tpu.memory_space<vmem>> -> memref<40x64xi32, #tpu.memory_space<vmem>>
        %dma_start3A_453 = arith.constant 0 : i32
        %dma_start3A_454 = tpu.memref_slice %arg8[%dma_start3A_446, %dma_start3A_453] : memref<2x80xi32, #tpu.memory_space<vmem>> -> memref<1x40xi32, #tpu.memory_space<vmem>>
        %dma_start3A_455 = tpu.memref_squeeze %dma_start3A_454 : memref<1x40xi32, #tpu.memory_space<vmem>> -> memref<40xi32, #tpu.memory_space<vmem>>
        %dma_start3A_456 = arith.constant 0 : i32
        %dma_start3A_457 = arith.constant 0 : i32
        %dma_start3A_458 = tpu.memref_slice %arg16[%dma_start3A_456, %dma_start3A_457] : memref<10000x64xi32, #tpu.memory_space<vmem_shared>> -> memref<10000x64xi32, #tpu.memory_space<vmem_shared>>
        %dma_start3A_459 = tpu.memref_slice %arg18[%dma_start3A_448] : memref<2x!tpu.dma_semaphore, #tpu.memory_space<semaphore_mem>> -> memref<1x!tpu.dma_semaphore, #tpu.memory_space<semaphore_mem>>
        %dma_start3A_460 = tpu.memref_squeeze %dma_start3A_459 : memref<1x!tpu.dma_semaphore, #tpu.memory_space<semaphore_mem>> -> memref<!tpu.dma_semaphore, #tpu.memory_space<semaphore_mem>>
        tpu.enqueue_indirect_dma source(%dma_start3A_458 : memref<10000x64xi32, #tpu.memory_space<vmem_shared>>) target(%dma_start3A_452 : memref<40x64xi32, #tpu.memory_space<vmem>>) offsets(%dma_start3A_455 : memref<40xi32, #tpu.memory_space<vmem>>) semaphore(%dma_start3A_460 : memref<!tpu.dma_semaphore, #tpu.memory_space<semaphore_mem>>)
        %dma_start3A_461 = arith.constant 1 : i32
        %dma_start3A_462 = arith.constant 1 : i32
        %dma_start3A_463 = arith.constant 1 : i32
        %dma_start3A_464 = arith.constant 0 : i32
        %dma_start3A_465 = arith.constant 0 : i32
        %dma_start3A_466 = tpu.memref_slice %arg11[%dma_start3A_462, %dma_start3A_464, %dma_start3A_465] : memref<2x80x64xi32, #tpu.memory_space<vmem>> -> memref<1x40x64xi32, #tpu.memory_space<vmem>>
        %dma_start3A_467 = tpu.memref_squeeze %dma_start3A_466 : memref<1x40x64xi32, #tpu.memory_space<vmem>> -> memref<40x64xi32, #tpu.memory_space<vmem>>
        %dma_start3A_468 = arith.constant 0 : i32
        %dma_start3A_469 = tpu.memref_slice %arg9[%dma_start3A_461, %dma_start3A_468] : memref<2x80xi32, #tpu.memory_space<vmem>> -> memref<1x40xi32, #tpu.memory_space<vmem>>
        %dma_start3A_470 = tpu.memref_squeeze %dma_start3A_469 : memref<1x40xi32, #tpu.memory_space<vmem>> -> memref<40xi32, #tpu.memory_space<vmem>>
        %dma_start3A_471 = arith.constant 0 : i32
        %dma_start3A_472 = arith.constant 0 : i32
        %dma_start3A_473 = tpu.memref_slice %arg17[%dma_start3A_471, %dma_start3A_472] : memref<10000x64xi32, #tpu.memory_space<vmem_shared>> -> memref<10000x64xi32, #tpu.memory_space<vmem_shared>>
        %dma_start3A_474 = tpu.memref_slice %arg18[%dma_start3A_463] : memref<2x!tpu.dma_semaphore, #tpu.memory_space<semaphore_mem>> -> memref<1x!tpu.dma_semaphore, #tpu.memory_space<semaphore_mem>>
        %dma_start3A_475 = tpu.memref_squeeze %dma_start3A_474 : memref<1x!tpu.dma_semaphore, #tpu.memory_space<semaphore_mem>> -> memref<!tpu.dma_semaphore, #tpu.memory_space<semaphore_mem>>
        tpu.enqueue_indirect_dma source(%dma_start3A_473 : memref<10000x64xi32, #tpu.memory_space<vmem_shared>>) target(%dma_start3A_467 : memref<40x64xi32, #tpu.memory_space<vmem>>) offsets(%dma_start3A_470 : memref<40xi32, #tpu.memory_space<vmem>>) semaphore(%dma_start3A_475 : memref<!tpu.dma_semaphore, #tpu.memory_space<semaphore_mem>>)
        %dma_start3A_476 = arith.constant 1 : i32
        %dma_start3A_477 = arith.constant 1 : i32
        %dma_start3A_478 = arith.constant 1 : i32
        %dma_start3A_479 = arith.constant 40 : i32
        %dma_start3A_480 = arith.constant 0 : i32
        %dma_start3A_481 = tpu.memref_slice %arg10[%dma_start3A_477, %dma_start3A_479, %dma_start3A_480] : memref<2x80x64xi32, #tpu.memory_space<vmem>> -> memref<1x40x64xi32, #tpu.memory_space<vmem>>
        %dma_start3A_482 = tpu.memref_squeeze %dma_start3A_481 : memref<1x40x64xi32, #tpu.memory_space<vmem>> -> memref<40x64xi32, #tpu.memory_space<vmem>>
        %dma_start3A_483 = arith.constant 40 : i32
        %dma_start3A_484 = tpu.memref_slice %arg8[%dma_start3A_476, %dma_start3A_483] : memref<2x80xi32, #tpu.memory_space<vmem>> -> memref<1x40xi32, #tpu.memory_space<vmem>>
        %dma_start3A_485 = tpu.memref_squeeze %dma_start3A_484 : memref<1x40xi32, #tpu.memory_space<vmem>> -> memref<40xi32, #tpu.memory_space<vmem>>
        %dma_start3A_486 = arith.constant 0 : i32
        %dma_start3A_487 = arith.constant 0 : i32
        %dma_start3A_488 = tpu.memref_slice %arg16[%dma_start3A_486, %dma_start3A_487] : memref<10000x64xi32, #tpu.memory_space<vmem_shared>> -> memref<10000x64xi32, #tpu.memory_space<vmem_shared>>
        %dma_start3A_489 = tpu.memref_slice %arg18[%dma_start3A_478] : memref<2x!tpu.dma_semaphore, #tpu.memory_space<semaphore_mem>> -> memref<1x!tpu.dma_semaphore, #tpu.memory_space<semaphore_mem>>
        %dma_start3A_490 = tpu.memref_squeeze %dma_start3A_489 : memref<1x!tpu.dma_semaphore, #tpu.memory_space<semaphore_mem>> -> memref<!tpu.dma_semaphore, #tpu.memory_space<semaphore_mem>>
        tpu.enqueue_indirect_dma source(%dma_start3A_488 : memref<10000x64xi32, #tpu.memory_space<vmem_shared>>) target(%dma_start3A_482 : memref<40x64xi32, #tpu.memory_space<vmem>>) offsets(%dma_start3A_485 : memref<40xi32, #tpu.memory_space<vmem>>) semaphore(%dma_start3A_490 : memref<!tpu.dma_semaphore, #tpu.memory_space<semaphore_mem>>)
        %dma_start3A_491 = arith.constant 1 : i32
        %dma_start3A_492 = arith.constant 1 : i32
        %dma_start3A_493 = arith.constant 1 : i32
        %dma_start3A_494 = arith.constant 40 : i32
        %dma_start3A_495 = arith.constant 0 : i32
        %dma_start3A_496 = tpu.memref_slice %arg11[%dma_start3A_492, %dma_start3A_494, %dma_start3A_495] : memref<2x80x64xi32, #tpu.memory_space<vmem>> -> memref<1x40x64xi32, #tpu.memory_space<vmem>>
        %dma_start3A_497 = tpu.memref_squeeze %dma_start3A_496 : memref<1x40x64xi32, #tpu.memory_space<vmem>> -> memref<40x64xi32, #tpu.memory_space<vmem>>
        %dma_start3A_498 = arith.constant 40 : i32
        %dma_start3A_499 = tpu.memref_slice %arg9[%dma_start3A_491, %dma_start3A_498] : memref<2x80xi32, #tpu.memory_space<vmem>> -> memref<1x40xi32, #tpu.memory_space<vmem>>
        %dma_start3A_500 = tpu.memref_squeeze %dma_start3A_499 : memref<1x40xi32, #tpu.memory_space<vmem>> -> memref<40xi32, #tpu.memory_space<vmem>>
        %dma_start3A_501 = arith.constant 0 : i32
        %dma_start3A_502 = arith.constant 0 : i32
        %dma_start3A_503 = tpu.memref_slice %arg17[%dma_start3A_501, %dma_start3A_502] : memref<10000x64xi32, #tpu.memory_space<vmem_shared>> -> memref<10000x64xi32, #tpu.memory_space<vmem_shared>>
        %dma_start3A_504 = tpu.memref_slice %arg18[%dma_start3A_493] : memref<2x!tpu.dma_semaphore, #tpu.memory_space<semaphore_mem>> -> memref<1x!tpu.dma_semaphore, #tpu.memory_space<semaphore_mem>>
        %dma_start3A_505 = tpu.memref_squeeze %dma_start3A_504 : memref<1x!tpu.dma_semaphore, #tpu.memory_space<semaphore_mem>> -> memref<!tpu.dma_semaphore, #tpu.memory_space<semaphore_mem>>
        tpu.enqueue_indirect_dma source(%dma_start3A_503 : memref<10000x64xi32, #tpu.memory_space<vmem_shared>>) target(%dma_start3A_497 : memref<40x64xi32, #tpu.memory_space<vmem>>) offsets(%dma_start3A_500 : memref<40xi32, #tpu.memory_space<vmem>>) semaphore(%dma_start3A_505 : memref<!tpu.dma_semaphore, #tpu.memory_space<semaphore_mem>>)
      } else {
      }
      %ge3A = arith.constant 2 : i32
      %ge3A_289 = arith.cmpi sge, %add3A_217, %ge3A : i32
      %convert_element_type3A_290 = arith.extui %ge3A_289 : i1 to i32
      %cond3A_291 = arith.constant 0 : i32
      %cond3A_292 = arith.cmpi ne, %convert_element_type3A_290, %cond3A_291 : i32
      scf.if %cond3A_292 {
        %dma_wait3A_418 = arith.constant 0 : i32
        %dma_wait3A_419 = arith.constant 0 : i32
        %dma_wait3A_420 = arith.constant 0 : i32
        %dma_wait3A_421 = tpu.memref_slice %arg12[%dma_wait3A_418, %dma_wait3A_420] : memref<2x80xf32, #tpu.memory_space<vmem>> -> memref<1x80xf32, #tpu.memory_space<vmem>>
        %dma_wait3A_422 = tpu.memref_squeeze %dma_wait3A_421 : memref<1x80xf32, #tpu.memory_space<vmem>> -> memref<80xf32, #tpu.memory_space<vmem>>
        %dma_wait3A_423 = arith.constant 0 : i32
        %dma_wait3A_424 = tpu.memref_slice %arg7[%dma_wait3A_423] : memref<640000xf32, #tpu.memory_space<hbm>> -> memref<80xf32, #tpu.memory_space<hbm>>
        %dma_wait3A_425 = tpu.memref_slice %arg20[%dma_wait3A_419] : memref<2x!tpu.dma_semaphore, #tpu.memory_space<semaphore_mem>> -> memref<1x!tpu.dma_semaphore, #tpu.memory_space<semaphore_mem>>
        %dma_wait3A_426 = tpu.memref_squeeze %dma_wait3A_425 : memref<1x!tpu.dma_semaphore, #tpu.memory_space<semaphore_mem>> -> memref<!tpu.dma_semaphore, #tpu.memory_space<semaphore_mem>>
        %dma_wait3A_427 = arith.constant 0 : i32
        %dma_wait3A_428 = tpu.memref_slice %arg7[%dma_wait3A_427] : memref<640000xf32, #tpu.memory_space<hbm>> -> memref<80xf32, #tpu.memory_space<hbm>>
        %dma_wait3A_429 = arith.constant 0 : i32
        %dma_wait3A_430 = tpu.memref_slice %arg12[%dma_wait3A_418, %dma_wait3A_429] : memref<2x80xf32, #tpu.memory_space<vmem>> -> memref<1x80xf32, #tpu.memory_space<vmem>>
        %dma_wait3A_431 = tpu.memref_squeeze %dma_wait3A_430 : memref<1x80xf32, #tpu.memory_space<vmem>> -> memref<80xf32, #tpu.memory_space<vmem>>
        tpu.wait_dma2 semaphore(%dma_wait3A_426 : memref<!tpu.dma_semaphore, #tpu.memory_space<semaphore_mem>>) src(%dma_wait3A_431 : memref<80xf32, #tpu.memory_space<vmem>>) dst(%dma_wait3A_428 : memref<80xf32, #tpu.memory_space<hbm>>)
      } else {
      }
      %parallel_loop3A_293 = arith.constant 0 : i32
      %parallel_loop3A_294 = arith.constant 80 : i32
      %parallel_loop3A_295 = arith.constant 1 : i32
      scf.for %parallel_loop3A_418 = %parallel_loop3A_293 to %parallel_loop3A_294 step %parallel_loop3A_295  : i32 {
        %parallel_loop3A_419 = arith.constant 0 : i32
        %parallel_loop3A_420 = arith.index_cast %parallel_loop3A_419 : i32 to index
        %parallel_loop3A_421 = arith.index_cast %parallel_loop3A_418 : i32 to index
        %parallel_loop3A_422 = arith.constant 0 : index
        %parallel_loop3A_423 = tpu.vector_load %arg10[%parallel_loop3A_420, %parallel_loop3A_421, %parallel_loop3A_422] {strides = array<i32>} : memref<2x80x64xi32, #tpu.memory_space<vmem>>, vector<16xi32>,
        %parallel_loop3A_424 = vector.bitcast %parallel_loop3A_423 : vector<16xi32> to vector<32xbf16>
        %parallel_loop3A_425 = arith.constant 0 : i32
        %parallel_loop3A_426 = arith.index_cast %parallel_loop3A_425 : i32 to index
        %parallel_loop3A_427 = arith.index_cast %parallel_loop3A_418 : i32 to index
        %parallel_loop3A_428 = arith.constant 0 : index
        %parallel_loop3A_429 = tpu.vector_load %arg11[%parallel_loop3A_426, %parallel_loop3A_427, %parallel_loop3A_428] {strides = array<i32>} : memref<2x80x64xi32, #tpu.memory_space<vmem>>, vector<16xi32>,
        %parallel_loop3A_430 = vector.bitcast %parallel_loop3A_429 : vector<16xi32> to vector<32xbf16>
        %parallel_loop3A_431 = arith.mulf %parallel_loop3A_424, %parallel_loop3A_430 : vector<32xbf16>
        %parallel_loop3A_432 = tpu.unpack_subelements %parallel_loop3A_431, 0 {pack_format = #tpu.pack_format<interleaved>} : vector<32xbf16> -> vector<16xf32>
        %parallel_loop3A_433 = tpu.unpack_subelements %parallel_loop3A_431, 1 {pack_format = #tpu.pack_format<interleaved>} : vector<32xbf16> -> vector<16xf32>
        %parallel_loop3A_434 = arith.constant 0 : i32
        %parallel_loop3A_435 = arith.index_cast %parallel_loop3A_434 : i32 to index
        %parallel_loop3A_436 = arith.index_cast %parallel_loop3A_418 : i32 to index
        %parallel_loop3A_437 = arith.constant 16 : index
        %parallel_loop3A_438 = tpu.vector_load %arg10[%parallel_loop3A_435, %parallel_loop3A_436, %parallel_loop3A_437] {strides = array<i32>} : memref<2x80x64xi32, #tpu.memory_space<vmem>>, vector<16xi32>,
        %parallel_loop3A_439 = vector.bitcast %parallel_loop3A_438 : vector<16xi32> to vector<32xbf16>
        %parallel_loop3A_440 = arith.constant 0 : i32
        %parallel_loop3A_441 = arith.index_cast %parallel_loop3A_440 : i32 to index
        %parallel_loop3A_442 = arith.index_cast %parallel_loop3A_418 : i32 to index
        %parallel_loop3A_443 = arith.constant 16 : index
        %parallel_loop3A_444 = tpu.vector_load %arg11[%parallel_loop3A_441, %parallel_loop3A_442, %parallel_loop3A_443] {strides = array<i32>} : memref<2x80x64xi32, #tpu.memory_space<vmem>>, vector<16xi32>,
        %parallel_loop3A_445 = vector.bitcast %parallel_loop3A_444 : vector<16xi32> to vector<32xbf16>
        %parallel_loop3A_446 = arith.mulf %parallel_loop3A_439, %parallel_loop3A_445 : vector<32xbf16>
        %parallel_loop3A_447 = tpu.unpack_subelements %parallel_loop3A_446, 0 {pack_format = #tpu.pack_format<interleaved>} : vector<32xbf16> -> vector<16xf32>
        %parallel_loop3A_448 = tpu.unpack_subelements %parallel_loop3A_446, 1 {pack_format = #tpu.pack_format<interleaved>} : vector<32xbf16> -> vector<16xf32>
        %parallel_loop3A_449 = arith.constant 0 : i32
        %parallel_loop3A_450 = arith.index_cast %parallel_loop3A_449 : i32 to index
        %parallel_loop3A_451 = arith.index_cast %parallel_loop3A_418 : i32 to index
        %parallel_loop3A_452 = arith.constant 32 : index
        %parallel_loop3A_453 = tpu.vector_load %arg10[%parallel_loop3A_450, %parallel_loop3A_451, %parallel_loop3A_452] {strides = array<i32>} : memref<2x80x64xi32, #tpu.memory_space<vmem>>, vector<16xi32>,
        %parallel_loop3A_454 = vector.bitcast %parallel_loop3A_453 : vector<16xi32> to vector<32xbf16>
        %parallel_loop3A_455 = arith.constant 0 : i32
        %parallel_loop3A_456 = arith.index_cast %parallel_loop3A_455 : i32 to index
        %parallel_loop3A_457 = arith.index_cast %parallel_loop3A_418 : i32 to index
        %parallel_loop3A_458 = arith.constant 32 : index
        %parallel_loop3A_459 = tpu.vector_load %arg11[%parallel_loop3A_456, %parallel_loop3A_457, %parallel_loop3A_458] {strides = array<i32>} : memref<2x80x64xi32, #tpu.memory_space<vmem>>, vector<16xi32>,
        %parallel_loop3A_460 = vector.bitcast %parallel_loop3A_459 : vector<16xi32> to vector<32xbf16>
        %parallel_loop3A_461 = arith.mulf %parallel_loop3A_454, %parallel_loop3A_460 : vector<32xbf16>
        %parallel_loop3A_462 = tpu.unpack_subelements %parallel_loop3A_461, 0 {pack_format = #tpu.pack_format<interleaved>} : vector<32xbf16> -> vector<16xf32>
        %parallel_loop3A_463 = tpu.unpack_subelements %parallel_loop3A_461, 1 {pack_format = #tpu.pack_format<interleaved>} : vector<32xbf16> -> vector<16xf32>
        %parallel_loop3A_464 = arith.constant 0 : i32
        %parallel_loop3A_465 = arith.index_cast %parallel_loop3A_464 : i32 to index
        %parallel_loop3A_466 = arith.index_cast %parallel_loop3A_418 : i32 to index
        %parallel_loop3A_467 = arith.constant 48 : index
        %parallel_loop3A_468 = tpu.vector_load %arg10[%parallel_loop3A_465, %parallel_loop3A_466, %parallel_loop3A_467] {strides = array<i32>} : memref<2x80x64xi32, #tpu.memory_space<vmem>>, vector<16xi32>,
        %parallel_loop3A_469 = vector.bitcast %parallel_loop3A_468 : vector<16xi32> to vector<32xbf16>
        %parallel_loop3A_470 = arith.constant 0 : i32
        %parallel_loop3A_471 = arith.index_cast %parallel_loop3A_470 : i32 to index
        %parallel_loop3A_472 = arith.index_cast %parallel_loop3A_418 : i32 to index
        %parallel_loop3A_473 = arith.constant 48 : index
        %parallel_loop3A_474 = tpu.vector_load %arg11[%parallel_loop3A_471, %parallel_loop3A_472, %parallel_loop3A_473] {strides = array<i32>} : memref<2x80x64xi32, #tpu.memory_space<vmem>>, vector<16xi32>,
        %parallel_loop3A_475 = vector.bitcast %parallel_loop3A_474 : vector<16xi32> to vector<32xbf16>
        %parallel_loop3A_476 = arith.mulf %parallel_loop3A_469, %parallel_loop3A_475 : vector<32xbf16>
        %parallel_loop3A_477 = tpu.unpack_subelements %parallel_loop3A_476, 0 {pack_format = #tpu.pack_format<interleaved>} : vector<32xbf16> -> vector<16xf32>
        %parallel_loop3A_478 = tpu.unpack_subelements %parallel_loop3A_476, 1 {pack_format = #tpu.pack_format<interleaved>} : vector<32xbf16> -> vector<16xf32>
        %parallel_loop3A_479 = arith.addf %parallel_loop3A_432, %parallel_loop3A_433 : vector<16xf32>
        %parallel_loop3A_480 = arith.addf %parallel_loop3A_447, %parallel_loop3A_448 : vector<16xf32>
        %parallel_loop3A_481 = arith.addf %parallel_loop3A_462, %parallel_loop3A_463 : vector<16xf32>
        %parallel_loop3A_482 = arith.addf %parallel_loop3A_477, %parallel_loop3A_478 : vector<16xf32>
        %parallel_loop3A_483 = arith.addf %parallel_loop3A_479, %parallel_loop3A_480 : vector<16xf32>
        %parallel_loop3A_484 = arith.addf %parallel_loop3A_481, %parallel_loop3A_482 : vector<16xf32>
        %parallel_loop3A_485 = arith.addf %parallel_loop3A_483, %parallel_loop3A_484 : vector<16xf32>
        %parallel_loop3A_486 = vector.broadcast %parallel_loop3A_418 : i32 to vector<16xi32>
        %parallel_loop3A_487 = arith.addi %mul3A_41, %parallel_loop3A_486 : vector<16xi32>
        tpu.vector_store_idx %arg13[%parallel_loop3A_487], %parallel_loop3A_485 : memref<1360xf32, #tpu.memory_space<vmem>>[vector<16xi32>], vector<16xf32>,
      } {sc.loop_unroll_factor = 4 : i64, sc.parallel_access}
      %parallel_loop3A_296 = arith.constant 0 : i32
      %parallel_loop3A_297 = arith.constant 5 : i32
      %parallel_loop3A_298 = arith.constant 1 : i32
      scf.for %parallel_loop3A_418 = %parallel_loop3A_296 to %parallel_loop3A_297 step %parallel_loop3A_298  : i32 {
        %parallel_loop3A_419 = arith.constant 16 : i32
        %parallel_loop3A_420 = arith.muli %parallel_loop3A_418, %parallel_loop3A_419 : i32
        %parallel_loop3A_421 = vector.broadcast %parallel_loop3A_420 : i32 to vector<16xi32>
        %parallel_loop3A_422 = arith.addi %parallel_loop3A_421, %iota3A : vector<16xi32>
        %parallel_loop3A_423 = arith.constant 0 : i32
        %parallel_loop3A_424 = vector.broadcast %parallel_loop3A_423 : i32 to vector<16xi32>
        %parallel_loop3A_425 = arith.addi %parallel_loop3A_422, %parallel_loop3A_424 : vector<16xi32>
        %parallel_loop3A_426 = tpu.vector_load_idx %arg13[%parallel_loop3A_425] : memref<1360xf32, #tpu.memory_space<vmem>>[vector<16xi32>], vector<16xf32>,
        %parallel_loop3A_427 = arith.constant 85 : i32
        %parallel_loop3A_428 = vector.broadcast %parallel_loop3A_427 : i32 to vector<16xi32>
        %parallel_loop3A_429 = arith.addi %parallel_loop3A_422, %parallel_loop3A_428 : vector<16xi32>
        %parallel_loop3A_430 = tpu.vector_load_idx %arg13[%parallel_loop3A_429] : memref<1360xf32, #tpu.memory_space<vmem>>[vector<16xi32>], vector<16xf32>,
        %parallel_loop3A_431 = arith.constant 170 : i32
        %parallel_loop3A_432 = vector.broadcast %parallel_loop3A_431 : i32 to vector<16xi32>
        %parallel_loop3A_433 = arith.addi %parallel_loop3A_422, %parallel_loop3A_432 : vector<16xi32>
        %parallel_loop3A_434 = tpu.vector_load_idx %arg13[%parallel_loop3A_433] : memref<1360xf32, #tpu.memory_space<vmem>>[vector<16xi32>], vector<16xf32>,
        %parallel_loop3A_435 = arith.constant 255 : i32
        %parallel_loop3A_436 = vector.broadcast %parallel_loop3A_435 : i32 to vector<16xi32>
        %parallel_loop3A_437 = arith.addi %parallel_loop3A_422, %parallel_loop3A_436 : vector<16xi32>
        %parallel_loop3A_438 = tpu.vector_load_idx %arg13[%parallel_loop3A_437] : memref<1360xf32, #tpu.memory_space<vmem>>[vector<16xi32>], vector<16xf32>,
        %parallel_loop3A_439 = arith.constant 340 : i32
        %parallel_loop3A_440 = vector.broadcast %parallel_loop3A_439 : i32 to vector<16xi32>
        %parallel_loop3A_441 = arith.addi %parallel_loop3A_422, %parallel_loop3A_440 : vector<16xi32>
        %parallel_loop3A_442 = tpu.vector_load_idx %arg13[%parallel_loop3A_441] : memref<1360xf32, #tpu.memory_space<vmem>>[vector<16xi32>], vector<16xf32>,
        %parallel_loop3A_443 = arith.addf %parallel_loop3A_426, %parallel_loop3A_442 : vector<16xf32>
        %parallel_loop3A_444 = arith.constant 425 : i32
        %parallel_loop3A_445 = vector.broadcast %parallel_loop3A_444 : i32 to vector<16xi32>
        %parallel_loop3A_446 = arith.addi %parallel_loop3A_422, %parallel_loop3A_445 : vector<16xi32>
        %parallel_loop3A_447 = tpu.vector_load_idx %arg13[%parallel_loop3A_446] : memref<1360xf32, #tpu.memory_space<vmem>>[vector<16xi32>], vector<16xf32>,
        %parallel_loop3A_448 = arith.addf %parallel_loop3A_430, %parallel_loop3A_447 : vector<16xf32>
        %parallel_loop3A_449 = arith.constant 510 : i32
        %parallel_loop3A_450 = vector.broadcast %parallel_loop3A_449 : i32 to vector<16xi32>
        %parallel_loop3A_451 = arith.addi %parallel_loop3A_422, %parallel_loop3A_450 : vector<16xi32>
        %parallel_loop3A_452 = tpu.vector_load_idx %arg13[%parallel_loop3A_451] : memref<1360xf32, #tpu.memory_space<vmem>>[vector<16xi32>], vector<16xf32>,
        %parallel_loop3A_453 = arith.addf %parallel_loop3A_434, %parallel_loop3A_452 : vector<16xf32>
        %parallel_loop3A_454 = arith.constant 595 : i32
        %parallel_loop3A_455 = vector.broadcast %parallel_loop3A_454 : i32 to vector<16xi32>
        %parallel_loop3A_456 = arith.addi %parallel_loop3A_422, %parallel_loop3A_455 : vector<16xi32>
        %parallel_loop3A_457 = tpu.vector_load_idx %arg13[%parallel_loop3A_456] : memref<1360xf32, #tpu.memory_space<vmem>>[vector<16xi32>], vector<16xf32>,
        %parallel_loop3A_458 = arith.addf %parallel_loop3A_438, %parallel_loop3A_457 : vector<16xf32>
        %parallel_loop3A_459 = arith.constant 680 : i32
        %parallel_loop3A_460 = vector.broadcast %parallel_loop3A_459 : i32 to vector<16xi32>
        %parallel_loop3A_461 = arith.addi %parallel_loop3A_422, %parallel_loop3A_460 : vector<16xi32>
        %parallel_loop3A_462 = tpu.vector_load_idx %arg13[%parallel_loop3A_461] : memref<1360xf32, #tpu.memory_space<vmem>>[vector<16xi32>], vector<16xf32>,
        %parallel_loop3A_463 = arith.addf %parallel_loop3A_443, %parallel_loop3A_462 : vector<16xf32>
        %parallel_loop3A_464 = arith.constant 765 : i32
        %parallel_loop3A_465 = vector.broadcast %parallel_loop3A_464 : i32 to vector<16xi32>
        %parallel_loop3A_466 = arith.addi %parallel_loop3A_422, %parallel_loop3A_465 : vector<16xi32>
        %parallel_loop3A_467 = tpu.vector_load_idx %arg13[%parallel_loop3A_466] : memref<1360xf32, #tpu.memory_space<vmem>>[vector<16xi32>], vector<16xf32>,
        %parallel_loop3A_468 = arith.addf %parallel_loop3A_448, %parallel_loop3A_467 : vector<16xf32>
        %parallel_loop3A_469 = arith.constant 850 : i32
        %parallel_loop3A_470 = vector.broadcast %parallel_loop3A_469 : i32 to vector<16xi32>
        %parallel_loop3A_471 = arith.addi %parallel_loop3A_422, %parallel_loop3A_470 : vector<16xi32>
        %parallel_loop3A_472 = tpu.vector_load_idx %arg13[%parallel_loop3A_471] : memref<1360xf32, #tpu.memory_space<vmem>>[vector<16xi32>], vector<16xf32>,
        %parallel_loop3A_473 = arith.addf %parallel_loop3A_453, %parallel_loop3A_472 : vector<16xf32>
        %parallel_loop3A_474 = arith.constant 935 : i32
        %parallel_loop3A_475 = vector.broadcast %parallel_loop3A_474 : i32 to vector<16xi32>
        %parallel_loop3A_476 = arith.addi %parallel_loop3A_422, %parallel_loop3A_475 : vector<16xi32>
        %parallel_loop3A_477 = tpu.vector_load_idx %arg13[%parallel_loop3A_476] : memref<1360xf32, #tpu.memory_space<vmem>>[vector<16xi32>], vector<16xf32>,
        %parallel_loop3A_478 = arith.addf %parallel_loop3A_458, %parallel_loop3A_477 : vector<16xf32>
        %parallel_loop3A_479 = arith.constant 1020 : i32
        %parallel_loop3A_480 = vector.broadcast %parallel_loop3A_479 : i32 to vector<16xi32>
        %parallel_loop3A_481 = arith.addi %parallel_loop3A_422, %parallel_loop3A_480 : vector<16xi32>
        %parallel_loop3A_482 = tpu.vector_load_idx %arg13[%parallel_loop3A_481] : memref<1360xf32, #tpu.memory_space<vmem>>[vector<16xi32>], vector<16xf32>,
        %parallel_loop3A_483 = arith.addf %parallel_loop3A_463, %parallel_loop3A_482 : vector<16xf32>
        %parallel_loop3A_484 = arith.constant 1105 : i32
        %parallel_loop3A_485 = vector.broadcast %parallel_loop3A_484 : i32 to vector<16xi32>
        %parallel_loop3A_486 = arith.addi %parallel_loop3A_422, %parallel_loop3A_485 : vector<16xi32>
        %parallel_loop3A_487 = tpu.vector_load_idx %arg13[%parallel_loop3A_486] : memref<1360xf32, #tpu.memory_space<vmem>>[vector<16xi32>], vector<16xf32>,
        %parallel_loop3A_488 = arith.addf %parallel_loop3A_468, %parallel_loop3A_487 : vector<16xf32>
        %parallel_loop3A_489 = arith.constant 1190 : i32
        %parallel_loop3A_490 = vector.broadcast %parallel_loop3A_489 : i32 to vector<16xi32>
        %parallel_loop3A_491 = arith.addi %parallel_loop3A_422, %parallel_loop3A_490 : vector<16xi32>
        %parallel_loop3A_492 = tpu.vector_load_idx %arg13[%parallel_loop3A_491] : memref<1360xf32, #tpu.memory_space<vmem>>[vector<16xi32>], vector<16xf32>,
        %parallel_loop3A_493 = arith.addf %parallel_loop3A_473, %parallel_loop3A_492 : vector<16xf32>
        %parallel_loop3A_494 = arith.constant 1275 : i32
        %parallel_loop3A_495 = vector.broadcast %parallel_loop3A_494 : i32 to vector<16xi32>
        %parallel_loop3A_496 = arith.addi %parallel_loop3A_422, %parallel_loop3A_495 : vector<16xi32>
        %parallel_loop3A_497 = tpu.vector_load_idx %arg13[%parallel_loop3A_496] : memref<1360xf32, #tpu.memory_space<vmem>>[vector<16xi32>], vector<16xf32>,
        %parallel_loop3A_498 = arith.addf %parallel_loop3A_478, %parallel_loop3A_497 : vector<16xf32>
        %parallel_loop3A_499 = arith.addf %parallel_loop3A_483, %parallel_loop3A_488 : vector<16xf32>
        %parallel_loop3A_500 = arith.addf %parallel_loop3A_493, %parallel_loop3A_498 : vector<16xf32>
        %parallel_loop3A_501 = arith.addf %parallel_loop3A_499, %parallel_loop3A_500 : vector<16xf32>
        %parallel_loop3A_502 = arith.constant 16 : i32
        %parallel_loop3A_503 = arith.muli %parallel_loop3A_418, %parallel_loop3A_502 : i32
        %parallel_loop3A_504 = arith.constant 0 : i32
        %parallel_loop3A_505 = arith.index_cast %parallel_loop3A_504 : i32 to index
        %parallel_loop3A_506 = arith.index_cast %parallel_loop3A_503 : i32 to index
        %parallel_loop3A_507 = tpu.vector_load %arg12[%parallel_loop3A_505, %parallel_loop3A_506] {strides = array<i32>} : memref<2x80xf32, #tpu.memory_space<vmem>>, vector<16xf32>,
        tpu.vector_store %arg12[%parallel_loop3A_505, %parallel_loop3A_506], %parallel_loop3A_501 {strides = array<i32>} : memref<2x80xf32, #tpu.memory_space<vmem>>, vector<16xf32>,
      } {sc.loop_unroll_factor = 1 : i64, sc.parallel_access}
      %mul3A_299 = arith.constant 80 : i32
      %mul3A_300 = arith.muli %add3A_217, %mul3A_299 : i32
      %add3A_301 = arith.addi %mul3A_2, %mul3A_300 : i32
      %dma_start3A_302 = arith.constant 0 : i32
      %dma_start3A_303 = arith.constant 0 : i32
      %dma_start3A_304 = arith.constant 0 : i32
      %dma_start3A_305 = tpu.memref_slice %arg12[%dma_start3A_302, %dma_start3A_304] : memref<2x80xf32, #tpu.memory_space<vmem>> -> memref<1x80xf32, #tpu.memory_space<vmem>>
      %dma_start3A_306 = tpu.memref_squeeze %dma_start3A_305 : memref<1x80xf32, #tpu.memory_space<vmem>> -> memref<80xf32, #tpu.memory_space<vmem>>
      %dma_start3A_307 = tpu.memref_slice %arg7[%add3A_301] : memref<640000xf32, #tpu.memory_space<hbm>> -> memref<80xf32, #tpu.memory_space<hbm>>
      %dma_start3A_308 = tpu.memref_slice %arg20[%dma_start3A_303] : memref<2x!tpu.dma_semaphore, #tpu.memory_space<semaphore_mem>> -> memref<1x!tpu.dma_semaphore, #tpu.memory_space<semaphore_mem>>
      %dma_start3A_309 = tpu.memref_squeeze %dma_start3A_308 : memref<1x!tpu.dma_semaphore, #tpu.memory_space<semaphore_mem>> -> memref<!tpu.dma_semaphore, #tpu.memory_space<semaphore_mem>>
      %dma_start3A_310 = tpu.memref_slice %arg7[%add3A_301] : memref<640000xf32, #tpu.memory_space<hbm>> -> memref<80xf32, #tpu.memory_space<hbm>>
      %dma_start3A_311 = arith.constant 0 : i32
      %dma_start3A_312 = tpu.memref_slice %arg12[%dma_start3A_302, %dma_start3A_311] : memref<2x80xf32, #tpu.memory_space<vmem>> -> memref<1x80xf32, #tpu.memory_space<vmem>>
      %dma_start3A_313 = tpu.memref_squeeze %dma_start3A_312 : memref<1x80xf32, #tpu.memory_space<vmem>> -> memref<80xf32, #tpu.memory_space<vmem>>
      tpu.enqueue_dma source(%dma_start3A_313 : memref<80xf32, #tpu.memory_space<vmem>>) target(%dma_start3A_310 : memref<80xf32, #tpu.memory_space<hbm>>) target_semaphore(%dma_start3A_309 : memref<!tpu.dma_semaphore, #tpu.memory_space<semaphore_mem>>)
      %mul3A_314 = arith.constant 2 : i32
      %mul3A_315 = arith.muli %mul3A_314, %scan3A_213 : i32
      %add3A_316 = arith.constant 1 : i32
      %add3A_317 = arith.addi %mul3A_315, %add3A_316 : i32
      %dma_wait3A_318 = arith.constant 1 : i32
      %dma_wait3A_319 = arith.constant 1 : i32
      %dma_wait3A_320 = arith.constant 1 : i32
      %dma_wait3A_321 = arith.constant 0 : i32
      %dma_wait3A_322 = arith.constant 0 : i32
      %dma_wait3A_323 = tpu.memref_slice %arg10[%dma_wait3A_319, %dma_wait3A_321, %dma_wait3A_322] : memref<2x80x64xi32, #tpu.memory_space<vmem>> -> memref<1x40x64xi32, #tpu.memory_space<vmem>>
      %dma_wait3A_324 = tpu.memref_squeeze %dma_wait3A_323 : memref<1x40x64xi32, #tpu.memory_space<vmem>> -> memref<40x64xi32, #tpu.memory_space<vmem>>
      %dma_wait3A_325 = arith.constant 0 : i32
      %dma_wait3A_326 = tpu.memref_slice %arg8[%dma_wait3A_318, %dma_wait3A_325] : memref<2x80xi32, #tpu.memory_space<vmem>> -> memref<1x40xi32, #tpu.memory_space<vmem>>
      %dma_wait3A_327 = tpu.memref_squeeze %dma_wait3A_326 : memref<1x40xi32, #tpu.memory_space<vmem>> -> memref<40xi32, #tpu.memory_space<vmem>>
      %dma_wait3A_328 = arith.constant 0 : i32
      %dma_wait3A_329 = arith.constant 0 : i32
      %dma_wait3A_330 = tpu.memref_slice %arg16[%dma_wait3A_328, %dma_wait3A_329] : memref<10000x64xi32, #tpu.memory_space<vmem_shared>> -> memref<10000x64xi32, #tpu.memory_space<vmem_shared>>
      %dma_wait3A_331 = tpu.memref_slice %arg18[%dma_wait3A_320] : memref<2x!tpu.dma_semaphore, #tpu.memory_space<semaphore_mem>> -> memref<1x!tpu.dma_semaphore, #tpu.memory_space<semaphore_mem>>
      %dma_wait3A_332 = tpu.memref_squeeze %dma_wait3A_331 : memref<1x!tpu.dma_semaphore, #tpu.memory_space<semaphore_mem>> -> memref<!tpu.dma_semaphore, #tpu.memory_space<semaphore_mem>>
      tpu.wait_indirect_dma semaphore(%dma_wait3A_332 : memref<!tpu.dma_semaphore, #tpu.memory_space<semaphore_mem>>) src(%dma_wait3A_330 : memref<10000x64xi32, #tpu.memory_space<vmem_shared>>) dst(%dma_wait3A_324 : memref<40x64xi32, #tpu.memory_space<vmem>>)
      %dma_wait3A_333 = arith.constant 1 : i32
      %dma_wait3A_334 = arith.constant 1 : i32
      %dma_wait3A_335 = arith.constant 1 : i32
      %dma_wait3A_336 = arith.constant 0 : i32
      %dma_wait3A_337 = arith.constant 0 : i32
      %dma_wait3A_338 = tpu.memref_slice %arg11[%dma_wait3A_334, %dma_wait3A_336, %dma_wait3A_337] : memref<2x80x64xi32, #tpu.memory_space<vmem>> -> memref<1x40x64xi32, #tpu.memory_space<vmem>>
      %dma_wait3A_339 = tpu.memref_squeeze %dma_wait3A_338 : memref<1x40x64xi32, #tpu.memory_space<vmem>> -> memref<40x64xi32, #tpu.memory_space<vmem>>
      %dma_wait3A_340 = arith.constant 0 : i32
      %dma_wait3A_341 = tpu.memref_slice %arg9[%dma_wait3A_333, %dma_wait3A_340] : memref<2x80xi32, #tpu.memory_space<vmem>> -> memref<1x40xi32, #tpu.memory_space<vmem>>
      %dma_wait3A_342 = tpu.memref_squeeze %dma_wait3A_341 : memref<1x40xi32, #tpu.memory_space<vmem>> -> memref<40xi32, #tpu.memory_space<vmem>>
      %dma_wait3A_343 = arith.constant 0 : i32
      %dma_wait3A_344 = arith.constant 0 : i32
      %dma_wait3A_345 = tpu.memref_slice %arg17[%dma_wait3A_343, %dma_wait3A_344] : memref<10000x64xi32, #tpu.memory_space<vmem_shared>> -> memref<10000x64xi32, #tpu.memory_space<vmem_shared>>
      %dma_wait3A_346 = tpu.memref_slice %arg18[%dma_wait3A_335] : memref<2x!tpu.dma_semaphore, #tpu.memory_space<semaphore_mem>> -> memref<1x!tpu.dma_semaphore, #tpu.memory_space<semaphore_mem>>
      %dma_wait3A_347 = tpu.memref_squeeze %dma_wait3A_346 : memref<1x!tpu.dma_semaphore, #tpu.memory_space<semaphore_mem>> -> memref<!tpu.dma_semaphore, #tpu.memory_space<semaphore_mem>>
      tpu.wait_indirect_dma semaphore(%dma_wait3A_347 : memref<!tpu.dma_semaphore, #tpu.memory_space<semaphore_mem>>) src(%dma_wait3A_345 : memref<10000x64xi32, #tpu.memory_space<vmem_shared>>) dst(%dma_wait3A_339 : memref<40x64xi32, #tpu.memory_space<vmem>>)
      %dma_wait3A_348 = arith.constant 1 : i32
      %dma_wait3A_349 = arith.constant 1 : i32
      %dma_wait3A_350 = arith.constant 1 : i32
      %dma_wait3A_351 = arith.constant 40 : i32
      %dma_wait3A_352 = arith.constant 0 : i32
      %dma_wait3A_353 = tpu.memref_slice %arg10[%dma_wait3A_349, %dma_wait3A_351, %dma_wait3A_352] : memref<2x80x64xi32, #tpu.memory_space<vmem>> -> memref<1x40x64xi32, #tpu.memory_space<vmem>>
      %dma_wait3A_354 = tpu.memref_squeeze %dma_wait3A_353 : memref<1x40x64xi32, #tpu.memory_space<vmem>> -> memref<40x64xi32, #tpu.memory_space<vmem>>
      %dma_wait3A_355 = arith.constant 40 : i32
      %dma_wait3A_356 = tpu.memref_slice %arg8[%dma_wait3A_348, %dma_wait3A_355] : memref<2x80xi32, #tpu.memory_space<vmem>> -> memref<1x40xi32, #tpu.memory_space<vmem>>
      %dma_wait3A_357 = tpu.memref_squeeze %dma_wait3A_356 : memref<1x40xi32, #tpu.memory_space<vmem>> -> memref<40xi32, #tpu.memory_space<vmem>>
      %dma_wait3A_358 = arith.constant 0 : i32
      %dma_wait3A_359 = arith.constant 0 : i32
      %dma_wait3A_360 = tpu.memref_slice %arg16[%dma_wait3A_358, %dma_wait3A_359] : memref<10000x64xi32, #tpu.memory_space<vmem_shared>> -> memref<10000x64xi32, #tpu.memory_space<vmem_shared>>
      %dma_wait3A_361 = tpu.memref_slice %arg18[%dma_wait3A_350] : memref<2x!tpu.dma_semaphore, #tpu.memory_space<semaphore_mem>> -> memref<1x!tpu.dma_semaphore, #tpu.memory_space<semaphore_mem>>
      %dma_wait3A_362 = tpu.memref_squeeze %dma_wait3A_361 : memref<1x!tpu.dma_semaphore, #tpu.memory_space<semaphore_mem>> -> memref<!tpu.dma_semaphore, #tpu.memory_space<semaphore_mem>>
      tpu.wait_indirect_dma semaphore(%dma_wait3A_362 : memref<!tpu.dma_semaphore, #tpu.memory_space<semaphore_mem>>) src(%dma_wait3A_360 : memref<10000x64xi32, #tpu.memory_space<vmem_shared>>) dst(%dma_wait3A_354 : memref<40x64xi32, #tpu.memory_space<vmem>>)
      %dma_wait3A_363 = arith.constant 1 : i32
      %dma_wait3A_364 = arith.constant 1 : i32
      %dma_wait3A_365 = arith.constant 1 : i32
      %dma_wait3A_366 = arith.constant 40 : i32
      %dma_wait3A_367 = arith.constant 0 : i32
      %dma_wait3A_368 = tpu.memref_slice %arg11[%dma_wait3A_364, %dma_wait3A_366, %dma_wait3A_367] : memref<2x80x64xi32, #tpu.memory_space<vmem>> -> memref<1x40x64xi32, #tpu.memory_space<vmem>>
      %dma_wait3A_369 = tpu.memref_squeeze %dma_wait3A_368 : memref<1x40x64xi32, #tpu.memory_space<vmem>> -> memref<40x64xi32, #tpu.memory_space<vmem>>
      %dma_wait3A_370 = arith.constant 40 : i32
      %dma_wait3A_371 = tpu.memref_slice %arg9[%dma_wait3A_363, %dma_wait3A_370] : memref<2x80xi32, #tpu.memory_space<vmem>> -> memref<1x40xi32, #tpu.memory_space<vmem>>
      %dma_wait3A_372 = tpu.memref_squeeze %dma_wait3A_371 : memref<1x40xi32, #tpu.memory_space<vmem>> -> memref<40xi32, #tpu.memory_space<vmem>>
      %dma_wait3A_373 = arith.constant 0 : i32
      %dma_wait3A_374 = arith.constant 0 : i32
      %dma_wait3A_375 = tpu.memref_slice %arg17[%dma_wait3A_373, %dma_wait3A_374] : memref<10000x64xi32, #tpu.memory_space<vmem_shared>> -> memref<10000x64xi32, #tpu.memory_space<vmem_shared>>
      %dma_wait3A_376 = tpu.memref_slice %arg18[%dma_wait3A_365] : memref<2x!tpu.dma_semaphore, #tpu.memory_space<semaphore_mem>> -> memref<1x!tpu.dma_semaphore, #tpu.memory_space<semaphore_mem>>
      %dma_wait3A_377 = tpu.memref_squeeze %dma_wait3A_376 : memref<1x!tpu.dma_semaphore, #tpu.memory_space<semaphore_mem>> -> memref<!tpu.dma_semaphore, #tpu.memory_space<semaphore_mem>>
      tpu.wait_indirect_dma semaphore(%dma_wait3A_377 : memref<!tpu.dma_semaphore, #tpu.memory_space<semaphore_mem>>) src(%dma_wait3A_375 : memref<10000x64xi32, #tpu.memory_space<vmem_shared>>) dst(%dma_wait3A_369 : memref<40x64xi32, #tpu.memory_space<vmem>>)
      %add3A_378 = arith.constant 2 : i32
      %add3A_379 = arith.addi %add3A_317, %add3A_378 : i32
      %lt3A_380 = arith.constant 250 : i32
      %lt3A_381 = arith.cmpi slt, %add3A_379, %lt3A_380 : i32
      %convert_element_type3A_382 = arith.extui %lt3A_381 : i1 to i32
      %cond3A_383 = arith.constant 0 : i32
      %cond3A_384 = arith.cmpi ne, %convert_element_type3A_382, %cond3A_383 : i32
      scf.if %cond3A_384 {
        %add3A_418 = arith.constant 2 : i32
        %add3A_419 = arith.addi %add3A_317, %add3A_418 : i32
        %mul3A_420 = arith.constant 80 : i32
        %mul3A_421 = arith.muli %add3A_419, %mul3A_420 : i32
        %add3A_422 = arith.addi %mul3A_2, %mul3A_421 : i32
        %dma_start3A_423 = arith.constant 1 : i32
        %dma_start3A_424 = arith.constant 1 : i32
        %dma_start3A_425 = arith.constant 0 : i32
        %dma_start3A_426 = tpu.memref_slice %arg8[%dma_start3A_423, %dma_start3A_425] : memref<2x80xi32, #tpu.memory_space<vmem>> -> memref<1x80xi32, #tpu.memory_space<vmem>>
        %dma_start3A_427 = tpu.memref_squeeze %dma_start3A_426 : memref<1x80xi32, #tpu.memory_space<vmem>> -> memref<80xi32, #tpu.memory_space<vmem>>
        %dma_start3A_428 = tpu.memref_slice %arg2[%add3A_422] : memref<640000xi32, #tpu.memory_space<hbm>> -> memref<80xi32, #tpu.memory_space<hbm>>
        %dma_start3A_429 = tpu.memref_slice %arg19[%dma_start3A_424] : memref<2x!tpu.dma_semaphore, #tpu.memory_space<semaphore_mem>> -> memref<1x!tpu.dma_semaphore, #tpu.memory_space<semaphore_mem>>
        %dma_start3A_430 = tpu.memref_squeeze %dma_start3A_429 : memref<1x!tpu.dma_semaphore, #tpu.memory_space<semaphore_mem>> -> memref<!tpu.dma_semaphore, #tpu.memory_space<semaphore_mem>>
        %dma_start3A_431 = arith.constant 0 : i32
        %dma_start3A_432 = tpu.memref_slice %arg8[%dma_start3A_423, %dma_start3A_431] : memref<2x80xi32, #tpu.memory_space<vmem>> -> memref<1x80xi32, #tpu.memory_space<vmem>>
        %dma_start3A_433 = tpu.memref_squeeze %dma_start3A_432 : memref<1x80xi32, #tpu.memory_space<vmem>> -> memref<80xi32, #tpu.memory_space<vmem>>
        %dma_start3A_434 = tpu.memref_slice %arg2[%add3A_422] : memref<640000xi32, #tpu.memory_space<hbm>> -> memref<80xi32, #tpu.memory_space<hbm>>
        tpu.enqueue_dma source(%dma_start3A_434 : memref<80xi32, #tpu.memory_space<hbm>>) target(%dma_start3A_433 : memref<80xi32, #tpu.memory_space<vmem>>) target_semaphore(%dma_start3A_430 : memref<!tpu.dma_semaphore, #tpu.memory_space<semaphore_mem>>)
        %dma_start3A_435 = arith.constant 1 : i32
        %dma_start3A_436 = arith.constant 1 : i32
        %dma_start3A_437 = arith.constant 0 : i32
        %dma_start3A_438 = tpu.memref_slice %arg9[%dma_start3A_435, %dma_start3A_437] : memref<2x80xi32, #tpu.memory_space<vmem>> -> memref<1x80xi32, #tpu.memory_space<vmem>>
        %dma_start3A_439 = tpu.memref_squeeze %dma_start3A_438 : memref<1x80xi32, #tpu.memory_space<vmem>> -> memref<80xi32, #tpu.memory_space<vmem>>
        %dma_start3A_440 = tpu.memref_slice %arg3[%add3A_422] : memref<640000xi32, #tpu.memory_space<hbm>> -> memref<80xi32, #tpu.memory_space<hbm>>
        %dma_start3A_441 = tpu.memref_slice %arg19[%dma_start3A_436] : memref<2x!tpu.dma_semaphore, #tpu.memory_space<semaphore_mem>> -> memref<1x!tpu.dma_semaphore, #tpu.memory_space<semaphore_mem>>
        %dma_start3A_442 = tpu.memref_squeeze %dma_start3A_441 : memref<1x!tpu.dma_semaphore, #tpu.memory_space<semaphore_mem>> -> memref<!tpu.dma_semaphore, #tpu.memory_space<semaphore_mem>>
        %dma_start3A_443 = arith.constant 0 : i32
        %dma_start3A_444 = tpu.memref_slice %arg9[%dma_start3A_435, %dma_start3A_443] : memref<2x80xi32, #tpu.memory_space<vmem>> -> memref<1x80xi32, #tpu.memory_space<vmem>>
        %dma_start3A_445 = tpu.memref_squeeze %dma_start3A_444 : memref<1x80xi32, #tpu.memory_space<vmem>> -> memref<80xi32, #tpu.memory_space<vmem>>
        %dma_start3A_446 = tpu.memref_slice %arg3[%add3A_422] : memref<640000xi32, #tpu.memory_space<hbm>> -> memref<80xi32, #tpu.memory_space<hbm>>
        tpu.enqueue_dma source(%dma_start3A_446 : memref<80xi32, #tpu.memory_space<hbm>>) target(%dma_start3A_445 : memref<80xi32, #tpu.memory_space<vmem>>) target_semaphore(%dma_start3A_442 : memref<!tpu.dma_semaphore, #tpu.memory_space<semaphore_mem>>)
      } else {
      }
      %add3A_385 = arith.constant 1 : i32
      %add3A_386 = arith.addi %add3A_317, %add3A_385 : i32
      %lt3A_387 = arith.constant 250 : i32
      %lt3A_388 = arith.cmpi slt, %add3A_386, %lt3A_387 : i32
      %convert_element_type3A_389 = arith.extui %lt3A_388 : i1 to i32
      %cond3A_390 = arith.constant 0 : i32
      %cond3A_391 = arith.cmpi ne, %convert_element_type3A_389, %cond3A_390 : i32
      scf.if %cond3A_391 {
        %dma_wait3A_418 = arith.constant 0 : i32
        %dma_wait3A_419 = arith.constant 0 : i32
        %dma_wait3A_420 = arith.constant 0 : i32
        %dma_wait3A_421 = tpu.memref_slice %arg8[%dma_wait3A_418, %dma_wait3A_420] : memref<2x80xi32, #tpu.memory_space<vmem>> -> memref<1x80xi32, #tpu.memory_space<vmem>>
        %dma_wait3A_422 = tpu.memref_squeeze %dma_wait3A_421 : memref<1x80xi32, #tpu.memory_space<vmem>> -> memref<80xi32, #tpu.memory_space<vmem>>
        %dma_wait3A_423 = arith.constant 0 : i32
        %dma_wait3A_424 = tpu.memref_slice %arg2[%dma_wait3A_423] : memref<640000xi32, #tpu.memory_space<hbm>> -> memref<80xi32, #tpu.memory_space<hbm>>
        %dma_wait3A_425 = tpu.memref_slice %arg19[%dma_wait3A_419] : memref<2x!tpu.dma_semaphore, #tpu.memory_space<semaphore_mem>> -> memref<1x!tpu.dma_semaphore, #tpu.memory_space<semaphore_mem>>
        %dma_wait3A_426 = tpu.memref_squeeze %dma_wait3A_425 : memref<1x!tpu.dma_semaphore, #tpu.memory_space<semaphore_mem>> -> memref<!tpu.dma_semaphore, #tpu.memory_space<semaphore_mem>>
        %dma_wait3A_427 = arith.constant 0 : i32
        %dma_wait3A_428 = tpu.memref_slice %arg8[%dma_wait3A_418, %dma_wait3A_427] : memref<2x80xi32, #tpu.memory_space<vmem>> -> memref<1x80xi32, #tpu.memory_space<vmem>>
        %dma_wait3A_429 = tpu.memref_squeeze %dma_wait3A_428 : memref<1x80xi32, #tpu.memory_space<vmem>> -> memref<80xi32, #tpu.memory_space<vmem>>
        %dma_wait3A_430 = arith.constant 0 : i32
        %dma_wait3A_431 = tpu.memref_slice %arg2[%dma_wait3A_430] : memref<640000xi32, #tpu.memory_space<hbm>> -> memref<80xi32, #tpu.memory_space<hbm>>
        tpu.wait_dma2 semaphore(%dma_wait3A_426 : memref<!tpu.dma_semaphore, #tpu.memory_space<semaphore_mem>>) src(%dma_wait3A_431 : memref<80xi32, #tpu.memory_space<hbm>>) dst(%dma_wait3A_429 : memref<80xi32, #tpu.memory_space<vmem>>)
        %dma_wait3A_432 = arith.constant 0 : i32
        %dma_wait3A_433 = arith.constant 0 : i32
        %dma_wait3A_434 = arith.constant 0 : i32
        %dma_wait3A_435 = tpu.memref_slice %arg9[%dma_wait3A_432, %dma_wait3A_434] : memref<2x80xi32, #tpu.memory_space<vmem>> -> memref<1x80xi32, #tpu.memory_space<vmem>>
        %dma_wait3A_436 = tpu.memref_squeeze %dma_wait3A_435 : memref<1x80xi32, #tpu.memory_space<vmem>> -> memref<80xi32, #tpu.memory_space<vmem>>
        %dma_wait3A_437 = arith.constant 0 : i32
        %dma_wait3A_438 = tpu.memref_slice %arg2[%dma_wait3A_437] : memref<640000xi32, #tpu.memory_space<hbm>> -> memref<80xi32, #tpu.memory_space<hbm>>
        %dma_wait3A_439 = tpu.memref_slice %arg19[%dma_wait3A_433] : memref<2x!tpu.dma_semaphore, #tpu.memory_space<semaphore_mem>> -> memref<1x!tpu.dma_semaphore, #tpu.memory_space<semaphore_mem>>
        %dma_wait3A_440 = tpu.memref_squeeze %dma_wait3A_439 : memref<1x!tpu.dma_semaphore, #tpu.memory_space<semaphore_mem>> -> memref<!tpu.dma_semaphore, #tpu.memory_space<semaphore_mem>>
        %dma_wait3A_441 = arith.constant 0 : i32
        %dma_wait3A_442 = tpu.memref_slice %arg9[%dma_wait3A_432, %dma_wait3A_441] : memref<2x80xi32, #tpu.memory_space<vmem>> -> memref<1x80xi32, #tpu.memory_space<vmem>>
        %dma_wait3A_443 = tpu.memref_squeeze %dma_wait3A_442 : memref<1x80xi32, #tpu.memory_space<vmem>> -> memref<80xi32, #tpu.memory_space<vmem>>
        %dma_wait3A_444 = arith.constant 0 : i32
        %dma_wait3A_445 = tpu.memref_slice %arg2[%dma_wait3A_444] : memref<640000xi32, #tpu.memory_space<hbm>> -> memref<80xi32, #tpu.memory_space<hbm>>
        tpu.wait_dma2 semaphore(%dma_wait3A_440 : memref<!tpu.dma_semaphore, #tpu.memory_space<semaphore_mem>>) src(%dma_wait3A_445 : memref<80xi32, #tpu.memory_space<hbm>>) dst(%dma_wait3A_443 : memref<80xi32, #tpu.memory_space<vmem>>)
        %dma_start3A_446 = arith.constant 0 : i32
        %dma_start3A_447 = arith.constant 0 : i32
        %dma_start3A_448 = arith.constant 0 : i32
        %dma_start3A_449 = arith.constant 0 : i32
        %dma_start3A_450 = arith.constant 0 : i32
        %dma_start3A_451 = tpu.memref_slice %arg10[%dma_start3A_447, %dma_start3A_449, %dma_start3A_450] : memref<2x80x64xi32, #tpu.memory_space<vmem>> -> memref<1x40x64xi32, #tpu.memory_space<vmem>>
        %dma_start3A_452 = tpu.memref_squeeze %dma_start3A_451 : memref<1x40x64xi32, #tpu.memory_space<vmem>> -> memref<40x64xi32, #tpu.memory_space<vmem>>
        %dma_start3A_453 = arith.constant 0 : i32
        %dma_start3A_454 = tpu.memref_slice %arg8[%dma_start3A_446, %dma_start3A_453] : memref<2x80xi32, #tpu.memory_space<vmem>> -> memref<1x40xi32, #tpu.memory_space<vmem>>
        %dma_start3A_455 = tpu.memref_squeeze %dma_start3A_454 : memref<1x40xi32, #tpu.memory_space<vmem>> -> memref<40xi32, #tpu.memory_space<vmem>>
        %dma_start3A_456 = arith.constant 0 : i32
        %dma_start3A_457 = arith.constant 0 : i32
        %dma_start3A_458 = tpu.memref_slice %arg16[%dma_start3A_456, %dma_start3A_457] : memref<10000x64xi32, #tpu.memory_space<vmem_shared>> -> memref<10000x64xi32, #tpu.memory_space<vmem_shared>>
        %dma_start3A_459 = tpu.memref_slice %arg18[%dma_start3A_448] : memref<2x!tpu.dma_semaphore, #tpu.memory_space<semaphore_mem>> -> memref<1x!tpu.dma_semaphore, #tpu.memory_space<semaphore_mem>>
        %dma_start3A_460 = tpu.memref_squeeze %dma_start3A_459 : memref<1x!tpu.dma_semaphore, #tpu.memory_space<semaphore_mem>> -> memref<!tpu.dma_semaphore, #tpu.memory_space<semaphore_mem>>
        tpu.enqueue_indirect_dma source(%dma_start3A_458 : memref<10000x64xi32, #tpu.memory_space<vmem_shared>>) target(%dma_start3A_452 : memref<40x64xi32, #tpu.memory_space<vmem>>) offsets(%dma_start3A_455 : memref<40xi32, #tpu.memory_space<vmem>>) semaphore(%dma_start3A_460 : memref<!tpu.dma_semaphore, #tpu.memory_space<semaphore_mem>>)
        %dma_start3A_461 = arith.constant 0 : i32
        %dma_start3A_462 = arith.constant 0 : i32
        %dma_start3A_463 = arith.constant 0 : i32
        %dma_start3A_464 = arith.constant 0 : i32
        %dma_start3A_465 = arith.constant 0 : i32
        %dma_start3A_466 = tpu.memref_slice %arg11[%dma_start3A_462, %dma_start3A_464, %dma_start3A_465] : memref<2x80x64xi32, #tpu.memory_space<vmem>> -> memref<1x40x64xi32, #tpu.memory_space<vmem>>
        %dma_start3A_467 = tpu.memref_squeeze %dma_start3A_466 : memref<1x40x64xi32, #tpu.memory_space<vmem>> -> memref<40x64xi32, #tpu.memory_space<vmem>>
        %dma_start3A_468 = arith.constant 0 : i32
        %dma_start3A_469 = tpu.memref_slice %arg9[%dma_start3A_461, %dma_start3A_468] : memref<2x80xi32, #tpu.memory_space<vmem>> -> memref<1x40xi32, #tpu.memory_space<vmem>>
        %dma_start3A_470 = tpu.memref_squeeze %dma_start3A_469 : memref<1x40xi32, #tpu.memory_space<vmem>> -> memref<40xi32, #tpu.memory_space<vmem>>
        %dma_start3A_471 = arith.constant 0 : i32
        %dma_start3A_472 = arith.constant 0 : i32
        %dma_start3A_473 = tpu.memref_slice %arg17[%dma_start3A_471, %dma_start3A_472] : memref<10000x64xi32, #tpu.memory_space<vmem_shared>> -> memref<10000x64xi32, #tpu.memory_space<vmem_shared>>
        %dma_start3A_474 = tpu.memref_slice %arg18[%dma_start3A_463] : memref<2x!tpu.dma_semaphore, #tpu.memory_space<semaphore_mem>> -> memref<1x!tpu.dma_semaphore, #tpu.memory_space<semaphore_mem>>
        %dma_start3A_475 = tpu.memref_squeeze %dma_start3A_474 : memref<1x!tpu.dma_semaphore, #tpu.memory_space<semaphore_mem>> -> memref<!tpu.dma_semaphore, #tpu.memory_space<semaphore_mem>>
        tpu.enqueue_indirect_dma source(%dma_start3A_473 : memref<10000x64xi32, #tpu.memory_space<vmem_shared>>) target(%dma_start3A_467 : memref<40x64xi32, #tpu.memory_space<vmem>>) offsets(%dma_start3A_470 : memref<40xi32, #tpu.memory_space<vmem>>) semaphore(%dma_start3A_475 : memref<!tpu.dma_semaphore, #tpu.memory_space<semaphore_mem>>)
        %dma_start3A_476 = arith.constant 0 : i32
        %dma_start3A_477 = arith.constant 0 : i32
        %dma_start3A_478 = arith.constant 0 : i32
        %dma_start3A_479 = arith.constant 40 : i32
        %dma_start3A_480 = arith.constant 0 : i32
        %dma_start3A_481 = tpu.memref_slice %arg10[%dma_start3A_477, %dma_start3A_479, %dma_start3A_480] : memref<2x80x64xi32, #tpu.memory_space<vmem>> -> memref<1x40x64xi32, #tpu.memory_space<vmem>>
        %dma_start3A_482 = tpu.memref_squeeze %dma_start3A_481 : memref<1x40x64xi32, #tpu.memory_space<vmem>> -> memref<40x64xi32, #tpu.memory_space<vmem>>
        %dma_start3A_483 = arith.constant 40 : i32
        %dma_start3A_484 = tpu.memref_slice %arg8[%dma_start3A_476, %dma_start3A_483] : memref<2x80xi32, #tpu.memory_space<vmem>> -> memref<1x40xi32, #tpu.memory_space<vmem>>
        %dma_start3A_485 = tpu.memref_squeeze %dma_start3A_484 : memref<1x40xi32, #tpu.memory_space<vmem>> -> memref<40xi32, #tpu.memory_space<vmem>>
        %dma_start3A_486 = arith.constant 0 : i32
        %dma_start3A_487 = arith.constant 0 : i32
        %dma_start3A_488 = tpu.memref_slice %arg16[%dma_start3A_486, %dma_start3A_487] : memref<10000x64xi32, #tpu.memory_space<vmem_shared>> -> memref<10000x64xi32, #tpu.memory_space<vmem_shared>>
        %dma_start3A_489 = tpu.memref_slice %arg18[%dma_start3A_478] : memref<2x!tpu.dma_semaphore, #tpu.memory_space<semaphore_mem>> -> memref<1x!tpu.dma_semaphore, #tpu.memory_space<semaphore_mem>>
        %dma_start3A_490 = tpu.memref_squeeze %dma_start3A_489 : memref<1x!tpu.dma_semaphore, #tpu.memory_space<semaphore_mem>> -> memref<!tpu.dma_semaphore, #tpu.memory_space<semaphore_mem>>
        tpu.enqueue_indirect_dma source(%dma_start3A_488 : memref<10000x64xi32, #tpu.memory_space<vmem_shared>>) target(%dma_start3A_482 : memref<40x64xi32, #tpu.memory_space<vmem>>) offsets(%dma_start3A_485 : memref<40xi32, #tpu.memory_space<vmem>>) semaphore(%dma_start3A_490 : memref<!tpu.dma_semaphore, #tpu.memory_space<semaphore_mem>>)
        %dma_start3A_491 = arith.constant 0 : i32
        %dma_start3A_492 = arith.constant 0 : i32
        %dma_start3A_493 = arith.constant 0 : i32
        %dma_start3A_494 = arith.constant 40 : i32
        %dma_start3A_495 = arith.constant 0 : i32
        %dma_start3A_496 = tpu.memref_slice %arg11[%dma_start3A_492, %dma_start3A_494, %dma_start3A_495] : memref<2x80x64xi32, #tpu.memory_space<vmem>> -> memref<1x40x64xi32, #tpu.memory_space<vmem>>
        %dma_start3A_497 = tpu.memref_squeeze %dma_start3A_496 : memref<1x40x64xi32, #tpu.memory_space<vmem>> -> memref<40x64xi32, #tpu.memory_space<vmem>>
        %dma_start3A_498 = arith.constant 40 : i32
        %dma_start3A_499 = tpu.memref_slice %arg9[%dma_start3A_491, %dma_start3A_498] : memref<2x80xi32, #tpu.memory_space<vmem>> -> memref<1x40xi32, #tpu.memory_space<vmem>>
        %dma_start3A_500 = tpu.memref_squeeze %dma_start3A_499 : memref<1x40xi32, #tpu.memory_space<vmem>> -> memref<40xi32, #tpu.memory_space<vmem>>
        %dma_start3A_501 = arith.constant 0 : i32
        %dma_start3A_502 = arith.constant 0 : i32
        %dma_start3A_503 = tpu.memref_slice %arg17[%dma_start3A_501, %dma_start3A_502] : memref<10000x64xi32, #tpu.memory_space<vmem_shared>> -> memref<10000x64xi32, #tpu.memory_space<vmem_shared>>
        %dma_start3A_504 = tpu.memref_slice %arg18[%dma_start3A_493] : memref<2x!tpu.dma_semaphore, #tpu.memory_space<semaphore_mem>> -> memref<1x!tpu.dma_semaphore, #tpu.memory_space<semaphore_mem>>
        %dma_start3A_505 = tpu.memref_squeeze %dma_start3A_504 : memref<1x!tpu.dma_semaphore, #tpu.memory_space<semaphore_mem>> -> memref<!tpu.dma_semaphore, #tpu.memory_space<semaphore_mem>>
        tpu.enqueue_indirect_dma source(%dma_start3A_503 : memref<10000x64xi32, #tpu.memory_space<vmem_shared>>) target(%dma_start3A_497 : memref<40x64xi32, #tpu.memory_space<vmem>>) offsets(%dma_start3A_500 : memref<40xi32, #tpu.memory_space<vmem>>) semaphore(%dma_start3A_505 : memref<!tpu.dma_semaphore, #tpu.memory_space<semaphore_mem>>)
      } else {
      }
      %ge3A_392 = arith.constant 2 : i32
      %ge3A_393 = arith.cmpi sge, %add3A_317, %ge3A_392 : i32
      %convert_element_type3A_394 = arith.extui %ge3A_393 : i1 to i32
      %cond3A_395 = arith.constant 0 : i32
      %cond3A_396 = arith.cmpi ne, %convert_element_type3A_394, %cond3A_395 : i32
      scf.if %cond3A_396 {
        %dma_wait3A_418 = arith.constant 1 : i32
        %dma_wait3A_419 = arith.constant 1 : i32
        %dma_wait3A_420 = arith.constant 0 : i32
        %dma_wait3A_421 = tpu.memref_slice %arg12[%dma_wait3A_418, %dma_wait3A_420] : memref<2x80xf32, #tpu.memory_space<vmem>> -> memref<1x80xf32, #tpu.memory_space<vmem>>
        %dma_wait3A_422 = tpu.memref_squeeze %dma_wait3A_421 : memref<1x80xf32, #tpu.memory_space<vmem>> -> memref<80xf32, #tpu.memory_space<vmem>>
        %dma_wait3A_423 = arith.constant 0 : i32
        %dma_wait3A_424 = tpu.memref_slice %arg7[%dma_wait3A_423] : memref<640000xf32, #tpu.memory_space<hbm>> -> memref<80xf32, #tpu.memory_space<hbm>>
        %dma_wait3A_425 = tpu.memref_slice %arg20[%dma_wait3A_419] : memref<2x!tpu.dma_semaphore, #tpu.memory_space<semaphore_mem>> -> memref<1x!tpu.dma_semaphore, #tpu.memory_space<semaphore_mem>>
        %dma_wait3A_426 = tpu.memref_squeeze %dma_wait3A_425 : memref<1x!tpu.dma_semaphore, #tpu.memory_space<semaphore_mem>> -> memref<!tpu.dma_semaphore, #tpu.memory_space<semaphore_mem>>
        %dma_wait3A_427 = arith.constant 0 : i32
        %dma_wait3A_428 = tpu.memref_slice %arg7[%dma_wait3A_427] : memref<640000xf32, #tpu.memory_space<hbm>> -> memref<80xf32, #tpu.memory_space<hbm>>
        %dma_wait3A_429 = arith.constant 0 : i32
        %dma_wait3A_430 = tpu.memref_slice %arg12[%dma_wait3A_418, %dma_wait3A_429] : memref<2x80xf32, #tpu.memory_space<vmem>> -> memref<1x80xf32, #tpu.memory_space<vmem>>
        %dma_wait3A_431 = tpu.memref_squeeze %dma_wait3A_430 : memref<1x80xf32, #tpu.memory_space<vmem>> -> memref<80xf32, #tpu.memory_space<vmem>>
        tpu.wait_dma2 semaphore(%dma_wait3A_426 : memref<!tpu.dma_semaphore, #tpu.memory_space<semaphore_mem>>) src(%dma_wait3A_431 : memref<80xf32, #tpu.memory_space<vmem>>) dst(%dma_wait3A_428 : memref<80xf32, #tpu.memory_space<hbm>>)
      } else {
      }
      %parallel_loop3A_397 = arith.constant 0 : i32
      %parallel_loop3A_398 = arith.constant 80 : i32
      %parallel_loop3A_399 = arith.constant 1 : i32
      scf.for %parallel_loop3A_418 = %parallel_loop3A_397 to %parallel_loop3A_398 step %parallel_loop3A_399  : i32 {
        %parallel_loop3A_419 = arith.constant 1 : i32
        %parallel_loop3A_420 = arith.index_cast %parallel_loop3A_419 : i32 to index
        %parallel_loop3A_421 = arith.index_cast %parallel_loop3A_418 : i32 to index
        %parallel_loop3A_422 = arith.constant 0 : index
        %parallel_loop3A_423 = tpu.vector_load %arg10[%parallel_loop3A_420, %parallel_loop3A_421, %parallel_loop3A_422] {strides = array<i32>} : memref<2x80x64xi32, #tpu.memory_space<vmem>>, vector<16xi32>,
        %parallel_loop3A_424 = vector.bitcast %parallel_loop3A_423 : vector<16xi32> to vector<32xbf16>
        %parallel_loop3A_425 = arith.constant 1 : i32
        %parallel_loop3A_426 = arith.index_cast %parallel_loop3A_425 : i32 to index
        %parallel_loop3A_427 = arith.index_cast %parallel_loop3A_418 : i32 to index
        %parallel_loop3A_428 = arith.constant 0 : index
        %parallel_loop3A_429 = tpu.vector_load %arg11[%parallel_loop3A_426, %parallel_loop3A_427, %parallel_loop3A_428] {strides = array<i32>} : memref<2x80x64xi32, #tpu.memory_space<vmem>>, vector<16xi32>,
        %parallel_loop3A_430 = vector.bitcast %parallel_loop3A_429 : vector<16xi32> to vector<32xbf16>
        %parallel_loop3A_431 = arith.mulf %parallel_loop3A_424, %parallel_loop3A_430 : vector<32xbf16>
        %parallel_loop3A_432 = tpu.unpack_subelements %parallel_loop3A_431, 0 {pack_format = #tpu.pack_format<interleaved>} : vector<32xbf16> -> vector<16xf32>
        %parallel_loop3A_433 = tpu.unpack_subelements %parallel_loop3A_431, 1 {pack_format = #tpu.pack_format<interleaved>} : vector<32xbf16> -> vector<16xf32>
        %parallel_loop3A_434 = arith.constant 1 : i32
        %parallel_loop3A_435 = arith.index_cast %parallel_loop3A_434 : i32 to index
        %parallel_loop3A_436 = arith.index_cast %parallel_loop3A_418 : i32 to index
        %parallel_loop3A_437 = arith.constant 16 : index
        %parallel_loop3A_438 = tpu.vector_load %arg10[%parallel_loop3A_435, %parallel_loop3A_436, %parallel_loop3A_437] {strides = array<i32>} : memref<2x80x64xi32, #tpu.memory_space<vmem>>, vector<16xi32>,
        %parallel_loop3A_439 = vector.bitcast %parallel_loop3A_438 : vector<16xi32> to vector<32xbf16>
        %parallel_loop3A_440 = arith.constant 1 : i32
        %parallel_loop3A_441 = arith.index_cast %parallel_loop3A_440 : i32 to index
        %parallel_loop3A_442 = arith.index_cast %parallel_loop3A_418 : i32 to index
        %parallel_loop3A_443 = arith.constant 16 : index
        %parallel_loop3A_444 = tpu.vector_load %arg11[%parallel_loop3A_441, %parallel_loop3A_442, %parallel_loop3A_443] {strides = array<i32>} : memref<2x80x64xi32, #tpu.memory_space<vmem>>, vector<16xi32>,
        %parallel_loop3A_445 = vector.bitcast %parallel_loop3A_444 : vector<16xi32> to vector<32xbf16>
        %parallel_loop3A_446 = arith.mulf %parallel_loop3A_439, %parallel_loop3A_445 : vector<32xbf16>
        %parallel_loop3A_447 = tpu.unpack_subelements %parallel_loop3A_446, 0 {pack_format = #tpu.pack_format<interleaved>} : vector<32xbf16> -> vector<16xf32>
        %parallel_loop3A_448 = tpu.unpack_subelements %parallel_loop3A_446, 1 {pack_format = #tpu.pack_format<interleaved>} : vector<32xbf16> -> vector<16xf32>
        %parallel_loop3A_449 = arith.constant 1 : i32
        %parallel_loop3A_450 = arith.index_cast %parallel_loop3A_449 : i32 to index
        %parallel_loop3A_451 = arith.index_cast %parallel_loop3A_418 : i32 to index
        %parallel_loop3A_452 = arith.constant 32 : index
        %parallel_loop3A_453 = tpu.vector_load %arg10[%parallel_loop3A_450, %parallel_loop3A_451, %parallel_loop3A_452] {strides = array<i32>} : memref<2x80x64xi32, #tpu.memory_space<vmem>>, vector<16xi32>,
        %parallel_loop3A_454 = vector.bitcast %parallel_loop3A_453 : vector<16xi32> to vector<32xbf16>
        %parallel_loop3A_455 = arith.constant 1 : i32
        %parallel_loop3A_456 = arith.index_cast %parallel_loop3A_455 : i32 to index
        %parallel_loop3A_457 = arith.index_cast %parallel_loop3A_418 : i32 to index
        %parallel_loop3A_458 = arith.constant 32 : index
        %parallel_loop3A_459 = tpu.vector_load %arg11[%parallel_loop3A_456, %parallel_loop3A_457, %parallel_loop3A_458] {strides = array<i32>} : memref<2x80x64xi32, #tpu.memory_space<vmem>>, vector<16xi32>,
        %parallel_loop3A_460 = vector.bitcast %parallel_loop3A_459 : vector<16xi32> to vector<32xbf16>
        %parallel_loop3A_461 = arith.mulf %parallel_loop3A_454, %parallel_loop3A_460 : vector<32xbf16>
        %parallel_loop3A_462 = tpu.unpack_subelements %parallel_loop3A_461, 0 {pack_format = #tpu.pack_format<interleaved>} : vector<32xbf16> -> vector<16xf32>
        %parallel_loop3A_463 = tpu.unpack_subelements %parallel_loop3A_461, 1 {pack_format = #tpu.pack_format<interleaved>} : vector<32xbf16> -> vector<16xf32>
        %parallel_loop3A_464 = arith.constant 1 : i32
        %parallel_loop3A_465 = arith.index_cast %parallel_loop3A_464 : i32 to index
        %parallel_loop3A_466 = arith.index_cast %parallel_loop3A_418 : i32 to index
        %parallel_loop3A_467 = arith.constant 48 : index
        %parallel_loop3A_468 = tpu.vector_load %arg10[%parallel_loop3A_465, %parallel_loop3A_466, %parallel_loop3A_467] {strides = array<i32>} : memref<2x80x64xi32, #tpu.memory_space<vmem>>, vector<16xi32>,
        %parallel_loop3A_469 = vector.bitcast %parallel_loop3A_468 : vector<16xi32> to vector<32xbf16>
        %parallel_loop3A_470 = arith.constant 1 : i32
        %parallel_loop3A_471 = arith.index_cast %parallel_loop3A_470 : i32 to index
        %parallel_loop3A_472 = arith.index_cast %parallel_loop3A_418 : i32 to index
        %parallel_loop3A_473 = arith.constant 48 : index
        %parallel_loop3A_474 = tpu.vector_load %arg11[%parallel_loop3A_471, %parallel_loop3A_472, %parallel_loop3A_473] {strides = array<i32>} : memref<2x80x64xi32, #tpu.memory_space<vmem>>, vector<16xi32>,
        %parallel_loop3A_475 = vector.bitcast %parallel_loop3A_474 : vector<16xi32> to vector<32xbf16>
        %parallel_loop3A_476 = arith.mulf %parallel_loop3A_469, %parallel_loop3A_475 : vector<32xbf16>
        %parallel_loop3A_477 = tpu.unpack_subelements %parallel_loop3A_476, 0 {pack_format = #tpu.pack_format<interleaved>} : vector<32xbf16> -> vector<16xf32>
        %parallel_loop3A_478 = tpu.unpack_subelements %parallel_loop3A_476, 1 {pack_format = #tpu.pack_format<interleaved>} : vector<32xbf16> -> vector<16xf32>
        %parallel_loop3A_479 = arith.addf %parallel_loop3A_432, %parallel_loop3A_433 : vector<16xf32>
        %parallel_loop3A_480 = arith.addf %parallel_loop3A_447, %parallel_loop3A_448 : vector<16xf32>
        %parallel_loop3A_481 = arith.addf %parallel_loop3A_462, %parallel_loop3A_463 : vector<16xf32>
        %parallel_loop3A_482 = arith.addf %parallel_loop3A_477, %parallel_loop3A_478 : vector<16xf32>
        %parallel_loop3A_483 = arith.addf %parallel_loop3A_479, %parallel_loop3A_480 : vector<16xf32>
        %parallel_loop3A_484 = arith.addf %parallel_loop3A_481, %parallel_loop3A_482 : vector<16xf32>
        %parallel_loop3A_485 = arith.addf %parallel_loop3A_483, %parallel_loop3A_484 : vector<16xf32>
        %parallel_loop3A_486 = vector.broadcast %parallel_loop3A_418 : i32 to vector<16xi32>
        %parallel_loop3A_487 = arith.addi %mul3A_41, %parallel_loop3A_486 : vector<16xi32>
        tpu.vector_store_idx %arg13[%parallel_loop3A_487], %parallel_loop3A_485 : memref<1360xf32, #tpu.memory_space<vmem>>[vector<16xi32>], vector<16xf32>,
      } {sc.loop_unroll_factor = 4 : i64, sc.parallel_access}
      %parallel_loop3A_400 = arith.constant 0 : i32
      %parallel_loop3A_401 = arith.constant 5 : i32
      %parallel_loop3A_402 = arith.constant 1 : i32
      scf.for %parallel_loop3A_418 = %parallel_loop3A_400 to %parallel_loop3A_401 step %parallel_loop3A_402  : i32 {
        %parallel_loop3A_419 = arith.constant 16 : i32
        %parallel_loop3A_420 = arith.muli %parallel_loop3A_418, %parallel_loop3A_419 : i32
        %parallel_loop3A_421 = vector.broadcast %parallel_loop3A_420 : i32 to vector<16xi32>
        %parallel_loop3A_422 = arith.addi %parallel_loop3A_421, %iota3A : vector<16xi32>
        %parallel_loop3A_423 = arith.constant 0 : i32
        %parallel_loop3A_424 = vector.broadcast %parallel_loop3A_423 : i32 to vector<16xi32>
        %parallel_loop3A_425 = arith.addi %parallel_loop3A_422, %parallel_loop3A_424 : vector<16xi32>
        %parallel_loop3A_426 = tpu.vector_load_idx %arg13[%parallel_loop3A_425] : memref<1360xf32, #tpu.memory_space<vmem>>[vector<16xi32>], vector<16xf32>,
        %parallel_loop3A_427 = arith.constant 85 : i32
        %parallel_loop3A_428 = vector.broadcast %parallel_loop3A_427 : i32 to vector<16xi32>
        %parallel_loop3A_429 = arith.addi %parallel_loop3A_422, %parallel_loop3A_428 : vector<16xi32>
        %parallel_loop3A_430 = tpu.vector_load_idx %arg13[%parallel_loop3A_429] : memref<1360xf32, #tpu.memory_space<vmem>>[vector<16xi32>], vector<16xf32>,
        %parallel_loop3A_431 = arith.constant 170 : i32
        %parallel_loop3A_432 = vector.broadcast %parallel_loop3A_431 : i32 to vector<16xi32>
        %parallel_loop3A_433 = arith.addi %parallel_loop3A_422, %parallel_loop3A_432 : vector<16xi32>
        %parallel_loop3A_434 = tpu.vector_load_idx %arg13[%parallel_loop3A_433] : memref<1360xf32, #tpu.memory_space<vmem>>[vector<16xi32>], vector<16xf32>,
        %parallel_loop3A_435 = arith.constant 255 : i32
        %parallel_loop3A_436 = vector.broadcast %parallel_loop3A_435 : i32 to vector<16xi32>
        %parallel_loop3A_437 = arith.addi %parallel_loop3A_422, %parallel_loop3A_436 : vector<16xi32>
        %parallel_loop3A_438 = tpu.vector_load_idx %arg13[%parallel_loop3A_437] : memref<1360xf32, #tpu.memory_space<vmem>>[vector<16xi32>], vector<16xf32>,
        %parallel_loop3A_439 = arith.constant 340 : i32
        %parallel_loop3A_440 = vector.broadcast %parallel_loop3A_439 : i32 to vector<16xi32>
        %parallel_loop3A_441 = arith.addi %parallel_loop3A_422, %parallel_loop3A_440 : vector<16xi32>
        %parallel_loop3A_442 = tpu.vector_load_idx %arg13[%parallel_loop3A_441] : memref<1360xf32, #tpu.memory_space<vmem>>[vector<16xi32>], vector<16xf32>,
        %parallel_loop3A_443 = arith.addf %parallel_loop3A_426, %parallel_loop3A_442 : vector<16xf32>
        %parallel_loop3A_444 = arith.constant 425 : i32
        %parallel_loop3A_445 = vector.broadcast %parallel_loop3A_444 : i32 to vector<16xi32>
        %parallel_loop3A_446 = arith.addi %parallel_loop3A_422, %parallel_loop3A_445 : vector<16xi32>
        %parallel_loop3A_447 = tpu.vector_load_idx %arg13[%parallel_loop3A_446] : memref<1360xf32, #tpu.memory_space<vmem>>[vector<16xi32>], vector<16xf32>,
        %parallel_loop3A_448 = arith.addf %parallel_loop3A_430, %parallel_loop3A_447 : vector<16xf32>
        %parallel_loop3A_449 = arith.constant 510 : i32
        %parallel_loop3A_450 = vector.broadcast %parallel_loop3A_449 : i32 to vector<16xi32>
        %parallel_loop3A_451 = arith.addi %parallel_loop3A_422, %parallel_loop3A_450 : vector<16xi32>
        %parallel_loop3A_452 = tpu.vector_load_idx %arg13[%parallel_loop3A_451] : memref<1360xf32, #tpu.memory_space<vmem>>[vector<16xi32>], vector<16xf32>,
        %parallel_loop3A_453 = arith.addf %parallel_loop3A_434, %parallel_loop3A_452 : vector<16xf32>
        %parallel_loop3A_454 = arith.constant 595 : i32
        %parallel_loop3A_455 = vector.broadcast %parallel_loop3A_454 : i32 to vector<16xi32>
        %parallel_loop3A_456 = arith.addi %parallel_loop3A_422, %parallel_loop3A_455 : vector<16xi32>
        %parallel_loop3A_457 = tpu.vector_load_idx %arg13[%parallel_loop3A_456] : memref<1360xf32, #tpu.memory_space<vmem>>[vector<16xi32>], vector<16xf32>,
        %parallel_loop3A_458 = arith.addf %parallel_loop3A_438, %parallel_loop3A_457 : vector<16xf32>
        %parallel_loop3A_459 = arith.constant 680 : i32
        %parallel_loop3A_460 = vector.broadcast %parallel_loop3A_459 : i32 to vector<16xi32>
        %parallel_loop3A_461 = arith.addi %parallel_loop3A_422, %parallel_loop3A_460 : vector<16xi32>
        %parallel_loop3A_462 = tpu.vector_load_idx %arg13[%parallel_loop3A_461] : memref<1360xf32, #tpu.memory_space<vmem>>[vector<16xi32>], vector<16xf32>,
        %parallel_loop3A_463 = arith.addf %parallel_loop3A_443, %parallel_loop3A_462 : vector<16xf32>
        %parallel_loop3A_464 = arith.constant 765 : i32
        %parallel_loop3A_465 = vector.broadcast %parallel_loop3A_464 : i32 to vector<16xi32>
        %parallel_loop3A_466 = arith.addi %parallel_loop3A_422, %parallel_loop3A_465 : vector<16xi32>
        %parallel_loop3A_467 = tpu.vector_load_idx %arg13[%parallel_loop3A_466] : memref<1360xf32, #tpu.memory_space<vmem>>[vector<16xi32>], vector<16xf32>,
        %parallel_loop3A_468 = arith.addf %parallel_loop3A_448, %parallel_loop3A_467 : vector<16xf32>
        %parallel_loop3A_469 = arith.constant 850 : i32
        %parallel_loop3A_470 = vector.broadcast %parallel_loop3A_469 : i32 to vector<16xi32>
        %parallel_loop3A_471 = arith.addi %parallel_loop3A_422, %parallel_loop3A_470 : vector<16xi32>
        %parallel_loop3A_472 = tpu.vector_load_idx %arg13[%parallel_loop3A_471] : memref<1360xf32, #tpu.memory_space<vmem>>[vector<16xi32>], vector<16xf32>,
        %parallel_loop3A_473 = arith.addf %parallel_loop3A_453, %parallel_loop3A_472 : vector<16xf32>
        %parallel_loop3A_474 = arith.constant 935 : i32
        %parallel_loop3A_475 = vector.broadcast %parallel_loop3A_474 : i32 to vector<16xi32>
        %parallel_loop3A_476 = arith.addi %parallel_loop3A_422, %parallel_loop3A_475 : vector<16xi32>
        %parallel_loop3A_477 = tpu.vector_load_idx %arg13[%parallel_loop3A_476] : memref<1360xf32, #tpu.memory_space<vmem>>[vector<16xi32>], vector<16xf32>,
        %parallel_loop3A_478 = arith.addf %parallel_loop3A_458, %parallel_loop3A_477 : vector<16xf32>
        %parallel_loop3A_479 = arith.constant 1020 : i32
        %parallel_loop3A_480 = vector.broadcast %parallel_loop3A_479 : i32 to vector<16xi32>
        %parallel_loop3A_481 = arith.addi %parallel_loop3A_422, %parallel_loop3A_480 : vector<16xi32>
        %parallel_loop3A_482 = tpu.vector_load_idx %arg13[%parallel_loop3A_481] : memref<1360xf32, #tpu.memory_space<vmem>>[vector<16xi32>], vector<16xf32>,
        %parallel_loop3A_483 = arith.addf %parallel_loop3A_463, %parallel_loop3A_482 : vector<16xf32>
        %parallel_loop3A_484 = arith.constant 1105 : i32
        %parallel_loop3A_485 = vector.broadcast %parallel_loop3A_484 : i32 to vector<16xi32>
        %parallel_loop3A_486 = arith.addi %parallel_loop3A_422, %parallel_loop3A_485 : vector<16xi32>
        %parallel_loop3A_487 = tpu.vector_load_idx %arg13[%parallel_loop3A_486] : memref<1360xf32, #tpu.memory_space<vmem>>[vector<16xi32>], vector<16xf32>,
        %parallel_loop3A_488 = arith.addf %parallel_loop3A_468, %parallel_loop3A_487 : vector<16xf32>
        %parallel_loop3A_489 = arith.constant 1190 : i32
        %parallel_loop3A_490 = vector.broadcast %parallel_loop3A_489 : i32 to vector<16xi32>
        %parallel_loop3A_491 = arith.addi %parallel_loop3A_422, %parallel_loop3A_490 : vector<16xi32>
        %parallel_loop3A_492 = tpu.vector_load_idx %arg13[%parallel_loop3A_491] : memref<1360xf32, #tpu.memory_space<vmem>>[vector<16xi32>], vector<16xf32>,
        %parallel_loop3A_493 = arith.addf %parallel_loop3A_473, %parallel_loop3A_492 : vector<16xf32>
        %parallel_loop3A_494 = arith.constant 1275 : i32
        %parallel_loop3A_495 = vector.broadcast %parallel_loop3A_494 : i32 to vector<16xi32>
        %parallel_loop3A_496 = arith.addi %parallel_loop3A_422, %parallel_loop3A_495 : vector<16xi32>
        %parallel_loop3A_497 = tpu.vector_load_idx %arg13[%parallel_loop3A_496] : memref<1360xf32, #tpu.memory_space<vmem>>[vector<16xi32>], vector<16xf32>,
        %parallel_loop3A_498 = arith.addf %parallel_loop3A_478, %parallel_loop3A_497 : vector<16xf32>
        %parallel_loop3A_499 = arith.addf %parallel_loop3A_483, %parallel_loop3A_488 : vector<16xf32>
        %parallel_loop3A_500 = arith.addf %parallel_loop3A_493, %parallel_loop3A_498 : vector<16xf32>
        %parallel_loop3A_501 = arith.addf %parallel_loop3A_499, %parallel_loop3A_500 : vector<16xf32>
        %parallel_loop3A_502 = arith.constant 16 : i32
        %parallel_loop3A_503 = arith.muli %parallel_loop3A_418, %parallel_loop3A_502 : i32
        %parallel_loop3A_504 = arith.constant 1 : i32
        %parallel_loop3A_505 = arith.index_cast %parallel_loop3A_504 : i32 to index
        %parallel_loop3A_506 = arith.index_cast %parallel_loop3A_503 : i32 to index
        %parallel_loop3A_507 = tpu.vector_load %arg12[%parallel_loop3A_505, %parallel_loop3A_506] {strides = array<i32>} : memref<2x80xf32, #tpu.memory_space<vmem>>, vector<16xf32>,
        tpu.vector_store %arg12[%parallel_loop3A_505, %parallel_loop3A_506], %parallel_loop3A_501 {strides = array<i32>} : memref<2x80xf32, #tpu.memory_space<vmem>>, vector<16xf32>,
      } {sc.loop_unroll_factor = 1 : i64, sc.parallel_access}
      %mul3A_403 = arith.constant 80 : i32
      %mul3A_404 = arith.muli %add3A_317, %mul3A_403 : i32
      %add3A_405 = arith.addi %mul3A_2, %mul3A_404 : i32
      %dma_start3A_406 = arith.constant 1 : i32
      %dma_start3A_407 = arith.constant 1 : i32
      %dma_start3A_408 = arith.constant 0 : i32
      %dma_start3A_409 = tpu.memref_slice %arg12[%dma_start3A_406, %dma_start3A_408] : memref<2x80xf32, #tpu.memory_space<vmem>> -> memref<1x80xf32, #tpu.memory_space<vmem>>
      %dma_start3A_410 = tpu.memref_squeeze %dma_start3A_409 : memref<1x80xf32, #tpu.memory_space<vmem>> -> memref<80xf32, #tpu.memory_space<vmem>>
      %dma_start3A_411 = tpu.memref_slice %arg7[%add3A_405] : memref<640000xf32, #tpu.memory_space<hbm>> -> memref<80xf32, #tpu.memory_space<hbm>>
      %dma_start3A_412 = tpu.memref_slice %arg20[%dma_start3A_407] : memref<2x!tpu.dma_semaphore, #tpu.memory_space<semaphore_mem>> -> memref<1x!tpu.dma_semaphore, #tpu.memory_space<semaphore_mem>>
      %dma_start3A_413 = tpu.memref_squeeze %dma_start3A_412 : memref<1x!tpu.dma_semaphore, #tpu.memory_space<semaphore_mem>> -> memref<!tpu.dma_semaphore, #tpu.memory_space<semaphore_mem>>
      %dma_start3A_414 = tpu.memref_slice %arg7[%add3A_405] : memref<640000xf32, #tpu.memory_space<hbm>> -> memref<80xf32, #tpu.memory_space<hbm>>
      %dma_start3A_415 = arith.constant 0 : i32
      %dma_start3A_416 = tpu.memref_slice %arg12[%dma_start3A_406, %dma_start3A_415] : memref<2x80xf32, #tpu.memory_space<vmem>> -> memref<1x80xf32, #tpu.memory_space<vmem>>
      %dma_start3A_417 = tpu.memref_squeeze %dma_start3A_416 : memref<1x80xf32, #tpu.memory_space<vmem>> -> memref<80xf32, #tpu.memory_space<vmem>>
      tpu.enqueue_dma source(%dma_start3A_417 : memref<80xf32, #tpu.memory_space<vmem>>) target(%dma_start3A_414 : memref<80xf32, #tpu.memory_space<hbm>>) target_semaphore(%dma_start3A_413 : memref<!tpu.dma_semaphore, #tpu.memory_space<semaphore_mem>>)
    }
    %scan3A_184 = arith.constant 125 : i32
    %dma_wait3A_185 = arith.constant 0 : i32
    %dma_wait3A_186 = arith.constant 0 : i32
    %dma_wait3A_187 = arith.constant 0 : i32
    %dma_wait3A_188 = tpu.memref_slice %arg12[%dma_wait3A_185, %dma_wait3A_187] : memref<2x80xf32, #tpu.memory_space<vmem>> -> memref<1x80xf32, #tpu.memory_space<vmem>>
    %dma_wait3A_189 = tpu.memref_squeeze %dma_wait3A_188 : memref<1x80xf32, #tpu.memory_space<vmem>> -> memref<80xf32, #tpu.memory_space<vmem>>
    %dma_wait3A_190 = arith.constant 0 : i32
    %dma_wait3A_191 = tpu.memref_slice %arg7[%dma_wait3A_190] : memref<640000xf32, #tpu.memory_space<hbm>> -> memref<80xf32, #tpu.memory_space<hbm>>
    %dma_wait3A_192 = tpu.memref_slice %arg20[%dma_wait3A_186] : memref<2x!tpu.dma_semaphore, #tpu.memory_space<semaphore_mem>> -> memref<1x!tpu.dma_semaphore, #tpu.memory_space<semaphore_mem>>
    %dma_wait3A_193 = tpu.memref_squeeze %dma_wait3A_192 : memref<1x!tpu.dma_semaphore, #tpu.memory_space<semaphore_mem>> -> memref<!tpu.dma_semaphore, #tpu.memory_space<semaphore_mem>>
    %dma_wait3A_194 = arith.constant 0 : i32
    %dma_wait3A_195 = tpu.memref_slice %arg7[%dma_wait3A_194] : memref<640000xf32, #tpu.memory_space<hbm>> -> memref<80xf32, #tpu.memory_space<hbm>>
    %dma_wait3A_196 = arith.constant 0 : i32
    %dma_wait3A_197 = tpu.memref_slice %arg12[%dma_wait3A_185, %dma_wait3A_196] : memref<2x80xf32, #tpu.memory_space<vmem>> -> memref<1x80xf32, #tpu.memory_space<vmem>>
    %dma_wait3A_198 = tpu.memref_squeeze %dma_wait3A_197 : memref<1x80xf32, #tpu.memory_space<vmem>> -> memref<80xf32, #tpu.memory_space<vmem>>
    tpu.wait_dma2 semaphore(%dma_wait3A_193 : memref<!tpu.dma_semaphore, #tpu.memory_space<semaphore_mem>>) src(%dma_wait3A_198 : memref<80xf32, #tpu.memory_space<vmem>>) dst(%dma_wait3A_195 : memref<80xf32, #tpu.memory_space<hbm>>)
    %dma_wait3A_199 = arith.constant 1 : i32
    %dma_wait3A_200 = arith.constant 1 : i32
    %dma_wait3A_201 = arith.constant 0 : i32
    %dma_wait3A_202 = tpu.memref_slice %arg12[%dma_wait3A_199, %dma_wait3A_201] : memref<2x80xf32, #tpu.memory_space<vmem>> -> memref<1x80xf32, #tpu.memory_space<vmem>>
    %dma_wait3A_203 = tpu.memref_squeeze %dma_wait3A_202 : memref<1x80xf32, #tpu.memory_space<vmem>> -> memref<80xf32, #tpu.memory_space<vmem>>
    %dma_wait3A_204 = arith.constant 0 : i32
    %dma_wait3A_205 = tpu.memref_slice %arg7[%dma_wait3A_204] : memref<640000xf32, #tpu.memory_space<hbm>> -> memref<80xf32, #tpu.memory_space<hbm>>
    %dma_wait3A_206 = tpu.memref_slice %arg20[%dma_wait3A_200] : memref<2x!tpu.dma_semaphore, #tpu.memory_space<semaphore_mem>> -> memref<1x!tpu.dma_semaphore, #tpu.memory_space<semaphore_mem>>
    %dma_wait3A_207 = tpu.memref_squeeze %dma_wait3A_206 : memref<1x!tpu.dma_semaphore, #tpu.memory_space<semaphore_mem>> -> memref<!tpu.dma_semaphore, #tpu.memory_space<semaphore_mem>>
    %dma_wait3A_208 = arith.constant 0 : i32
    %dma_wait3A_209 = tpu.memref_slice %arg7[%dma_wait3A_208] : memref<640000xf32, #tpu.memory_space<hbm>> -> memref<80xf32, #tpu.memory_space<hbm>>
    %dma_wait3A_210 = arith.constant 0 : i32
    %dma_wait3A_211 = tpu.memref_slice %arg12[%dma_wait3A_199, %dma_wait3A_210] : memref<2x80xf32, #tpu.memory_space<vmem>> -> memref<1x80xf32, #tpu.memory_space<vmem>>
    %dma_wait3A_212 = tpu.memref_squeeze %dma_wait3A_211 : memref<1x80xf32, #tpu.memory_space<vmem>> -> memref<80xf32, #tpu.memory_space<vmem>>
    tpu.wait_dma2 semaphore(%dma_wait3A_207 : memref<!tpu.dma_semaphore, #tpu.memory_space<semaphore_mem>>) src(%dma_wait3A_212 : memref<80xf32, #tpu.memory_space<vmem>>) dst(%dma_wait3A_209 : memref<80xf32, #tpu.memory_space<hbm>>)
    return
  }
}

</mosaic_0001>

<sc_bundles>
// kernel: kernel.3.cloned.1.call-start
scs
__scs_entry_jumppad:
0x0: {  	(pc) =	sbr.rel $0x88, $3  }
0x1: {  	(tag) =	ssettag $0x0;
	lr =	simm.s32 $0x1  }
0x2: {  	[smem:$0x3F9C] =	sst lr;
	_ =	strace $0xD0000000  }
0x3: {  	_ = 	snop  }
0x4: {  	_ = 	snop  }
0x5: {  	_ = 	snop  }
0x6: {  	_ = 	snop  }
0x7: {  	_ = 	snop  }
__scs_overlays_trampoline_lowered:
0x8: {  	[smem:$0x3FAB] =	sst s0  }
0x9: {  	[smem:$0x3FAC] =	sst s1  }
0xa: {  	[smem:$0x3FAD] =	sst s2  }
0xb: {  	[smem:$0x3FAE] =	sst s3  }
0xc: {  	[smem:$0x3FAF] =	sst s4  }
0xd: {  	[smem:$0x3FB0] =	sst s5  }
0xe: {  	[smem:$0x3FB1] =	sst s6  }
0xf: {  	[smem:$0x3FB2] =	sst s7  }
0x10: {  	[smem:$0x3FB3] =	sst s8  }
0x11: {  	[smem:$0x3FB4] =	sst s9;
	s0 =	simm.s32 @!p0 $0x0  }
0x12: {  	s1 =	sld [smem:$0x3F9A];
	s0 =	simm.s32 @p0 $0x1  }
0x13: {  	[smem:$0x3FB5] =	sst s0;
	s0 =	simm.s32 @!p1 $0x0  }
0x14: {  	s2 =	sld [smem:$0x3F99];
	s0 =	simm.s32 @p1 $0x1  }
0x15: {  	[smem:$0x3FB6] =	sst s0;
	s0 =	simm.s32 @!p2 $0x0  }
0x16: {  	s3 =	sld [smem:$0x3FDB];
	s0 =	simm.s32 @p2 $0x1  }
0x17: {  	s4 =	simm.s32 $0x1BF5;
	[smem:$0x3FB8] =	sst s0  }
0x18: {  	s0 =	sld [smem:$0x3F9B];
	_ =	swait.ge [sflag:s4], $0x0  }
0x19: {  	s7 =	sld [smem:$0x3F9C]  }
0x1a: {  	s8 =	sadd.s32 $0xFFFFE003, lr  }
0x1b: {  	s9 =	sadd.s32 $0xFFFFFEF7, lr;
	s5 =	simm.s32 $0xFFFFFFFF;
	p2 =	slt.u32 s8, $0xFFFFF086  }
0x1c: {  	p1 =	slt.u32 s9, $0xF7A;
	s5 =	simm.s32 @!p2 $0x0  }
0x1d: {  	s5 =	simm.s32 @p1 $0x1;
	p0 =	seq.s32 s7, s2  }
0x1e: {  	s7 =	smul.u32 @!p0 $0xF7A, s2;
	p2 =	seq.s32 @!p0 s5, $0x0  }
0x1f: {  	s9 =	smul.u32 $0xF7A, s1;
	s8 =	simm.s32 @!p0 $0x1BF5;
	p2 =	por !p2, p0  }
0x20: {  	[sflag:s8] =	ssyncset.s32 @!p0 $0xFFFFF086;
	s6 =	sadd.s32 @!p0 s3, s7;
	s7 =	simm.s32 @!p0 $0x108  }
0x21: {  	s3 =	sadd.s32 s3, s9;
	s6 =	sadd.s32 @!p0 $0x88, s6;
	s7 =	simm.s32 @p2 $0x1082  }
0x22: {  	[simem:s7], [sflag:s8] =	dma.local @!p0 [hbm:s6], $0xF7A  }
0x23: {  	s9 =	sor.u32 $0xD0000000, s2;
	s6 =	simm.s32 $0x108;
	_ =	swait.ge @!p0 [sflag:s8], $0x0  }
0x24: {  	s3 =	sadd.s32 $0x88, s3;
	s6 =	simm.s32 @!p1 $0x1082;
	[sflag:s4] =	ssyncset.s32 $0xFFFFF086  }
0x25: {  	[simem:s6], [sflag:s4] =	dma.local [hbm:s3], $0xF7A  }
0x26: {  	[smem:$0x3F9C] =	sst s1;
	(tag) =	ssettag s2;
	_ =	strace s9  }
0x27: {  	s1 =	sld [smem:$0x3FAC]  }
0x28: {  	s2 =	sld [smem:$0x3FAD]  }
0x29: {  	s4 =	sld [smem:$0x3FAF]  }
0x2a: {  	p0 =	seq.s32 s5, $0x0;
	s5 =	sld [smem:$0x3FB0]  }
0x2b: {  	s6 =	sld [smem:$0x3FB1]  }
0x2c: {  	s7 =	sld [smem:$0x3FB2]  }
0x2d: {  	s3 =	simm.s32 $0x108;
	s8 =	sld [smem:$0x3FB3]  }
0x2e: {  	s3 =	simm.s32 @!p0 $0x1082;
	s9 =	sld [smem:$0x3FB4]  }
0x2f: {  	lr =	sadd.s32 s0, s3;
	s0 =	sld [smem:$0x3FAB]  }
0x30: {  	s3 =	sld [smem:$0x3FAE]  }
0x31: {  	[smem:$0x3FB7] =	sst s10  }
0x32: {  	s10 =	sld [smem:$0x3FB5];
	_ =	sdelay $0x3  }
0x33: {  	p0 =	seq.s32 s10, $0x1;
	s10 =	sld [smem:$0x3FB7];
	_ =	sdelay $0x3  }
0x34: {  	[smem:$0x3FB7] =	sst s10  }
0x35: {  	s10 =	sld [smem:$0x3FB6];
	_ =	sdelay $0x3  }
0x36: {  	p1 =	seq.s32 s10, $0x1;
	s10 =	sld [smem:$0x3FB7];
	_ =	sdelay $0x3  }
0x37: {  	[smem:$0x3FB7] =	sst s10  }
0x38: {  	s10 =	sld [smem:$0x3FB8]  }
0x39: {  	_ = 	snop;
	(pc) =	sbr.ind lr, $3  }
0x3a: {  	_ = 	snop  }
0x3b: {  	_ = 	snop  }
0x3c: {  	p2 =	seq.s32 s10, $0x1;
	s10 =	sld [smem:$0x3FB7]  }
0x3d: {  	_ =	shalt  }
0x3e: {  	_ =	shalt  }
0x3f: {  	_ =	shalt  }
0x40: {  	_ =	shalt  }
0x41: {  	_ =	shalt  }
0x42: {  	_ =	shalt  }
0x43: {  	_ =	shalt  }
0x44: {  	_ =	shalt  }
0x45: {  	_ =	shalt  }
0x46: {  	_ =	shalt  }
0x47: {  	_ =	shalt  }
0x48: {  	_ =	shalt  }
0x49: {  	_ =	shalt  }
0x4a: {  	_ =	shalt  }
0x4b: {  	_ =	shalt  }
0x4c: {  	_ =	shalt  }
0x4d: {  	_ =	shalt  }
0x4e: {  	_ =	shalt  }
0x4f: {  	_ =	shalt  }
0x50: {  	_ =	shalt  }
0x51: {  	_ =	shalt  }
0x52: {  	_ =	shalt  }
0x53: {  	_ =	shalt  }
0x54: {  	_ =	shalt  }
0x55: {  	_ =	shalt  }
0x56: {  	_ =	shalt  }
0x57: {  	_ =	shalt  }
0x58: {  	_ =	shalt  }
0x59: {  	_ =	shalt  }
0x5a: {  	_ =	shalt  }
0x5b: {  	_ =	shalt  }
0x5c: {  	_ =	shalt  }
0x5d: {  	_ =	shalt  }
0x5e: {  	_ =	shalt  }
0x5f: {  	_ =	shalt  }
0x60: {  	_ =	shalt  }
0x61: {  	_ =	shalt  }
0x62: {  	_ =	shalt  }
0x63: {  	_ =	shalt  }
0x64: {  	_ =	shalt  }
0x65: {  	_ =	shalt  }
0x66: {  	_ =	shalt  }
0x67: {  	_ =	shalt  }
0x68: {  	_ =	shalt  }
0x69: {  	_ =	shalt  }
0x6a: {  	_ =	shalt  }
0x6b: {  	_ =	shalt  }
0x6c: {  	_ =	shalt  }
0x6d: {  	_ =	shalt  }
0x6e: {  	_ =	shalt  }
0x6f: {  	_ =	shalt  }
0x70: {  	_ =	shalt  }
0x71: {  	_ =	shalt  }
0x72: {  	_ =	shalt  }
0x73: {  	_ =	shalt  }
0x74: {  	_ =	shalt  }
0x75: {  	_ =	shalt  }
0x76: {  	_ =	shalt  }
0x77: {  	_ =	shalt  }
0x78: {  	_ =	shalt  }
0x79: {  	_ =	shalt  }
0x7a: {  	_ =	shalt  }
0x7b: {  	_ =	shalt  }
0x7c: {  	_ =	shalt  }
0x7d: {  	_ =	shalt  }
0x7e: {  	_ =	shalt  }
0x7f: {  	_ =	shalt  }
0x80: {  	_ =	shalt  }
0x81: {  	_ =	shalt  }
0x82: {  	_ =	shalt  }
0x83: {  	_ =	shalt  }
0x84: {  	_ =	shalt  }
0x85: {  	_ =	shalt  }
0x86: {  	_ =	shalt  }
0x87: {  	_ =	shalt  }
.Lfunc_end0:
.L_simem_size_0:
called_computation_lowered:
.L_overlay_start_0:
0x88: {  	s2 =	sld [smem:$0x3FD9]  }
0x89: {  	s3 =	sld [smem:$0x3FFE];
	_ =	sdelay $0x1  }
0x8a: {  	s1 =	srdreg.scid  }
0x8b: {  	s0 =	sand.u32 $0x1, s1  }
0x8c: {  	s14 =	sshll.u32 s0, $0xA;
	s2 =	sadd.s32 s3, s2  }
0x8d: {  	s2 =	sadd.s32 s2, s14  }
0x8e: {  	[smem:$0x3FC3] =	sst s2  }
0x8f: {  	_ = 	snop  }
0x90: {  	s2 =	sld [smem:$0x3FD0];
	_ =	sdelay $0x2  }
0x91: {  	s15 =	simm.s32 $0xA;
	s4 =	simm.s32 $0x10  }
0x92: {  	[smem:s4], [sflag:s15] =	dma.local [hbm:s2], $0x1  }
0x93: {  	_ =	swait.eq [sflag:s15], $0x1  }
0x94: {  	[sflag:s15] =	ssyncset.done $0x0  }
0x95: {  	[sflag:s15] =	ssyncadd.s32 $0xFFFFFFFF  }
0x96: {  	s16 =	sld [smem:$0x10];
	(tm) =	ssettm $0x1  }
0x97: {  	s17 =	sld [smem:$0x3FFB];
	_ =	sdelay $0x3  }
0x98: {  	_ =	strace s17  }
0x99: {  	s3 =	sld [smem:$0x3FFC];
	_ =	sdelay $0x3  }
0x9a: {  	_ =	strace s3  }
0x9b: {  	s3 =	sld [smem:$0x3FFD];
	_ =	sdelay $0x3  }
0x9c: {  	_ =	strace s3  }
0x9d: {  	_ =	strace $0x8FFFFFFF  }
0x9e: {  	s18 =	sld [smem:$0x3FDB];
	_ =	sdelay $0x1  }
0x9f: {  	s19 =	simm.s32 $_scs_section_size  }
0xa0: {  	s5 =	simm.s32 $_size__tile_overlayer_lowered;
	s6 =	simm.s32 $_tile_overlayer_lowered  }
0xa1: {  	s22 =	simm.s32 $0x1BFF;
	s21 =	sshll.u32 s6, $0x1;
	s3 =	sadd.s32 s19, s18  }
0xa2: {  	s7 =	simm.s32 $0x0;
	s20 =	sshll.u32 s5, $0x1;
	s5 =	sadd.s32 s21, s3  }
0xa3: {  	[timem:s7], [sflag:s22] =	dma.local [hbm:s5], s20  }
0xa4: {  	_ =	swait.ge [sflag:s22], s20  }
0xa5: {  	s4 =	ssub.s32 $0x0, s20;
	[sflag:s22] =	ssyncset.done $0x0  }
0xa6: {  	[sflag:s22] =	ssyncadd.s32 s4;
	_ =	sdelay $0x1  }
0xa7: {  	s23 =	simm.s32 $0x1B8B  }
0xa8: {  	_ =	swait.ge [sflag:s23], $0x1  }
0xa9: {  	[sflag:s23] =	ssyncset.done $0x0  }
0xaa: {  	s25 =	simm.s32 $0x1B8E;
	s24 =	sld [smem:$0x3FFE];
	[sflag:s23] =	ssyncadd.s32 $0xFFFFFFFF  }
0xab: {  	s26 =	simm.s32 $execute0_lowered;
	[smem:$0x3FD2] =	sst s25  }
0xac: {  	s5 =	sshll.u32 s26, $0x1;
	_ =	strace $0x80000046;
	[dreg:$0x1] =	wrdreg $0xFFFFFFFF  }
0xad: {  	s28 =	simm.s32 $_size_execute0_lowered;
	s3 =	sadd.s32 s3, s5;
	[dreg:$0x0] =	wrdreg $0x0  }
0xae: {  	s5 =	sshll.u32 s28, $0x1;
	[dreg:$0x2] =	wrdreg s3  }
0xaf: {  	[dreg:$0x3] =	wrdreg s5  }
0xb0: {  	[dreg:$0x4] =	wrdreg $0xC0  }
0xb1: {  	_ =	task [dreg:s7], $0x5FFFF  }
0xb2: {  	[dreg:$0x1] =	wrdreg $0xFFFFFFFF  }
0xb3: {  	[dreg:$0x0] =	wrdreg $0x60  }
0xb4: {  	[dreg:$0x2] =	wrdreg s24  }
0xb5: {  	[dreg:$0x3] =	wrdreg s16  }
0xb6: {  	[dreg:$0x4] =	wrdreg $0x76B00  }
0xb7: {  	[dreg:$0x5] =	wrdreg $0x112F00  }
0xb8: {  	[dreg:$0x6] =	wrdreg $0x9  }
0xb9: {  	_ =	task.clear_ibuf [dreg:s7], $0x7FFFF;
	_ =	strace $0x90000046  }
0xba: {  	s29 =	simm.s32 $0x9;
	_ =	strace $0x80000048  }
0xbb: {  	_ =	swait.ge [sflag:s29], $0x1  }
0xbc: {  	[sflag:s29] =	ssyncadd.s32 $0xFFFFFFFF  }
0xbd: {  	_ =	strace $0x90000048  }
0xbe: {  	_ =	sfence  }
0xbf: {  	s30 =	sld [smem:$0x0];
	_ =	sdelay $0x2  }
0xc0: {  	s31 =	sshll.u32 s1, $0xD;
	s1 =	sshrl.u32 s1, $0x2  }
0xc1: {  	s3 =	sand.u32 $0x4000, s31;
	s1 =	sadd.s32 s1, s30  }
0xc2: {  	s0 =	sor.u32 s3, s0;
	s1 =	sshll.u32 s1, $0x11  }
0xc3: {  	s0 =	sor.u32 s1, s0  }
0xc4: {  	s0 =	sadd.s32 $0x8F2B, s0  }
0xc5: {  	[sflag:s0] =	ssyncadd.remote.s32 $0x1  }
0xc6: {  	_ =	sfence.sel $0xFFFF  }
0xc7: {  	[dreg:$0x0] =	wrdreg $0xFFFFFFFF;
	(pc) =	sbr.abs _section_cstart, $3  }
0xc8: {  	[dreg:$0x1] =	wrdreg $0xFFFFFFFF  }
0xc9: {  	_ =	task.clear_ibuf [dreg:s7], $0x2FFFF;
	_ =	strace $0x9FFFFFFF  }
0xca: {  	(tm) =	ssettm $0x7FFFFFFF  }
0xcb: {  	_ =	shalt  }
tec
execute0_lowered:
.L_overlay_start_1:
0x0: {  	(tag) =	ssettag $0x1  }
0x1: {  	s0 =	rddreg [dreg:$0x0]  }
0x2: {  	s2 =	rddreg [dreg:$0x2]  }
0x3: {  	s3 =	rddreg [dreg:$0x3]  }
0x4: {  	s4 =	simm.s32 $0x0;
	s1 =	srdreg.scid;
	s12 =	stileid.u32  }
0x5: {  	s29 =	simm.s32 $0x6;
	s28 =	simm.s32 $0x0;
	[smem:$0x7FF] =	sst s4  }
0x6: {  	s6 =	sadd.s32 $0x27400, s0;
	s1 =	sand.u32 $0x1, s1;
	s7 =	sadd.s32 $0x3AE00, s0  }
0x7: {  	s10 =	sshll.u32 s12, $0x1;
	s11 =	smul.u32 $0x9C40, s12;
	s8 =	sadd.s32 $0x4E800, s0  }
0x8: {  	s22 =	sshll.u32 s12, $0x6;
	_ =	strace $0x80000047;
	s5 =	ssub.s32 $0x2, s1  }
0x9: {  	s1 =	sor.u32 s1, s10;
	s10 =	sor.u32 $0x1C07, s22;
	s9 =	sshrl.u32 s5, $0x1  }
0xa: {  	s21 =	sshrl.u32 s11, $0x3;
	s23 =	sadd.s32 $0x1F40, s11;
	[dreg:$0x6] =	wrdreg s10  }
0xb: {  	s13 =	sadd.s32 $0x3E80, s11;
	s15 =	sadd.s32 s11, s3;
	s26 =	sadd.s32 $0x5DC0, s11  }
0xc: {  	s5 =	ssub.s32 s5, s9;
	s9 =	smul.u32 $0x4E20, s1;
	s1 =	sadd.s32 s11, s2  }
0xd: {  	s14 =	sadd.s32 s0, s21;
	s24 =	sshrl.u32 s23, $0x3;
	[dreg:$0x7] =	wrdreg s15  }
0xe: {  	s25 =	sshrl.u32 s13, $0x3;
	s12 =	sadd.s32 s23, s3;
	s13 =	sadd.s32 s13, s3  }
0xf: {  	s15 =	sshrl.u32 s26, $0x3;
	s11 =	sadd.s32 $0x7D00, s11;
	[dreg:$0x9] =	wrdreg s12  }
0x10: {  	s10 =	sadd.s32 s0, s24;
	[dreg:$0xb] =	wrdreg s13;
	s12 =	sadd.s32 s0, s15  }
0x11: {  	s16 =	sshrl.u32 s11, $0x3;
	s18 =	sadd.s32 s11, s3;
	s24 =	smax.u32 s5, $0x1  }
0x12: {  	v0 =	vlaneseq.u32;
	[dreg:$0x5] =	wrdreg s14;
	s13 =	simm.s32 $0x5770;
	s11 =	simm.s32 $0x50  }
0x13: {  	v4 =	vimm.s32 $0x43210765;
	v6 =	vimm.s32 $0x10765432;
	v8 =	vimm.s32 $0x65432107;
	s15 =	simm.s32 $0x1;
	s5 =	simm.s32 $0x0;
	[dreg:$0x8] =	wrdreg s10  }
0x14: {  	v10 =	vimm.s32 $0x32107654;
	v12 =	vimm.s32 $0x7654321;
	v14 =	vimm.s32 $0x21076543;
	s10 =	sadd.s32 s0, s25;
	[dreg:$0xc] =	wrdreg s12;
	s0 =	sadd.s32 s0, s16  }
0x15: {  	v1 =	vmul.u32 $0x55, v0;
	v2 =	vand.u32 $0x7, v0;
	v5 =	vunpack.c.l.s4.s8 v4;
	s17 =	sshrl.u32 s9, $0x3;
	s20 =	sadd.s32 $0x50, s9;
	[dreg:$0xf] =	wrdreg s18  }
0x16: {  	v4 =	vadd.s32 $0x55, v0;
	v7 =	vunpack.c.l.s4.s8 v6;
	v6 =	vadd.s32 $0xAA, v0;
	[dreg:$0x14] =	wrdreg s24;
	s25 =	sshrl.u32 s1, $0x3;
	s30 =	sadd.s32 $0xA0, s9  }
0x17: {  	v9 =	vunpack.c.l.s4.s8 v8;
	v8 =	vadd.s32 $0xFF, v0;
	v11 =	vunpack.c.l.s4.s8 v10;
	s31 =	sadd.s32 $0xF0, s9;
	s12 =	simm.s32 $0xF0;
	[dreg:$0xa] =	wrdreg s10  }
0x18: {  	v10 =	vadd.s32 $0x154, v0;
	v13 =	vunpack.c.l.s4.s8 v12;
	v12 =	vimm.s32 $0x54321076;
	s16 =	simm.s32 $0x4;
	s24 =	simm.s32 $0x5140;
	[dreg:$0xe] =	wrdreg s0  }
0x19: {  	v17 =	vunpack.c.l.s4.s8 v14;
	v14 =	vadd.s32 $0x1FE, v0;
	v16 =	vadd.s32 $0x253, v0;
	s10 =	sadd.s32 s26, s3;
	s19 =	sadd.s32 s6, s17;
	[dreg:$0x15] =	wrdreg s25  }
0x1a: {  	v18 =	vadd.s32 $0x2A8, v0;
	v19 =	vadd.s32 $0x2FD, v0;
	v20 =	vadd.s32 $0x352, v0;
	s21 =	sshrl.u32 s20, $0x3;
	s0 =	sadd.s32 s7, s17;
	[dreg:$0xd] =	wrdreg s10  }
.Ltmp0:
0x1b: {  	v21 =	vadd.s32 $0x3A7, v0;
	v22 =	vadd.s32 $0x3FC, v0;
	v23 =	vadd.s32 $0x451, v0;
	s26 =	sadd.s32 $0x13A00, s14;
	[dreg:$0x10] =	wrdreg s19;
	(pc) =	sbr.rel .LBB2_1-.Ltmp0, $4  }
0x1c: {  	v24 =	vadd.s32 $0x4A6, v0;
	v25 =	vadd.s32 $0x4FB, v0;
	v15 =	vunpack.c.l.s4.s8 v12;
	s14 =	simm.s32 $0x28;
	s25 =	simm.s32 $0x2;
	[dreg:$0x11] =	wrdreg s0  }
0x1d: {  	v3 =	vor.u32 $0xFFFFFFF8, v2;
	v12 =	vadd.s32 $0x1A9, v0;
	v5 =	vunpack.c.0.s8.s32 v5;
	s22 =	sadd.s32 s6, s21;
	s23 =	sadd.s32 s7, s21;
	[dreg:$0x16] =	wrdreg s26  }
0x1e: {  	v7 =	vunpack.c.0.s8.s32 v7;
	v9 =	vunpack.c.0.s8.s32 v9;
	v15 =	vunpack.c.0.s8.s32 v15;
	s0 =	simm.s32 $0x7;
	s26 =	simm.s32 $0x5190;
	[dreg:$0x12] =	wrdreg s22  }
0x1f: {  	v11 =	vunpack.c.0.s8.s32 v11;
	v13 =	vunpack.c.0.s8.s32 v13;
	v17 =	vunpack.c.0.s8.s32 v17;
	[dreg:$0x13] =	wrdreg s23;
	s22 =	simm.s32 $0x4740;
	s23 =	simm.s32 $0x51E0  }
.LBB2_26:
0x20: {  	s1 =	simm.s32 $0x5  }
0x21: {  	_ =	swait.ge [sflag:s1], $0x50  }
0x22: {  	[sflag:s1] =	ssyncset.done $0x0  }
0x23: {  	[sflag:s1] =	ssyncadd.s32 $0xFFFFFFB0  }
0x24: {  	_ =	swait.ge [sflag:s29], $0x50  }
0x25: {  	s5 =	rddreg [dreg:$0x17]  }
0x26: {  	s21 =	rddreg [dreg:$0x14];
	s5 =	sadd.s32 $0x1, s5  }
0x27: {  	p0 =	sne.s32 s5, s21  }
.Ltmp1:
0x28: {  	_ = 	snop;
	(pc) =	sbr.rel @!p0 .LBB2_27-.Ltmp1, $3  }
0x29: {  	_ =	sdelay $0x1  }
0x2a: {  	[sflag:s29] =	ssyncset.done $0x0  }
0x2b: {  	s13 =	simm.s32 $0x5770;
	[sflag:s29] =	ssyncadd.s32 $0xFFFFFFB0  }
.LBB2_1:
0x2c: {  	[dreg:$0x17] =	wrdreg s5  }
0x2d: {  	s1 =	rddreg [dreg:$0x6]  }
0x2e: {  	s17 =	rddreg [dreg:$0x15]  }
0x2f: {  	s10 =	rddreg [dreg:$0x16]  }
0x30: {  	[spmem:s17], [sflag:s1] =	dma.local [hbm:s10], $0x1388  }
0x31: {  	_ =	swait.ge [sflag:s0], $0x1388  }
0x32: {  	[sflag:s0] =	ssyncset.done $0x0  }
0x33: {  	[sflag:s0] =	ssyncadd.s32 $0xFFFFEC78  }
0x34: {  	s19 =	simm.s32 $0x5730;
	s18 =	rddreg [dreg:$0x1]  }
0x35: {  	[tilespmem:s19], [sflag:$0x7] =	stream.linear.gather [hbm4b:s18+s4], $0x40, $0x38;
	[tilespmem:$0x1AF30] =	vst v63  }
0x36: {  	_ =	swait.ge [sflag:s0], $0x40  }
0x37: {  	[sflag:s0] =	ssyncset.done $0x0  }
0x38: {  	[sflag:s0] =	ssyncadd.s32 $0xFFFFFFC0  }
0x39: {  	v28 =	vld [tilespmem:$0x5730]  }
0x3a: {  	v29 =	vld [tilespmem:$0x5740]  }
0x3b: {  	s21 =	rddreg [dreg:$0x5];
	v27 =	vld [tilespmem:$0x5750]  }
0x3c: {  	v26 =	vld [tilespmem:$0x5760];
	[tilespmem:s13], [sflag:$0x7] =	stream.linear.gather [hbm4b:s21+s4], $0x1F40, $0x38  }
0x3d: {  	_ =	swait.ge [sflag:s0], $0x1F40  }
0x3e: {  	[sflag:s0] =	ssyncset.done $0x0  }
0x3f: {  	s1 =	simm.s32 $0x57F0;
	[sflag:s0] =	ssyncadd.s32 $0xFFFFE0C0  }
0x40: {  	v30 =	vld [tilespmem:s1+$0x70]  }
0x41: {  	v31 =	vld [tilespmem:s1+$0xFFFFFF90]  }
0x42: {  	v32 =	vld [tilespmem:s1+$0xFFFFFFA0]  }
0x43: {  	v35 =	vld [tilespmem:s1+$0xFFFFFFD0]  }
0x44: {  	v33 =	vld [tilespmem:s1+$0xFFFFFFB0]  }
0x45: {  	v34 =	vld [tilespmem:s1+$0xFFFFFFC0];
	v30 =	vmul.bf16 v30, v26  }
0x46: {  	v36 =	vld [tilespmem:s1+$0xFFFFFFE0];
	v31 =	vmul.bf16 v31, v29  }
0x47: {  	v37 =	vld [tilespmem:s1+$0xFFFFFFF0];
	v32 =	vmul.bf16 v32, v27;
	[tilespmem:s1+$0x70] =	vst v30  }
0x48: {  	v58 =	vld [tilespmem:s1+$0x0];
	v60 =	vmul.bf16 v35, v29;
	[tilespmem:s1+$0xFFFFFF90] =	vst v31  }
0x49: {  	v59 =	vld [tilespmem:s1+$0x10];
	v30 =	vmul.bf16 v33, v26;
	[tilespmem:s1+$0xFFFFFFA0] =	vst v32  }
0x4a: {  	v38 =	vld [tilespmem:s1+$0x20];
	v31 =	vmul.bf16 v34, v28;
	[tilespmem:s1+$0xFFFFFFD0] =	vst v60  }
0x4b: {  	v61 =	vmul.bf16 v36, v27;
	[tilespmem:s1+$0xFFFFFFB0] =	vst v30;
	v30 =	vld [tilespmem:s1+$0x30]  }
0x4c: {  	v62 =	vmul.bf16 v37, v26;
	[tilespmem:s1+$0xFFFFFFC0] =	vst v31;
	v31 =	vld [tilespmem:s1+$0x40]  }
0x4d: {  	v63 =	vmul.bf16 v58, v28;
	[tilespmem:s1+$0xFFFFFFE0] =	vst v61;
	v32 =	vld [tilespmem:s1+$0x50]  }
0x4e: {  	v35 =	vmul.bf16 v59, v29;
	[tilespmem:s1+$0xFFFFFFF0] =	vst v62;
	v33 =	vld [tilespmem:s1+$0x60]  }
0x4f: {  	s5 =	simm.s32 $0x0;
	s10 =	simm.s32 $0x58F0;
	v36 =	vmul.bf16 v38, v27;
	v34 =	vld [tilespmem:s1+$0xFFFFFF80];
	[tilespmem:s1+$0x0] =	vst v63  }
.LBB2_2:
0x50: {  	v37 =	vld [tilespmem:s10+$0x70];
	s5 =	sadd.s32 $0x4, s5;
	[tilespmem:s1+$0x10] =	vst v35;
	v30 =	vmul.bf16 v30, v26  }
0x51: {  	v35 =	vld [tilespmem:s10+$0xFFFFFF90];
	p0 =	slt.u32 s5, $0x78;
	[tilespmem:s1+$0x20] =	vst v36;
	v31 =	vmul.bf16 v31, v28  }
0x52: {  	v36 =	vld [tilespmem:s10+$0xFFFFFFA0];
	[tilespmem:s1+$0x30] =	vst v30;
	v30 =	vmul.bf16 v32, v29  }
0x53: {  	v32 =	vld [tilespmem:s10+$0xFFFFFFB0];
	[tilespmem:s1+$0x40] =	vst v31;
	v31 =	vmul.bf16 v33, v27  }
0x54: {  	v33 =	vld [tilespmem:s10+$0xFFFFFFC0];
	v34 =	vmul.bf16 v34, v28;
	[tilespmem:s1+$0x50] =	vst v30  }
0x55: {  	v30 =	vld [tilespmem:s10+$0xFFFFFFD0];
	v37 =	vmul.bf16 v37, v26;
	[tilespmem:s1+$0x60] =	vst v31  }
0x56: {  	v31 =	vmul.bf16 v35, v29;
	v35 =	vld [tilespmem:s10+$0xFFFFFFE0];
	[tilespmem:s1+$0xFFFFFF80] =	vst v34;
	s1 =	smov.u32 s10  }
0x57: {  	v34 =	vmul.bf16 v36, v27;
	v36 =	vld [tilespmem:s10+$0xFFFFFFF0];
	[tilespmem:s10+$0x70] =	vst v37  }
0x58: {  	[tilespmem:s10+$0xFFFFFF90] =	vst v31;
	v31 =	vmul.bf16 v32, v26;
	v32 =	vld [tilespmem:s10+$0x0]  }
0x59: {  	[tilespmem:s10+$0xFFFFFFA0] =	vst v34;
	v33 =	vmul.bf16 v33, v28;
	v34 =	vld [tilespmem:s10+$0x10]  }
0x5a: {  	[tilespmem:s10+$0xFFFFFFB0] =	vst v31;
	v31 =	vmul.bf16 v30, v29;
	v37 =	vld [tilespmem:s10+$0x20]  }
.Ltmp2:
0x5b: {  	[tilespmem:s10+$0xFFFFFFC0] =	vst v33;
	v33 =	vmul.bf16 v35, v27;
	v30 =	vld [tilespmem:s10+$0x30];
	(pc) =	sbr.rel @p0 .LBB2_2-.Ltmp2, $4  }
0x5c: {  	[tilespmem:s10+$0xFFFFFFD0] =	vst v31;
	v35 =	vmul.bf16 v36, v26;
	v31 =	vld [tilespmem:s10+$0x40]  }
0x5d: {  	[tilespmem:s10+$0xFFFFFFE0] =	vst v33;
	v36 =	vmul.bf16 v32, v28;
	v32 =	vld [tilespmem:s10+$0x50]  }
0x5e: {  	[tilespmem:s10+$0xFFFFFFF0] =	vst v35;
	v35 =	vmul.bf16 v34, v29;
	v33 =	vld [tilespmem:s10+$0x60]  }
0x5f: {  	s10 =	sadd.s32 $0x100, s10;
	v34 =	vld [tilespmem:s1+$0xFFFFFF80];
	[tilespmem:s1+$0x0] =	vst v36;
	v36 =	vmul.bf16 v37, v27  }
0x60: {  	[tilespmem:s1+$0x10] =	vst v35;
	v30 =	vmul.bf16 v30, v26  }
0x61: {  	[tilespmem:s1+$0x20] =	vst v36;
	v31 =	vmul.bf16 v31, v28  }
0x62: {  	[tilespmem:s1+$0x30] =	vst v30;
	v30 =	vmul.bf16 v32, v29  }
0x63: {  	[tilespmem:s1+$0x40] =	vst v31;
	v31 =	vmul.bf16 v33, v27  }
0x64: {  	v51 =	vmul.bf16 v34, v28;
	[tilespmem:s1+$0x50] =	vst v30  }
0x65: {  	[tilespmem:s1+$0x60] =	vst v31  }
0x66: {  	[tilespmem:s1+$0xFFFFFF80] =	vst v51  }
0x67: {  	v30 =	vld [tilespmem:$0x7670]  }
0x68: {  	v31 =	vld [tilespmem:$0x7680]  }
0x69: {  	v32 =	vld [tilespmem:$0x7690]  }
0x6a: {  	v52 =	vld [tilespmem:$0x76A0];
	_ =	sdelay $0x1  }
0x6b: {  	v30 =	vmul.bf16 v30, v28  }
0x6c: {  	v31 =	vmul.bf16 v31, v29  }
0x6d: {  	[tilespmem:$0x7670] =	vst v30;
	v30 =	vmul.bf16 v32, v27  }
0x6e: {  	[tilespmem:$0x7680] =	vst v31;
	v31 =	vmul.bf16 v52, v26  }
0x6f: {  	[tilespmem:$0x7690] =	vst v30  }
0x70: {  	s1 =	rddreg [dreg:$0x7];
	[tilespmem:$0x76A0] =	vst v31  }
0x71: {  	[spmem:s1] =	stream.linear.scatter [tilespmem:s13], [sflag:$0x7], $0x1F40, $0x38;
	[tilespmem:$0x1AF30] =	vst v63  }
0x72: {  	_ =	swait.ge [sflag:s0], $0x1F40  }
0x73: {  	[sflag:s0] =	ssyncset.done $0x0  }
0x74: {  	s21 =	rddreg [dreg:$0x8];
	[sflag:s0] =	ssyncadd.s32 $0xFFFFE0C0  }
0x75: {  	[tilespmem:s13], [sflag:$0x7] =	stream.linear.gather [hbm4b:s21+s4], $0x1F40, $0x38;
	[tilespmem:$0x1AF30] =	vst v63  }
0x76: {  	_ =	swait.ge [sflag:s0], $0x1F40  }
0x77: {  	[sflag:s0] =	ssyncset.done $0x0  }
0x78: {  	s1 =	simm.s32 $0x57F0;
	[sflag:s0] =	ssyncadd.s32 $0xFFFFE0C0  }
0x79: {  	v30 =	vld [tilespmem:s1+$0x70]  }
0x7a: {  	v31 =	vld [tilespmem:s1+$0xFFFFFF90]  }
0x7b: {  	v53 =	vld [tilespmem:s1+$0xFFFFFFA0]  }
0x7c: {  	v56 =	vld [tilespmem:s1+$0xFFFFFFD0]  }
0x7d: {  	v54 =	vld [tilespmem:s1+$0xFFFFFFB0]  }
0x7e: {  	v55 =	vld [tilespmem:s1+$0xFFFFFFC0];
	v30 =	vmul.bf16 v30, v26  }
0x7f: {  	v57 =	vld [tilespmem:s1+$0xFFFFFFE0];
	v31 =	vmul.bf16 v31, v29  }
0x80: {  	v37 =	vld [tilespmem:s1+$0xFFFFFFF0];
	v32 =	vmul.bf16 v53, v27;
	[tilespmem:s1+$0x70] =	vst v30  }
0x81: {  	v58 =	vld [tilespmem:s1+$0x0];
	v60 =	vmul.bf16 v56, v29;
	[tilespmem:s1+$0xFFFFFF90] =	vst v31  }
0x82: {  	v59 =	vld [tilespmem:s1+$0x10];
	v30 =	vmul.bf16 v54, v26;
	[tilespmem:s1+$0xFFFFFFA0] =	vst v32  }
0x83: {  	v38 =	vld [tilespmem:s1+$0x20];
	v31 =	vmul.bf16 v55, v28;
	[tilespmem:s1+$0xFFFFFFD0] =	vst v60  }
0x84: {  	v61 =	vmul.bf16 v57, v27;
	[tilespmem:s1+$0xFFFFFFB0] =	vst v30;
	v30 =	vld [tilespmem:s1+$0x30]  }
0x85: {  	v62 =	vmul.bf16 v37, v26;
	[tilespmem:s1+$0xFFFFFFC0] =	vst v31;
	v31 =	vld [tilespmem:s1+$0x40]  }
0x86: {  	v63 =	vmul.bf16 v58, v28;
	[tilespmem:s1+$0xFFFFFFE0] =	vst v61;
	v32 =	vld [tilespmem:s1+$0x50]  }
0x87: {  	v33 =	vld [tilespmem:s1+$0x60];
	v35 =	vmul.bf16 v59, v29;
	[tilespmem:s1+$0xFFFFFFF0] =	vst v62  }
0x88: {  	s5 =	simm.s32 $0x0;
	s10 =	simm.s32 $0x58F0;
	v34 =	vld [tilespmem:s1+$0xFFFFFF80];
	v36 =	vmul.bf16 v38, v27;
	[tilespmem:s1+$0x0] =	vst v63  }
.LBB2_4:
0x89: {  	v37 =	vld [tilespmem:s10+$0x70];
	s5 =	sadd.s32 $0x4, s5;
	[tilespmem:s1+$0x10] =	vst v35;
	v30 =	vmul.bf16 v30, v26  }
0x8a: {  	v35 =	vld [tilespmem:s10+$0xFFFFFF90];
	p0 =	slt.u32 s5, $0x78;
	[tilespmem:s1+$0x20] =	vst v36;
	v31 =	vmul.bf16 v31, v28  }
0x8b: {  	v36 =	vld [tilespmem:s10+$0xFFFFFFA0];
	[tilespmem:s1+$0x30] =	vst v30;
	v30 =	vmul.bf16 v32, v29  }
0x8c: {  	v32 =	vld [tilespmem:s10+$0xFFFFFFB0];
	[tilespmem:s1+$0x40] =	vst v31;
	v31 =	vmul.bf16 v33, v27  }
0x8d: {  	v33 =	vld [tilespmem:s10+$0xFFFFFFC0];
	v34 =	vmul.bf16 v34, v28;
	[tilespmem:s1+$0x50] =	vst v30  }
0x8e: {  	v30 =	vld [tilespmem:s10+$0xFFFFFFD0];
	v37 =	vmul.bf16 v37, v26;
	[tilespmem:s1+$0x60] =	vst v31  }
0x8f: {  	v31 =	vmul.bf16 v35, v29;
	v35 =	vld [tilespmem:s10+$0xFFFFFFE0];
	[tilespmem:s1+$0xFFFFFF80] =	vst v34;
	s1 =	smov.u32 s10  }
0x90: {  	v34 =	vmul.bf16 v36, v27;
	v36 =	vld [tilespmem:s10+$0xFFFFFFF0];
	[tilespmem:s10+$0x70] =	vst v37  }
0x91: {  	[tilespmem:s10+$0xFFFFFF90] =	vst v31;
	v31 =	vmul.bf16 v32, v26;
	v32 =	vld [tilespmem:s10+$0x0]  }
0x92: {  	[tilespmem:s10+$0xFFFFFFA0] =	vst v34;
	v33 =	vmul.bf16 v33, v28;
	v34 =	vld [tilespmem:s10+$0x10]  }
0x93: {  	[tilespmem:s10+$0xFFFFFFB0] =	vst v31;
	v31 =	vmul.bf16 v30, v29;
	v37 =	vld [tilespmem:s10+$0x20]  }
.Ltmp3:
0x94: {  	[tilespmem:s10+$0xFFFFFFC0] =	vst v33;
	v33 =	vmul.bf16 v35, v27;
	v30 =	vld [tilespmem:s10+$0x30];
	(pc) =	sbr.rel @p0 .LBB2_4-.Ltmp3, $4  }
0x95: {  	[tilespmem:s10+$0xFFFFFFD0] =	vst v31;
	v35 =	vmul.bf16 v36, v26;
	v31 =	vld [tilespmem:s10+$0x40]  }
0x96: {  	[tilespmem:s10+$0xFFFFFFE0] =	vst v33;
	v36 =	vmul.bf16 v32, v28;
	v32 =	vld [tilespmem:s10+$0x50]  }
0x97: {  	[tilespmem:s10+$0xFFFFFFF0] =	vst v35;
	v35 =	vmul.bf16 v34, v29;
	v33 =	vld [tilespmem:s10+$0x60]  }
0x98: {  	s10 =	sadd.s32 $0x100, s10;
	v34 =	vld [tilespmem:s1+$0xFFFFFF80];
	[tilespmem:s1+$0x0] =	vst v36;
	v36 =	vmul.bf16 v37, v27  }
0x99: {  	[tilespmem:s1+$0x10] =	vst v35;
	v30 =	vmul.bf16 v30, v26  }
0x9a: {  	[tilespmem:s1+$0x20] =	vst v36;
	v31 =	vmul.bf16 v31, v28  }
0x9b: {  	[tilespmem:s1+$0x30] =	vst v30;
	v30 =	vmul.bf16 v32, v29  }
0x9c: {  	[tilespmem:s1+$0x40] =	vst v31;
	v31 =	vmul.bf16 v33, v27  }
0x9d: {  	v51 =	vmul.bf16 v34, v28;
	[tilespmem:s1+$0x50] =	vst v30  }
0x9e: {  	[tilespmem:s1+$0x60] =	vst v31  }
0x9f: {  	[tilespmem:s1+$0xFFFFFF80] =	vst v51  }
0xa0: {  	v30 =	vld [tilespmem:$0x7670]  }
0xa1: {  	v31 =	vld [tilespmem:$0x7680]  }
0xa2: {  	v32 =	vld [tilespmem:$0x7690]  }
0xa3: {  	v52 =	vld [tilespmem:$0x76A0];
	_ =	sdelay $0x1  }
0xa4: {  	v30 =	vmul.bf16 v30, v28  }
0xa5: {  	v31 =	vmul.bf16 v31, v29  }
0xa6: {  	[tilespmem:$0x7670] =	vst v30;
	v30 =	vmul.bf16 v32, v27  }
0xa7: {  	[tilespmem:$0x7680] =	vst v31;
	v31 =	vmul.bf16 v52, v26  }
0xa8: {  	[tilespmem:$0x7690] =	vst v30  }
0xa9: {  	s1 =	rddreg [dreg:$0x9];
	[tilespmem:$0x76A0] =	vst v31  }
0xaa: {  	[spmem:s1] =	stream.linear.scatter [tilespmem:s13], [sflag:$0x7], $0x1F40, $0x38;
	[tilespmem:$0x1AF30] =	vst v63  }
0xab: {  	_ =	swait.ge [sflag:s0], $0x1F40  }
0xac: {  	[sflag:s0] =	ssyncset.done $0x0  }
0xad: {  	s21 =	rddreg [dreg:$0xa];
	[sflag:s0] =	ssyncadd.s32 $0xFFFFE0C0  }
0xae: {  	[tilespmem:s13], [sflag:$0x7] =	stream.linear.gather [hbm4b:s21+s4], $0x1F40, $0x38;
	[tilespmem:$0x1AF30] =	vst v63  }
0xaf: {  	_ =	swait.ge [sflag:s0], $0x1F40  }
0xb0: {  	[sflag:s0] =	ssyncset.done $0x0  }
0xb1: {  	s1 =	simm.s32 $0x57F0;
	[sflag:s0] =	ssyncadd.s32 $0xFFFFE0C0  }
0xb2: {  	v30 =	vld [tilespmem:s1+$0x70]  }
0xb3: {  	v31 =	vld [tilespmem:s1+$0xFFFFFF90]  }
0xb4: {  	v53 =	vld [tilespmem:s1+$0xFFFFFFA0]  }
0xb5: {  	v56 =	vld [tilespmem:s1+$0xFFFFFFD0]  }
0xb6: {  	v54 =	vld [tilespmem:s1+$0xFFFFFFB0]  }
0xb7: {  	v55 =	vld [tilespmem:s1+$0xFFFFFFC0];
	v30 =	vmul.bf16 v30, v26  }
0xb8: {  	v57 =	vld [tilespmem:s1+$0xFFFFFFE0];
	v31 =	vmul.bf16 v31, v29  }
0xb9: {  	v37 =	vld [tilespmem:s1+$0xFFFFFFF0];
	v32 =	vmul.bf16 v53, v27;
	[tilespmem:s1+$0x70] =	vst v30  }
0xba: {  	v58 =	vld [tilespmem:s1+$0x0];
	v60 =	vmul.bf16 v56, v29;
	[tilespmem:s1+$0xFFFFFF90] =	vst v31  }
0xbb: {  	v59 =	vld [tilespmem:s1+$0x10];
	v30 =	vmul.bf16 v54, v26;
	[tilespmem:s1+$0xFFFFFFA0] =	vst v32  }
0xbc: {  	v38 =	vld [tilespmem:s1+$0x20];
	v31 =	vmul.bf16 v55, v28;
	[tilespmem:s1+$0xFFFFFFD0] =	vst v60  }
0xbd: {  	v61 =	vmul.bf16 v57, v27;
	[tilespmem:s1+$0xFFFFFFB0] =	vst v30;
	v30 =	vld [tilespmem:s1+$0x30]  }
0xbe: {  	v62 =	vmul.bf16 v37, v26;
	[tilespmem:s1+$0xFFFFFFC0] =	vst v31;
	v31 =	vld [tilespmem:s1+$0x40]  }
0xbf: {  	v63 =	vmul.bf16 v58, v28;
	[tilespmem:s1+$0xFFFFFFE0] =	vst v61;
	v32 =	vld [tilespmem:s1+$0x50]  }
0xc0: {  	v33 =	vld [tilespmem:s1+$0x60];
	v35 =	vmul.bf16 v59, v29;
	[tilespmem:s1+$0xFFFFFFF0] =	vst v62  }
0xc1: {  	s5 =	simm.s32 $0x0;
	s10 =	simm.s32 $0x58F0;
	v34 =	vld [tilespmem:s1+$0xFFFFFF80];
	v36 =	vmul.bf16 v38, v27;
	[tilespmem:s1+$0x0] =	vst v63  }
.LBB2_6:
0xc2: {  	v37 =	vld [tilespmem:s10+$0x70];
	s5 =	sadd.s32 $0x4, s5;
	[tilespmem:s1+$0x10] =	vst v35;
	v30 =	vmul.bf16 v30, v26  }
0xc3: {  	v35 =	vld [tilespmem:s10+$0xFFFFFF90];
	p0 =	slt.u32 s5, $0x78;
	[tilespmem:s1+$0x20] =	vst v36;
	v31 =	vmul.bf16 v31, v28  }
0xc4: {  	v36 =	vld [tilespmem:s10+$0xFFFFFFA0];
	[tilespmem:s1+$0x30] =	vst v30;
	v30 =	vmul.bf16 v32, v29  }
0xc5: {  	v32 =	vld [tilespmem:s10+$0xFFFFFFB0];
	[tilespmem:s1+$0x40] =	vst v31;
	v31 =	vmul.bf16 v33, v27  }
0xc6: {  	v33 =	vld [tilespmem:s10+$0xFFFFFFC0];
	v34 =	vmul.bf16 v34, v28;
	[tilespmem:s1+$0x50] =	vst v30  }
0xc7: {  	v30 =	vld [tilespmem:s10+$0xFFFFFFD0];
	v37 =	vmul.bf16 v37, v26;
	[tilespmem:s1+$0x60] =	vst v31  }
0xc8: {  	v31 =	vmul.bf16 v35, v29;
	v35 =	vld [tilespmem:s10+$0xFFFFFFE0];
	[tilespmem:s1+$0xFFFFFF80] =	vst v34;
	s1 =	smov.u32 s10  }
0xc9: {  	v34 =	vmul.bf16 v36, v27;
	v36 =	vld [tilespmem:s10+$0xFFFFFFF0];
	[tilespmem:s10+$0x70] =	vst v37  }
0xca: {  	[tilespmem:s10+$0xFFFFFF90] =	vst v31;
	v31 =	vmul.bf16 v32, v26;
	v32 =	vld [tilespmem:s10+$0x0]  }
0xcb: {  	[tilespmem:s10+$0xFFFFFFA0] =	vst v34;
	v33 =	vmul.bf16 v33, v28;
	v34 =	vld [tilespmem:s10+$0x10]  }
0xcc: {  	[tilespmem:s10+$0xFFFFFFB0] =	vst v31;
	v31 =	vmul.bf16 v30, v29;
	v37 =	vld [tilespmem:s10+$0x20]  }
.Ltmp4:
0xcd: {  	[tilespmem:s10+$0xFFFFFFC0] =	vst v33;
	v33 =	vmul.bf16 v35, v27;
	v30 =	vld [tilespmem:s10+$0x30];
	(pc) =	sbr.rel @p0 .LBB2_6-.Ltmp4, $4  }
0xce: {  	[tilespmem:s10+$0xFFFFFFD0] =	vst v31;
	v35 =	vmul.bf16 v36, v26;
	v31 =	vld [tilespmem:s10+$0x40]  }
0xcf: {  	[tilespmem:s10+$0xFFFFFFE0] =	vst v33;
	v36 =	vmul.bf16 v32, v28;
	v32 =	vld [tilespmem:s10+$0x50]  }
0xd0: {  	[tilespmem:s10+$0xFFFFFFF0] =	vst v35;
	v35 =	vmul.bf16 v34, v29;
	v33 =	vld [tilespmem:s10+$0x60]  }
0xd1: {  	s10 =	sadd.s32 $0x100, s10;
	v34 =	vld [tilespmem:s1+$0xFFFFFF80];
	[tilespmem:s1+$0x0] =	vst v36;
	v36 =	vmul.bf16 v37, v27  }
0xd2: {  	[tilespmem:s1+$0x10] =	vst v35;
	v30 =	vmul.bf16 v30, v26  }
0xd3: {  	[tilespmem:s1+$0x20] =	vst v36;
	v31 =	vmul.bf16 v31, v28  }
0xd4: {  	[tilespmem:s1+$0x30] =	vst v30;
	v30 =	vmul.bf16 v32, v29  }
0xd5: {  	[tilespmem:s1+$0x40] =	vst v31;
	v31 =	vmul.bf16 v33, v27  }
0xd6: {  	v51 =	vmul.bf16 v34, v28;
	[tilespmem:s1+$0x50] =	vst v30  }
0xd7: {  	[tilespmem:s1+$0x60] =	vst v31  }
0xd8: {  	[tilespmem:s1+$0xFFFFFF80] =	vst v51  }
0xd9: {  	v30 =	vld [tilespmem:$0x7670]  }
0xda: {  	v31 =	vld [tilespmem:$0x7680]  }
0xdb: {  	v32 =	vld [tilespmem:$0x7690]  }
0xdc: {  	v52 =	vld [tilespmem:$0x76A0];
	_ =	sdelay $0x1  }
0xdd: {  	v30 =	vmul.bf16 v30, v28  }
0xde: {  	v31 =	vmul.bf16 v31, v29  }
0xdf: {  	[tilespmem:$0x7670] =	vst v30;
	v30 =	vmul.bf16 v32, v27  }
0xe0: {  	[tilespmem:$0x7680] =	vst v31;
	v31 =	vmul.bf16 v52, v26  }
0xe1: {  	[tilespmem:$0x7690] =	vst v30  }
0xe2: {  	s1 =	rddreg [dreg:$0xb];
	[tilespmem:$0x76A0] =	vst v31  }
0xe3: {  	[spmem:s1] =	stream.linear.scatter [tilespmem:s13], [sflag:$0x7], $0x1F40, $0x38;
	[tilespmem:$0x1AF30] =	vst v63  }
0xe4: {  	_ =	swait.ge [sflag:s0], $0x1F40  }
0xe5: {  	[sflag:s0] =	ssyncset.done $0x0  }
0xe6: {  	s21 =	rddreg [dreg:$0xc];
	[sflag:s0] =	ssyncadd.s32 $0xFFFFE0C0  }
0xe7: {  	[tilespmem:s13], [sflag:$0x7] =	stream.linear.gather [hbm4b:s21+s4], $0x1F40, $0x38;
	[tilespmem:$0x1AF30] =	vst v63  }
0xe8: {  	_ =	swait.ge [sflag:s0], $0x1F40  }
0xe9: {  	[sflag:s0] =	ssyncset.done $0x0  }
0xea: {  	s1 =	simm.s32 $0x57F0;
	[sflag:s0] =	ssyncadd.s32 $0xFFFFE0C0  }
0xeb: {  	v30 =	vld [tilespmem:s1+$0x70]  }
0xec: {  	v31 =	vld [tilespmem:s1+$0xFFFFFF90]  }
0xed: {  	v53 =	vld [tilespmem:s1+$0xFFFFFFA0]  }
0xee: {  	v56 =	vld [tilespmem:s1+$0xFFFFFFD0]  }
0xef: {  	v54 =	vld [tilespmem:s1+$0xFFFFFFB0]  }
0xf0: {  	v55 =	vld [tilespmem:s1+$0xFFFFFFC0];
	v30 =	vmul.bf16 v30, v26  }
0xf1: {  	v57 =	vld [tilespmem:s1+$0xFFFFFFE0];
	v31 =	vmul.bf16 v31, v29  }
0xf2: {  	v37 =	vld [tilespmem:s1+$0xFFFFFFF0];
	v32 =	vmul.bf16 v53, v27;
	[tilespmem:s1+$0x70] =	vst v30  }
0xf3: {  	v58 =	vld [tilespmem:s1+$0x0];
	v60 =	vmul.bf16 v56, v29;
	[tilespmem:s1+$0xFFFFFF90] =	vst v31  }
0xf4: {  	v59 =	vld [tilespmem:s1+$0x10];
	v30 =	vmul.bf16 v54, v26;
	[tilespmem:s1+$0xFFFFFFA0] =	vst v32  }
0xf5: {  	v38 =	vld [tilespmem:s1+$0x20];
	v31 =	vmul.bf16 v55, v28;
	[tilespmem:s1+$0xFFFFFFD0] =	vst v60  }
0xf6: {  	v61 =	vmul.bf16 v57, v27;
	[tilespmem:s1+$0xFFFFFFB0] =	vst v30;
	v30 =	vld [tilespmem:s1+$0x30]  }
0xf7: {  	v62 =	vmul.bf16 v37, v26;
	[tilespmem:s1+$0xFFFFFFC0] =	vst v31;
	v31 =	vld [tilespmem:s1+$0x40]  }
0xf8: {  	v63 =	vmul.bf16 v58, v28;
	[tilespmem:s1+$0xFFFFFFE0] =	vst v61;
	v32 =	vld [tilespmem:s1+$0x50]  }
0xf9: {  	v33 =	vld [tilespmem:s1+$0x60];
	v35 =	vmul.bf16 v59, v29;
	[tilespmem:s1+$0xFFFFFFF0] =	vst v62  }
0xfa: {  	s5 =	simm.s32 $0x0;
	s10 =	simm.s32 $0x58F0;
	v34 =	vld [tilespmem:s1+$0xFFFFFF80];
	v36 =	vmul.bf16 v38, v27;
	[tilespmem:s1+$0x0] =	vst v63  }
.LBB2_8:
0xfb: {  	v37 =	vld [tilespmem:s10+$0x70];
	s5 =	sadd.s32 $0x4, s5;
	[tilespmem:s1+$0x10] =	vst v35;
	v30 =	vmul.bf16 v30, v26  }
0xfc: {  	v35 =	vld [tilespmem:s10+$0xFFFFFF90];
	p0 =	slt.u32 s5, $0x78;
	[tilespmem:s1+$0x20] =	vst v36;
	v31 =	vmul.bf16 v31, v28  }
0xfd: {  	v36 =	vld [tilespmem:s10+$0xFFFFFFA0];
	[tilespmem:s1+$0x30] =	vst v30;
	v30 =	vmul.bf16 v32, v29  }
0xfe: {  	v32 =	vld [tilespmem:s10+$0xFFFFFFB0];
	[tilespmem:s1+$0x40] =	vst v31;
	v31 =	vmul.bf16 v33, v27  }
0xff: {  	v33 =	vld [tilespmem:s10+$0xFFFFFFC0];
	v34 =	vmul.bf16 v34, v28;
	[tilespmem:s1+$0x50] =	vst v30  }
0x100: {  	v30 =	vld [tilespmem:s10+$0xFFFFFFD0];
	v37 =	vmul.bf16 v37, v26;
	[tilespmem:s1+$0x60] =	vst v31  }
0x101: {  	v31 =	vmul.bf16 v35, v29;
	v35 =	vld [tilespmem:s10+$0xFFFFFFE0];
	[tilespmem:s1+$0xFFFFFF80] =	vst v34;
	s1 =	smov.u32 s10  }
0x102: {  	v34 =	vmul.bf16 v36, v27;
	v36 =	vld [tilespmem:s10+$0xFFFFFFF0];
	[tilespmem:s10+$0x70] =	vst v37  }
0x103: {  	[tilespmem:s10+$0xFFFFFF90] =	vst v31;
	v31 =	vmul.bf16 v32, v26;
	v32 =	vld [tilespmem:s10+$0x0]  }
0x104: {  	[tilespmem:s10+$0xFFFFFFA0] =	vst v34;
	v33 =	vmul.bf16 v33, v28;
	v34 =	vld [tilespmem:s10+$0x10]  }
0x105: {  	[tilespmem:s10+$0xFFFFFFB0] =	vst v31;
	v31 =	vmul.bf16 v30, v29;
	v37 =	vld [tilespmem:s10+$0x20]  }
.Ltmp5:
0x106: {  	[tilespmem:s10+$0xFFFFFFC0] =	vst v33;
	v33 =	vmul.bf16 v35, v27;
	v30 =	vld [tilespmem:s10+$0x30];
	(pc) =	sbr.rel @p0 .LBB2_8-.Ltmp5, $4  }
0x107: {  	[tilespmem:s10+$0xFFFFFFD0] =	vst v31;
	v35 =	vmul.bf16 v36, v26;
	v31 =	vld [tilespmem:s10+$0x40]  }
0x108: {  	[tilespmem:s10+$0xFFFFFFE0] =	vst v33;
	v36 =	vmul.bf16 v32, v28;
	v32 =	vld [tilespmem:s10+$0x50]  }
0x109: {  	[tilespmem:s10+$0xFFFFFFF0] =	vst v35;
	v35 =	vmul.bf16 v34, v29;
	v33 =	vld [tilespmem:s10+$0x60]  }
0x10a: {  	s10 =	sadd.s32 $0x100, s10;
	v34 =	vld [tilespmem:s1+$0xFFFFFF80];
	[tilespmem:s1+$0x0] =	vst v36;
	v36 =	vmul.bf16 v37, v27  }
0x10b: {  	[tilespmem:s1+$0x10] =	vst v35;
	v30 =	vmul.bf16 v30, v26  }
0x10c: {  	[tilespmem:s1+$0x20] =	vst v36;
	v31 =	vmul.bf16 v31, v28  }
0x10d: {  	[tilespmem:s1+$0x30] =	vst v30;
	v30 =	vmul.bf16 v32, v29  }
0x10e: {  	[tilespmem:s1+$0x40] =	vst v31;
	v31 =	vmul.bf16 v33, v27  }
0x10f: {  	v51 =	vmul.bf16 v34, v28;
	[tilespmem:s1+$0x50] =	vst v30  }
0x110: {  	[tilespmem:s1+$0x60] =	vst v31  }
0x111: {  	[tilespmem:s1+$0xFFFFFF80] =	vst v51  }
0x112: {  	v30 =	vld [tilespmem:$0x7670]  }
0x113: {  	v31 =	vld [tilespmem:$0x7680]  }
0x114: {  	v32 =	vld [tilespmem:$0x7690]  }
0x115: {  	v52 =	vld [tilespmem:$0x76A0];
	_ =	sdelay $0x1  }
0x116: {  	v30 =	vmul.bf16 v30, v28  }
0x117: {  	v31 =	vmul.bf16 v31, v29  }
0x118: {  	[tilespmem:$0x7670] =	vst v30;
	v30 =	vmul.bf16 v32, v27  }
0x119: {  	[tilespmem:$0x7680] =	vst v31;
	v31 =	vmul.bf16 v52, v26  }
0x11a: {  	[tilespmem:$0x7690] =	vst v30  }
0x11b: {  	s1 =	rddreg [dreg:$0xd];
	[tilespmem:$0x76A0] =	vst v31  }
0x11c: {  	[spmem:s1] =	stream.linear.scatter [tilespmem:s13], [sflag:$0x7], $0x1F40, $0x38;
	[tilespmem:$0x1AF30] =	vst v63  }
0x11d: {  	_ =	swait.ge [sflag:s0], $0x1F40  }
0x11e: {  	[sflag:s0] =	ssyncset.done $0x0  }
0x11f: {  	s21 =	rddreg [dreg:$0xe];
	[sflag:s0] =	ssyncadd.s32 $0xFFFFE0C0  }
0x120: {  	[tilespmem:s13], [sflag:$0x7] =	stream.linear.gather [hbm4b:s21+s4], $0x1F40, $0x38;
	[tilespmem:$0x1AF30] =	vst v63  }
0x121: {  	_ =	swait.ge [sflag:s0], $0x1F40  }
0x122: {  	[sflag:s0] =	ssyncset.done $0x0  }
0x123: {  	s1 =	simm.s32 $0x57F0;
	[sflag:s0] =	ssyncadd.s32 $0xFFFFE0C0  }
0x124: {  	v30 =	vld [tilespmem:s1+$0x70]  }
0x125: {  	v31 =	vld [tilespmem:s1+$0xFFFFFF90]  }
0x126: {  	v53 =	vld [tilespmem:s1+$0xFFFFFFA0]  }
0x127: {  	v56 =	vld [tilespmem:s1+$0xFFFFFFD0]  }
0x128: {  	v54 =	vld [tilespmem:s1+$0xFFFFFFB0]  }
0x129: {  	v55 =	vld [tilespmem:s1+$0xFFFFFFC0];
	v30 =	vmul.bf16 v30, v26  }
0x12a: {  	v57 =	vld [tilespmem:s1+$0xFFFFFFE0];
	v31 =	vmul.bf16 v31, v29  }
0x12b: {  	v37 =	vld [tilespmem:s1+$0xFFFFFFF0];
	v32 =	vmul.bf16 v53, v27;
	[tilespmem:s1+$0x70] =	vst v30  }
0x12c: {  	v58 =	vld [tilespmem:s1+$0x0];
	v60 =	vmul.bf16 v56, v29;
	[tilespmem:s1+$0xFFFFFF90] =	vst v31  }
0x12d: {  	v59 =	vld [tilespmem:s1+$0x10];
	v30 =	vmul.bf16 v54, v26;
	[tilespmem:s1+$0xFFFFFFA0] =	vst v32  }
0x12e: {  	v38 =	vld [tilespmem:s1+$0x20];
	v31 =	vmul.bf16 v55, v28;
	[tilespmem:s1+$0xFFFFFFD0] =	vst v60  }
0x12f: {  	v61 =	vmul.bf16 v57, v27;
	[tilespmem:s1+$0xFFFFFFB0] =	vst v30;
	v30 =	vld [tilespmem:s1+$0x30]  }
0x130: {  	v62 =	vmul.bf16 v37, v26;
	[tilespmem:s1+$0xFFFFFFC0] =	vst v31;
	v31 =	vld [tilespmem:s1+$0x40]  }
0x131: {  	v63 =	vmul.bf16 v58, v28;
	[tilespmem:s1+$0xFFFFFFE0] =	vst v61;
	v32 =	vld [tilespmem:s1+$0x50]  }
0x132: {  	v33 =	vld [tilespmem:s1+$0x60];
	v35 =	vmul.bf16 v59, v29;
	[tilespmem:s1+$0xFFFFFFF0] =	vst v62  }
0x133: {  	s5 =	simm.s32 $0x0;
	s10 =	simm.s32 $0x58F0;
	v34 =	vld [tilespmem:s1+$0xFFFFFF80];
	v36 =	vmul.bf16 v38, v27;
	[tilespmem:s1+$0x0] =	vst v63  }
.LBB2_10:
0x134: {  	v37 =	vld [tilespmem:s10+$0x70];
	s5 =	sadd.s32 $0x4, s5;
	[tilespmem:s1+$0x10] =	vst v35;
	v30 =	vmul.bf16 v30, v26  }
0x135: {  	v35 =	vld [tilespmem:s10+$0xFFFFFF90];
	p0 =	slt.u32 s5, $0x78;
	[tilespmem:s1+$0x20] =	vst v36;
	v31 =	vmul.bf16 v31, v28  }
0x136: {  	v36 =	vld [tilespmem:s10+$0xFFFFFFA0];
	[tilespmem:s1+$0x30] =	vst v30;
	v30 =	vmul.bf16 v32, v29  }
0x137: {  	v32 =	vld [tilespmem:s10+$0xFFFFFFB0];
	[tilespmem:s1+$0x40] =	vst v31;
	v31 =	vmul.bf16 v33, v27  }
0x138: {  	v33 =	vld [tilespmem:s10+$0xFFFFFFC0];
	v34 =	vmul.bf16 v34, v28;
	[tilespmem:s1+$0x50] =	vst v30  }
0x139: {  	v30 =	vld [tilespmem:s10+$0xFFFFFFD0];
	v37 =	vmul.bf16 v37, v26;
	[tilespmem:s1+$0x60] =	vst v31  }
0x13a: {  	v31 =	vmul.bf16 v35, v29;
	v35 =	vld [tilespmem:s10+$0xFFFFFFE0];
	[tilespmem:s1+$0xFFFFFF80] =	vst v34;
	s1 =	smov.u32 s10  }
0x13b: {  	v34 =	vmul.bf16 v36, v27;
	v36 =	vld [tilespmem:s10+$0xFFFFFFF0];
	[tilespmem:s10+$0x70] =	vst v37  }
0x13c: {  	[tilespmem:s10+$0xFFFFFF90] =	vst v31;
	v31 =	vmul.bf16 v32, v26;
	v32 =	vld [tilespmem:s10+$0x0]  }
0x13d: {  	[tilespmem:s10+$0xFFFFFFA0] =	vst v34;
	v33 =	vmul.bf16 v33, v28;
	v34 =	vld [tilespmem:s10+$0x10]  }
0x13e: {  	[tilespmem:s10+$0xFFFFFFB0] =	vst v31;
	v31 =	vmul.bf16 v30, v29;
	v37 =	vld [tilespmem:s10+$0x20]  }
.Ltmp6:
0x13f: {  	[tilespmem:s10+$0xFFFFFFC0] =	vst v33;
	v33 =	vmul.bf16 v35, v27;
	v30 =	vld [tilespmem:s10+$0x30];
	(pc) =	sbr.rel @p0 .LBB2_10-.Ltmp6, $4  }
0x140: {  	[tilespmem:s10+$0xFFFFFFD0] =	vst v31;
	v35 =	vmul.bf16 v36, v26;
	v31 =	vld [tilespmem:s10+$0x40]  }
0x141: {  	[tilespmem:s10+$0xFFFFFFE0] =	vst v33;
	v36 =	vmul.bf16 v32, v28;
	v32 =	vld [tilespmem:s10+$0x50]  }
0x142: {  	[tilespmem:s10+$0xFFFFFFF0] =	vst v35;
	v35 =	vmul.bf16 v34, v29;
	v33 =	vld [tilespmem:s10+$0x60]  }
0x143: {  	s10 =	sadd.s32 $0x100, s10;
	v34 =	vld [tilespmem:s1+$0xFFFFFF80];
	[tilespmem:s1+$0x0] =	vst v36;
	v36 =	vmul.bf16 v37, v27  }
0x144: {  	[tilespmem:s1+$0x10] =	vst v35;
	v30 =	vmul.bf16 v30, v26  }
0x145: {  	[tilespmem:s1+$0x20] =	vst v36;
	v31 =	vmul.bf16 v31, v28  }
0x146: {  	[tilespmem:s1+$0x30] =	vst v30;
	v58 =	vmul.bf16 v32, v29  }
0x147: {  	[tilespmem:s1+$0x40] =	vst v31;
	v59 =	vmul.bf16 v33, v27  }
0x148: {  	v60 =	vmul.bf16 v34, v28;
	[tilespmem:s1+$0x50] =	vst v58  }
0x149: {  	[tilespmem:s1+$0x60] =	vst v59  }
0x14a: {  	[tilespmem:s1+$0xFFFFFF80] =	vst v60  }
0x14b: {  	v30 =	vld [tilespmem:$0x7670]  }
0x14c: {  	v31 =	vld [tilespmem:$0x7680]  }
0x14d: {  	v32 =	vld [tilespmem:$0x7690]  }
0x14e: {  	v61 =	vld [tilespmem:$0x76A0];
	_ =	sdelay $0x1  }
0x14f: {  	v62 =	vmul.bf16 v30, v28  }
0x150: {  	v63 =	vmul.bf16 v31, v29  }
0x151: {  	v27 =	vmul.bf16 v32, v27;
	[tilespmem:$0x7670] =	vst v62  }
0x152: {  	v26 =	vmul.bf16 v61, v26;
	[tilespmem:$0x7680] =	vst v63  }
0x153: {  	[tilespmem:$0x7690] =	vst v27  }
0x154: {  	s1 =	rddreg [dreg:$0xf];
	[tilespmem:$0x76A0] =	vst v26  }
0x155: {  	[spmem:s1] =	stream.linear.scatter [tilespmem:s13], [sflag:$0x7], $0x1F40, $0x38;
	[tilespmem:$0x1AF30] =	vst v63  }
0x156: {  	_ =	swait.ge [sflag:s0], $0x1F40  }
0x157: {  	[sflag:s0] =	ssyncset.done $0x0  }
0x158: {  	[sflag:s0] =	ssyncadd.s32 $0xFFFFE0C0  }
0x159: {  	[bflag:$0x0] =	sbarrier.arrive $0xFFFF  }
0x15a: {  	s17 =	rddreg [dreg:$0x10]  }
0x15b: {  	[tilespmem:s28], [sflag:$0x3] =	stream.linear.gather [hbm4b:s17+s28], $0x50, $0x38;
	[tilespmem:$0x1AF30] =	vst v63  }
0x15c: {  	s5 =	simm.s32 $0xA0;
	s18 =	rddreg [dreg:$0x11]  }
0x15d: {  	[tilespmem:s5], [sflag:$0x3] =	stream.linear.gather [hbm4b:s18+s28], $0x50, $0x38;
	[tilespmem:$0x1AF30] =	vst v63  }
0x15e: {  	s19 =	rddreg [dreg:$0x12]  }
0x15f: {  	[tilespmem:s11], [sflag:$0x4] =	stream.linear.gather [hbm4b:s19+s28], $0x50, $0x38;
	[tilespmem:$0x1AF30] =	vst v63  }
0x160: {  	s10 =	simm.s32 $0x3;
	s21 =	rddreg [dreg:$0x13]  }
0x161: {  	[tilespmem:s12], [sflag:$0x4] =	stream.linear.gather [hbm4b:s21+s28], $0x50, $0x38;
	[tilespmem:$0x1AF30] =	vst v63  }
0x162: {  	_ =	swait.ge [sflag:s10], $0x50  }
0x163: {  	[sflag:s10] =	ssyncset.done $0x0  }
0x164: {  	[sflag:s10] =	ssyncadd.s32 $0xFFFFFFB0  }
0x165: {  	_ =	swait.ge [sflag:s10], $0x50  }
0x166: {  	[sflag:s10] =	ssyncset.done $0x0  }
0x167: {  	s13 =	simm.s32 $0x140;
	[sflag:s10] =	ssyncadd.s32 $0xFFFFFFB0  }
0x168: {  	[tilespmem:s13], [sflag:$0x1] =	stream.indirect.gather [spmem:s2], $0x40, s28, s14, $0xb8;
	[tilespmem:$0x1AF30] =	vst v63  }
0x169: {  	s17 =	simm.s32 $0x2940  }
0x16a: {  	[tilespmem:s17], [sflag:$0x1] =	stream.indirect.gather [spmem:s3], $0x40, s5, s14, $0xb8;
	[tilespmem:$0x1AF30] =	vst v63  }
0x16b: {  	s18 =	simm.s32 $0xB40  }
0x16c: {  	[tilespmem:s18], [sflag:$0x1] =	stream.indirect.gather [spmem:s2], $0x40, s14, s14, $0xb8;
	[tilespmem:$0x1AF30] =	vst v63  }
0x16d: {  	s19 =	simm.s32 $0xC8;
	s21 =	simm.s32 $0x3340;
	s13 =	simm.s32 $0x0  }
0x16e: {  	[tilespmem:s21], [sflag:$0x1] =	stream.indirect.gather [spmem:s3], $0x40, s19, s14, $0xb8;
	[tilespmem:$0x1AF30] =	vst v63  }
.LBB2_12:
0x16f: {  	_ =	swait.ge [sflag:s15], $0xA00  }
0x170: {  	[sflag:s15] =	ssyncset.done $0x0  }
0x171: {  	[sflag:s15] =	ssyncadd.s32 $0xFFFFF600  }
0x172: {  	_ =	swait.ge [sflag:s15], $0xA00  }
0x173: {  	[sflag:s15] =	ssyncset.done $0x0  }
0x174: {  	[sflag:s15] =	ssyncadd.s32 $0xFFFFF600  }
0x175: {  	p0 =	seq.s32 s13, $0x7C;
	_ =	swait.ge [sflag:s15], $0xA00  }
0x176: {  	s1 =	smul.u32 @!p0 $0xA0, s13;
	[sflag:s15] =	ssyncset.done $0x0  }
0x177: {  	[sflag:s15] =	ssyncadd.s32 $0xFFFFF600  }
0x178: {  	s1 =	sadd.s32 @!p0 s1, s30;
	_ =	swait.ge [sflag:s15], $0xA00  }
0x179: {  	s1 =	sshrl.u32 @!p0 s1, $0x3;
	[sflag:s15] =	ssyncset.done $0x0  }
0x17a: {  	s10 =	simm.s32 @!p0 $0x0;
	s5 =	sadd.s32 @!p0 s6, s1;
	[sflag:s15] =	ssyncadd.s32 $0xFFFFF600  }
0x17b: {  	[tilespmem:s10], [sflag:$0x3] =	stream.linear.gather @!p0 [hbm4b:s5+s10], $0x50, $0x38;
	[tilespmem:$0x1AF30] =	vst v63  }
0x17c: {  	s1 =	sadd.s32 @!p0 s7, s1;
	s5 =	simm.s32 @!p0 $0xA0  }
0x17d: {  	[tilespmem:s5], [sflag:$0x3] =	stream.linear.gather @!p0 [hbm4b:s1+s10], $0x50, $0x38;
	[tilespmem:$0x1AF30] =	vst v63  }
0x17e: {  	_ =	swait.ge [sflag:s16], $0x50  }
0x17f: {  	[sflag:s16] =	ssyncset.done $0x0  }
0x180: {  	[sflag:s16] =	ssyncadd.s32 $0xFFFFFFB0  }
0x181: {  	_ =	swait.ge [sflag:s16], $0x50  }
0x182: {  	[sflag:s16] =	ssyncset.done $0x0  }
0x183: {  	s17 =	simm.s32 $0x1540;
	[sflag:s16] =	ssyncadd.s32 $0xFFFFFFB0  }
0x184: {  	[tilespmem:s17], [sflag:$0x2] =	stream.indirect.gather [spmem:s2], $0x40, s11, s14, $0xb8;
	[tilespmem:$0x1AF30] =	vst v63  }
0x185: {  	s18 =	simm.s32 $0x3D40  }
0x186: {  	[tilespmem:s18], [sflag:$0x2] =	stream.indirect.gather [spmem:s3], $0x40, s12, s14, $0xb8;
	[tilespmem:$0x1AF30] =	vst v63  }
0x187: {  	s19 =	simm.s32 $0x78;
	s21 =	simm.s32 $0x1F40;
	p1 =	seq.s32 s13, $0x0  }
0x188: {  	[tilespmem:s21], [sflag:$0x2] =	stream.indirect.gather [spmem:s2], $0x40, s19, s14, $0xb8;
	[tilespmem:$0x1AF30] =	vst v63  }
0x189: {  	s10 =	simm.s32 $0x118;
	s1 =	simm.s32 @!p1 $0x5  }
0x18a: {  	[tilespmem:s22], [sflag:$0x2] =	stream.indirect.gather [spmem:s3], $0x40, s10, s14, $0xb8;
	[tilespmem:$0x1AF30] =	vst v63  }
0x18b: {  	_ =	swait.ge @!p1 [sflag:s1], $0x50  }
0x18c: {  	[sflag:s1] =	ssyncset.done @!p1 $0x0  }
0x18d: {  	s17 =	simm.s32 $0x1C0;
	[sflag:s1] =	ssyncadd.s32 @!p1 $0xFFFFFFB0  }
0x18e: {  	s18 =	simm.s32 $0x29C0;
	v26 =	vld [tilespmem:s17+$0x40]  }
0x18f: {  	v27 =	vld [tilespmem:s18+$0x40]  }
0x190: {  	v28 =	vld [tilespmem:s17+$0x50]  }
0x191: {  	v29 =	vld [tilespmem:s18+$0x50]  }
0x192: {  	v30 =	vld [tilespmem:s17+$0x60]  }
0x193: {  	v31 =	vld [tilespmem:s18+$0x60]  }
0x194: {  	v32 =	vld [tilespmem:s17+$0x70]  }
0x195: {  	v33 =	vld [tilespmem:s18+$0x70]  }
0x196: {  	v34 =	vld [tilespmem:s17+$0xFFFFFF90]  }
0x197: {  	v35 =	vld [tilespmem:s18+$0xFFFFFF90]  }
0x198: {  	v37 =	vld [tilespmem:s17+$0xFFFFFFA0]  }
0x199: {  	v38 =	vld [tilespmem:s18+$0xFFFFFFA0]  }
0x19a: {  	v48 =	vld [tilespmem:s17+$0xFFFFFFC0]  }
0x19b: {  	v41 =	vld [tilespmem:s18+$0xFFFFFFC0]  }
0x19c: {  	v43 =	vld [tilespmem:s17+$0xFFFFFFD0]  }
0x19d: {  	v49 =	vld [tilespmem:s18+$0xFFFFFFD0]  }
0x19e: {  	v50 =	vld [tilespmem:s17+$0xFFFFFFE0]  }
0x19f: {  	v52 =	vld [tilespmem:s18+$0xFFFFFFE0]  }
0x1a0: {  	v55 =	vld [tilespmem:s17+$0x0];
	v26 =	vmul.bf16 v27, v26;
	v28 =	vmul.bf16 v29, v28  }
0x1a1: {  	v56 =	vld [tilespmem:s18+$0x0];
	v29 =	vmul.bf16 v31, v30;
	v32 =	vmul.bf16 v33, v32  }
0x1a2: {  	v58 =	vld [tilespmem:s17+$0x10];
	v37 =	vmul.bf16 v38, v37;
	v33 =	vmul.bf16 v41, v48  }
0x1a3: {  	v27 =	vld [tilespmem:s17+$0xFFFFFFB0];
	v31 =	vunpack.i.u.bf16.f32 v26;
	v26 =	vunpack.i.l.bf16.f32 v26;
	v39 =	vunpack.i.u.bf16.f32 v28  }
0x1a4: {  	v30 =	vld [tilespmem:s18+$0xFFFFFFB0];
	v28 =	vunpack.i.l.bf16.f32 v28;
	v40 =	vunpack.i.u.bf16.f32 v29;
	v29 =	vunpack.i.l.bf16.f32 v29  }
0x1a5: {  	v59 =	vld [tilespmem:s18+$0x10];
	v42 =	vunpack.i.u.bf16.f32 v32;
	v32 =	vunpack.i.l.bf16.f32 v32;
	v53 =	vunpack.i.u.bf16.f32 v37  }
0x1a6: {  	v61 =	vld [tilespmem:s17+$0x20];
	v26 =	vadd.f32 v26, v31;
	v28 =	vadd.f32 v28, v39;
	v31 =	vmul.bf16 v35, v34  }
0x1a7: {  	v62 =	vld [tilespmem:s18+$0x20];
	v37 =	vunpack.i.l.bf16.f32 v37;
	v29 =	vadd.f32 v29, v40;
	v32 =	vadd.f32 v32, v42  }
0x1a8: {  	v63 =	vld [tilespmem:s17+$0x30];
	v57 =	vunpack.i.u.bf16.f32 v33;
	v51 =	vunpack.i.u.bf16.f32 v31;
	v26 =	vadd.f32 v28, v26  }
0x1a9: {  	v28 =	vadd.f32 v32, v29;
	v29 =	vunpack.i.l.bf16.f32 v31;
	v30 =	vmul.bf16 v30, v27;
	v31 =	vld [tilespmem:s17+$0xFFFFFFF0]  }
0x1aa: {  	v33 =	vunpack.i.l.bf16.f32 v33;
	v34 =	vmul.bf16 v49, v43;
	v27 =	vadd.f32 v29, v51;
	v29 =	vld [tilespmem:s18+$0xFFFFFFF0]  }
0x1ab: {  	v33 =	vadd.f32 v33, v57;
	v49 =	vld [tilespmem:s18+$0x30];
	v54 =	vunpack.i.u.bf16.f32 v30;
	v30 =	vunpack.i.l.bf16.f32 v30  }
0x1ac: {  	v38 =	vmul.bf16 v62, v61;
	v32 =	vadd.f32 v37, v53;
	v30 =	vadd.f32 v30, v54  }
0x1ad: {  	v60 =	vunpack.i.u.bf16.f32 v34;
	v34 =	vunpack.i.l.bf16.f32 v34;
	v37 =	vmul.bf16 v56, v55  }
0x1ae: {  	v26 =	vadd.f32 v28, v26;
	v28 =	vadd.f32 v30, v32;
	v30 =	vmul.bf16 v52, v50  }
0x1af: {  	v36 =	vld [tilespmem:s18+$0xFFFFFF80];
	v53 =	vunpack.i.l.bf16.f32 v37;
	v54 =	vmul.bf16 v59, v58;
	v29 =	vmul.bf16 v29, v31  }
0x1b0: {  	v44 =	vld [tilespmem:s17+$0xFFFFFF80];
	v58 =	vmul.bf16 v49, v63;
	v59 =	vunpack.i.u.bf16.f32 v38;
	v39 =	vunpack.i.u.bf16.f32 v30  }
0x1b1: {  	s1 =	simm.s32 $0x2C0;
	v30 =	vunpack.i.l.bf16.f32 v30;
	v48 =	vunpack.i.u.bf16.f32 v29;
	v29 =	vunpack.i.l.bf16.f32 v29  }
0x1b2: {  	s19 =	simm.s32 $0x3;
	s10 =	simm.s32 $0x2AC0;
	v35 =	vld [tilespmem:s1+$0x60];
	v38 =	vunpack.i.l.bf16.f32 v38;
	v30 =	vadd.f32 v30, v39;
	v29 =	vadd.f32 v29, v48  }
0x1b3: {  	s21 =	simm.s32 $0x1;
	v50 =	vadd.s32 s19, v1;
	v52 =	vunpack.i.u.bf16.f32 v37;
	v32 =	vld [tilespmem:s10+$0x40];
	v31 =	vadd.f32 v34, v60  }
0x1b4: {  	v56 =	vunpack.i.u.bf16.f32 v54;
	v34 =	vld [tilespmem:s10+$0x50];
	v29 =	vadd.f32 v29, v30;
	v30 =	vadd.s32 s21, v1  }
0x1b5: {  	v37 =	vunpack.i.l.bf16.f32 v54;
	v60 =	vmul.bf16 v36, v44;
	v36 =	vld [tilespmem:s10+$0x60];
	v51 =	vadd.f32 v31, v33  }
0x1b6: {  	v61 =	vadd.f32 v38, v59;
	v62 =	vunpack.i.u.bf16.f32 v58;
	v57 =	vadd.f32 v37, v56;
	v37 =	vld [tilespmem:s1+$0x70]  }
0x1b7: {  	v63 =	vunpack.i.l.bf16.f32 v58;
	v55 =	vadd.f32 v53, v52;
	v31 =	vld [tilespmem:s1+$0x40];
	v29 =	vadd.f32 v29, v51  }
0x1b8: {  	s17 =	simm.s32 $0x2;
	v45 =	vadd.f32 v63, v62;
	v33 =	vld [tilespmem:s1+$0x50];
	v46 =	vunpack.i.u.bf16.f32 v60;
	v43 =	vunpack.i.l.bf16.f32 v60  }
0x1b9: {  	v39 =	vld [tilespmem:s10+$0x70];
	v40 =	vadd.f32 v43, v46;
	[tilespmem:v30+s23+$0x0] =	vst.idx.msk $0xffff, v29;
	v30 =	vadd.s32 s17, v1  }
0x1ba: {  	s5 =	simm.s32 $0x4;
	v38 =	vadd.f32 v57, v55;
	v41 =	vadd.f32 v45, v61;
	[tilespmem:v50+s23+$0x0] =	vst.idx.msk $0xffff, v26;
	v26 =	vld [tilespmem:s10+$0xFFFFFF80];
	s17 =	simm.s32 $0x8;
	v29 =	vadd.s32 s28, v1  }
.LBB2_13:
0x1bb: {  	p1 =	slt.u32 s17, $0x4C;
	v42 =	vld [tilespmem:s1+$0xFFFFFF90];
	v27 =	vadd.f32 v27, v40  }
0x1bc: {  	v31 =	vmul.bf16 v32, v31;
	v40 =	vld [tilespmem:s10+$0xFFFFFF90];
	v32 =	vadd.f32 v41, v38  }
0x1bd: {  	v33 =	vmul.bf16 v34, v33;
	v38 =	vld [tilespmem:s1+$0xFFFFFFA0];
	v27 =	vadd.f32 v28, v27  }
0x1be: {  	v35 =	vmul.bf16 v36, v35;
	v34 =	vunpack.i.u.bf16.f32 v31;
	v28 =	vld [tilespmem:s10+$0xFFFFFFA0];
	v36 =	vmul.bf16 v39, v37;
	[tilespmem:v30+s23+$0x0] =	vst.idx.msk $0xffff, v32  }
0x1bf: {  	v31 =	vunpack.i.l.bf16.f32 v31;
	v32 =	vunpack.i.u.bf16.f32 v33;
	v33 =	vunpack.i.l.bf16.f32 v33;
	v30 =	vld [tilespmem:s1+$0xFFFFFFB0];
	[tilespmem:v29+s23+$0x0] =	vst.idx.msk $0xffff, v27  }
0x1c0: {  	v29 =	vunpack.i.u.bf16.f32 v35;
	v35 =	vunpack.i.l.bf16.f32 v35;
	v27 =	vld [tilespmem:s10+$0xFFFFFFB0];
	v37 =	vunpack.i.u.bf16.f32 v36  }
0x1c1: {  	v31 =	vadd.f32 v31, v34;
	v32 =	vadd.f32 v33, v32;
	v36 =	vunpack.i.l.bf16.f32 v36;
	v39 =	vld [tilespmem:s1+$0xFFFFFFC0]  }
0x1c2: {  	s18 =	sadd.s32 $0x3, s5;
	v29 =	vadd.f32 v35, v29;
	v33 =	vmul.bf16 v40, v42;
	v35 =	vadd.f32 v36, v37;
	v34 =	vld [tilespmem:s10+$0xFFFFFFC0]  }
0x1c3: {  	v37 =	vadd.s32 s18, v1;
	v28 =	vmul.bf16 v28, v38;
	v36 =	vld [tilespmem:s1+$0xFFFFFFD0]  }
0x1c4: {  	v31 =	vadd.f32 v32, v31;
	v38 =	vunpack.i.u.bf16.f32 v33;
	v29 =	vadd.f32 v35, v29;
	v40 =	vld [tilespmem:s10+$0xFFFFFFD0]  }
0x1c5: {  	v32 =	vunpack.i.l.bf16.f32 v33;
	v33 =	vunpack.i.u.bf16.f32 v28;
	v30 =	vmul.bf16 v27, v30;
	v35 =	vld [tilespmem:s1+$0xFFFFFFE0]  }
0x1c6: {  	v28 =	vunpack.i.l.bf16.f32 v28;
	v27 =	vadd.f32 v32, v38;
	v29 =	vadd.f32 v29, v31;
	v32 =	vld [tilespmem:s10+$0xFFFFFFE0]  }
0x1c7: {  	v31 =	vunpack.i.u.bf16.f32 v30;
	v30 =	vunpack.i.l.bf16.f32 v30;
	v34 =	vmul.bf16 v34, v39;
	v38 =	vld [tilespmem:s1+$0xFFFFFFF0]  }
0x1c8: {  	v28 =	vadd.f32 v28, v33;
	v30 =	vadd.f32 v30, v31;
	v31 =	vld [tilespmem:s10+$0xFFFFFFF0];
	[tilespmem:v37+s23+$0x0] =	vst.idx.msk $0xffff, v29  }
0x1c9: {  	v29 =	vunpack.i.u.bf16.f32 v34;
	v33 =	vunpack.i.l.bf16.f32 v34;
	v34 =	vmul.bf16 v40, v36;
	v36 =	vld [tilespmem:s1+$0x0]  }
0x1ca: {  	v28 =	vadd.f32 v30, v28;
	v29 =	vadd.f32 v33, v29;
	v30 =	vld [tilespmem:s10+$0x0]  }
0x1cb: {  	v33 =	vunpack.i.u.bf16.f32 v34;
	v34 =	vunpack.i.l.bf16.f32 v34;
	v32 =	vmul.bf16 v32, v35;
	v35 =	vld [tilespmem:s1+$0x10]  }
0x1cc: {  	v33 =	vadd.f32 v34, v33;
	v34 =	vld [tilespmem:s10+$0x10]  }
0x1cd: {  	v37 =	vunpack.i.u.bf16.f32 v32;
	v32 =	vunpack.i.l.bf16.f32 v32;
	v31 =	vmul.bf16 v31, v38;
	v38 =	vld [tilespmem:s1+$0x20]  }
0x1ce: {  	v32 =	vadd.f32 v32, v37;
	v29 =	vadd.f32 v33, v29;
	v33 =	vld [tilespmem:s10+$0x20]  }
0x1cf: {  	v37 =	vunpack.i.u.bf16.f32 v31;
	v31 =	vunpack.i.l.bf16.f32 v31;
	v30 =	vmul.bf16 v30, v36;
	v36 =	vld [tilespmem:s1+$0x30]  }
0x1d0: {  	v37 =	vadd.f32 v31, v37;
	v39 =	vld [tilespmem:s10+$0x30]  }
0x1d1: {  	s18 =	sadd.s32 $0x1, s5;
	v40 =	vld [tilespmem:s1+$0xFFFFFF80];
	v41 =	vunpack.i.u.bf16.f32 v30;
	v30 =	vunpack.i.l.bf16.f32 v30;
	v34 =	vmul.bf16 v34, v35;
	s1 =	sadd.s32 $0x100, s1  }
0x1d2: {  	s10 =	sadd.s32 $0x100, s10;
	v31 =	vld [tilespmem:s1+$0x40];
	v35 =	vadd.f32 v37, v32;
	v37 =	vadd.s32 s18, v1;
	v30 =	vadd.f32 v30, v41  }
0x1d3: {  	v32 =	vld [tilespmem:s10+$0x40];
	v41 =	vunpack.i.u.bf16.f32 v34;
	v34 =	vunpack.i.l.bf16.f32 v34;
	v38 =	vmul.bf16 v33, v38  }
0x1d4: {  	v33 =	vld [tilespmem:s1+$0x50];
	v29 =	vadd.f32 v35, v29;
	v41 =	vadd.f32 v34, v41  }
0x1d5: {  	v34 =	vld [tilespmem:s10+$0x50];
	v42 =	vunpack.i.u.bf16.f32 v38;
	v38 =	vunpack.i.l.bf16.f32 v38;
	v39 =	vmul.bf16 v39, v36  }
.Ltmp7:
0x1d6: {  	v35 =	vld [tilespmem:s1+$0x60];
	v26 =	vmul.bf16 v26, v40;
	v42 =	vadd.f32 v38, v42;
	v38 =	vadd.f32 v41, v30;
	(pc) =	sbr.rel @p1 .LBB2_13-.Ltmp7, $4  }
0x1d7: {  	v36 =	vld [tilespmem:s10+$0x60];
	[tilespmem:v37+s23+$0x0] =	vst.idx.msk $0xffff, v29;
	v29 =	vunpack.i.u.bf16.f32 v39;
	v30 =	vunpack.i.l.bf16.f32 v39  }
0x1d8: {  	s18 =	sadd.s32 $0x2, s5;
	v37 =	vld [tilespmem:s1+$0x70];
	v40 =	vunpack.i.u.bf16.f32 v26;
	v26 =	vunpack.i.l.bf16.f32 v26;
	v41 =	vadd.f32 v30, v29  }
0x1d9: {  	v30 =	vadd.s32 s18, v1;
	v39 =	vld [tilespmem:s10+$0x70];
	v40 =	vadd.f32 v26, v40  }
0x1da: {  	v29 =	vadd.s32 s5, v1;
	s5 =	smov.u32 s17;
	s17 =	sadd.s32 $0x4, s17;
	v26 =	vld [tilespmem:s10+$0xFFFFFF80];
	v41 =	vadd.f32 v41, v42  }
0x1db: {  	v42 =	vld [tilespmem:s1+$0xFFFFFF90]  }
0x1dc: {  	v43 =	vld [tilespmem:s10+$0xFFFFFF90]  }
0x1dd: {  	v44 =	vld [tilespmem:s1+$0xFFFFFFA0]  }
0x1de: {  	v45 =	vld [tilespmem:s10+$0xFFFFFFA0]  }
0x1df: {  	v46 =	vld [tilespmem:s1+$0xFFFFFFB0]  }
0x1e0: {  	v53 =	vld [tilespmem:s10+$0xFFFFFFB0]  }
0x1e1: {  	v54 =	vld [tilespmem:s1+$0xFFFFFFC0]  }
0x1e2: {  	v57 =	vld [tilespmem:s10+$0xFFFFFFC0]  }
0x1e3: {  	v59 =	vld [tilespmem:s1+$0xFFFFFFD0]  }
0x1e4: {  	v31 =	vmul.bf16 v32, v31;
	v33 =	vmul.bf16 v34, v33;
	v60 =	vld [tilespmem:s10+$0xFFFFFFD0]  }
0x1e5: {  	v27 =	vadd.f32 v27, v40;
	v61 =	vld [tilespmem:s1+$0xFFFFFFE0];
	v38 =	vadd.f32 v41, v38;
	v35 =	vmul.bf16 v36, v35  }
0x1e6: {  	v62 =	vld [tilespmem:s10+$0xFFFFFFE0];
	v55 =	vunpack.i.u.bf16.f32 v31;
	v31 =	vunpack.i.l.bf16.f32 v31;
	v58 =	vunpack.i.u.bf16.f32 v33  }
0x1e7: {  	v51 =	vld [tilespmem:s1+$0x0];
	v33 =	vunpack.i.l.bf16.f32 v33;
	v27 =	vadd.f32 v28, v27;
	v56 =	vmul.bf16 v39, v37  }
0x1e8: {  	v52 =	vld [tilespmem:s10+$0x0];
	v47 =	vunpack.i.u.bf16.f32 v35;
	v35 =	vunpack.i.l.bf16.f32 v35;
	v31 =	vadd.f32 v31, v55  }
0x1e9: {  	v33 =	vadd.f32 v33, v58;
	v35 =	vadd.f32 v35, v47  }
0x1ea: {  	v48 =	vunpack.i.u.bf16.f32 v56;
	v28 =	vmul.bf16 v45, v44;
	v32 =	vmul.bf16 v53, v46  }
0x1eb: {  	v36 =	vunpack.i.l.bf16.f32 v56;
	v42 =	vmul.bf16 v43, v42;
	v34 =	vmul.bf16 v57, v54  }
0x1ec: {  	v31 =	vadd.f32 v33, v31;
	v55 =	vmul.bf16 v60, v59;
	v39 =	vmul.bf16 v62, v61  }
0x1ed: {  	v58 =	vld [tilespmem:s1+$0x20];
	v47 =	vmul.bf16 v52, v51;
	v36 =	vadd.f32 v36, v48;
	v49 =	vunpack.i.u.bf16.f32 v28  }
0x1ee: {  	v44 =	vld [tilespmem:s1+$0xFFFFFFF0];
	v28 =	vunpack.i.l.bf16.f32 v28;
	v50 =	vunpack.i.u.bf16.f32 v32;
	v32 =	vunpack.i.l.bf16.f32 v32  }
0x1ef: {  	v54 =	vld [tilespmem:s1+$0x10];
	v53 =	vunpack.i.u.bf16.f32 v42;
	v42 =	vunpack.i.l.bf16.f32 v42;
	v57 =	vunpack.i.u.bf16.f32 v34  }
0x1f0: {  	v48 =	vld [tilespmem:s10+$0xFFFFFFF0];
	v34 =	vunpack.i.l.bf16.f32 v34;
	v59 =	vunpack.i.u.bf16.f32 v55;
	v33 =	vunpack.i.l.bf16.f32 v55  }
0x1f1: {  	v56 =	vld [tilespmem:s10+$0x10];
	v62 =	vunpack.i.u.bf16.f32 v39;
	v63 =	vadd.f32 v36, v35;
	v28 =	vadd.f32 v28, v49  }
0x1f2: {  	s19 =	sadd.s32 $0x1, s5;
	v60 =	vld [tilespmem:s10+$0x20];
	v39 =	vunpack.i.l.bf16.f32 v39;
	v32 =	vadd.f32 v32, v50;
	v37 =	vadd.f32 v42, v53  }
0x1f3: {  	v55 =	vadd.s32 s19, v1;
	v34 =	vadd.f32 v34, v57;
	v33 =	vadd.f32 v33, v59  }
0x1f4: {  	v61 =	vld [tilespmem:s1+$0x30];
	v39 =	vadd.f32 v39, v62;
	v50 =	vunpack.i.u.bf16.f32 v47;
	v57 =	vadd.s32 s5, v1  }
0x1f5: {  	v31 =	vadd.f32 v63, v31;
	v28 =	vadd.f32 v32, v28;
	v35 =	vmul.bf16 v48, v44;
	v48 =	vld [tilespmem:s1+$0xFFFFFF80]  }
0x1f6: {  	s18 =	sadd.s32 $0x3, s5;
	s21 =	sadd.s32 $0x2, s5;
	v63 =	vld [tilespmem:s10+$0x30];
	v33 =	vadd.f32 v33, v34;
	v40 =	vmul.bf16 v56, v54;
	v34 =	vunpack.i.l.bf16.f32 v47  }
0x1f7: {  	v32 =	vmul.bf16 v60, v58;
	v54 =	vadd.s32 s18, v1;
	v56 =	vadd.s32 s21, v1  }
0x1f8: {  	v34 =	vadd.f32 v34, v50;
	s1 =	simm.s32 $0x0;
	v43 =	vunpack.i.u.bf16.f32 v40;
	v40 =	vunpack.i.l.bf16.f32 v40  }
0x1f9: {  	[tilespmem:v30+s23+$0x0] =	vst.idx.msk $0xffff, v38;
	v51 =	vunpack.i.u.bf16.f32 v32;
	v32 =	vunpack.i.l.bf16.f32 v32;
	v30 =	vor.u32 s1, v0  }
0x1fa: {  	[tilespmem:v29+s23+$0x0] =	vst.idx.msk $0xffff, v27;
	v27 =	vadd.s32 s1, v23;
	v49 =	vunpack.i.u.bf16.f32 v35;
	v26 =	vmul.bf16 v26, v48  }
0x1fb: {  	v35 =	vunpack.i.l.bf16.f32 v35;
	v40 =	vadd.f32 v40, v43;
	v41 =	vmul.bf16 v63, v61  }
0x1fc: {  	v35 =	vadd.f32 v35, v49;
	v53 =	vunpack.i.u.bf16.f32 v26;
	v26 =	vunpack.i.l.bf16.f32 v26  }
0x1fd: {  	v52 =	vunpack.i.u.bf16.f32 v41;
	v41 =	vunpack.i.l.bf16.f32 v41;
	v26 =	vadd.f32 v26, v53  }
0x1fe: {  	v32 =	vadd.f32 v32, v51;
	v29 =	vand.u32 v3, v30;
	v36 =	vadd.f32 v41, v52  }
0x1ff: {  	v27 =	vand.u32 $0x4F8, v27;
	v35 =	vadd.f32 v35, v39;
	v26 =	vadd.f32 v37, v26  }
0x200: {  	v27 =	vor.u32 v13, v27;
	v34 =	vadd.f32 v40, v34;
	v32 =	vadd.f32 v36, v32  }
0x201: {  	v33 =	vadd.f32 v35, v33;
	v26 =	vadd.f32 v28, v26;
	v28 =	vadd.s32 s1, v22  }
0x202: {  	v30 =	vadd.s32 s1, v18;
	[tilespmem:v54+s23+$0x0] =	vst.idx.msk $0xffff, v31;
	v32 =	vadd.f32 v32, v34;
	v28 =	vand.u32 $0xFF8, v28  }
0x203: {  	v30 =	vand.u32 $0x3F8, v30;
	[tilespmem:v55+s23+$0x0] =	vst.idx.msk $0xffff, v33;
	v31 =	vor.u32 v11, v28;
	v28 =	vadd.s32 s1, v19  }
0x204: {  	v58 =	vadd.s32 s1, v4;
	v30 =	vor.u32 v2, v30;
	[tilespmem:v56+s23+$0x0] =	vst.idx.msk $0xffff, v32;
	v28 =	vand.u32 $0x7F8, v28  }
0x205: {  	p3 =	por $0x1, $0x1;
	v59 =	vadd.s32 s1, v8;
	v62 =	vadd.s32 s1, v12;
	[tilespmem:v57+s23+$0x0] =	vst.idx.msk $0xffff, v26;
	v60 =	vor.u32 v5, v28  }
.Ltmp8:
0x206: {  	v61 =	vadd.s32 s1, v10;
	v32 =	vand.u32 $0xF8, v58;
	v26 =	vadd.s32 s1, v6;
	v27 =	vld.idx.msk [tilespmem:v27+s23+$0x0], $0xffff;
	(pc) =	sbr.rel @!p3 .LBB2_15-.Ltmp8, $4  }
0x207: {  	v63 =	vadd.s32 s1, v14;
	v36 =	vor.u32 v5, v32;
	v28 =	vld.idx.msk [tilespmem:v29+s23+$0x0], $0xffff;
	v29 =	vand.u32 $0x1F8, v26  }
0x208: {  	v33 =	vor.u32 v7, v29;
	v29 =	vand.u32 $0x3F8, v59;
	v26 =	vld.idx.msk [tilespmem:v31+s23+$0x0], $0xffff;
	v31 =	vand.u32 $0x1F8, v61  }
0x209: {  	p1 =	por $0x0, $0x0;
	v32 =	vor.u32 v9, v29;
	v29 =	vld.idx.msk [tilespmem:v30+s23+$0x0], $0xffff;
	v35 =	vor.u32 v11, v31;
	v31 =	vand.u32 $0x3F8, v62  }
0x20a: {  	p2 =	por $0x0, $0x0;
	s5 =	simm.s32 $0x10;
	s10 =	simm.s32 $0x5140;
	v38 =	vand.u32 $0x7F8, v63;
	v37 =	vadd.s32 s1, v16;
	v34 =	vor.u32 v13, v31;
	v30 =	vld.idx.msk [tilespmem:v60+s23+$0x0], $0xffff  }
0x20b: {  	_ =	sdelay $0x2  }
0x20c: {  	v31 =	vand.u32 $0x2F8, v37;
	v55 =	vadd.s32 s1, v20  }
0x20d: {  	v36 =	vld.idx.msk [tilespmem:v36+s23+$0x0], $0xffff;
	v38 =	vor.u32 v15, v38;
	v39 =	vadd.s32 s1, v21;
	v40 =	vadd.s32 s1, v24  }
0x20e: {  	v33 =	vld.idx.msk [tilespmem:v33+s23+$0x0], $0xffff;
	v41 =	vadd.s32 s1, v25;
	v31 =	vor.u32 v17, v31;
	v37 =	vand.u32 $0x3F8, v55  }
0x20f: {  	v32 =	vld.idx.msk [tilespmem:v32+s23+$0x0], $0xffff;
	v42 =	vadd.s32 s5, v22;
	v39 =	vand.u32 $0x7F8, v39;
	v37 =	vor.u32 v7, v37  }
0x210: {  	v35 =	vld.idx.msk [tilespmem:v35+s23+$0x0], $0xffff;
	v43 =	vadd.s32 s5, v23;
	v40 =	vand.u32 $0x5F8, v40;
	v39 =	vor.u32 v9, v39  }
0x211: {  	v34 =	vld.idx.msk [tilespmem:v34+s23+$0x0], $0xffff;
	v44 =	vor.u32 s5, v0;
	v41 =	vand.u32 $0x7F8, v41;
	v40 =	vor.u32 v15, v40  }
0x212: {  	v45 =	vadd.s32 s5, v18;
	v46 =	vadd.s32 s5, v19;
	v41 =	vor.u32 v17, v41;
	v38 =	vld.idx.msk [tilespmem:v38+s23+$0x0], $0xffff  }
0x213: {  	v47 =	vadd.s32 s5, v4;
	v48 =	vadd.s32 s5, v6;
	v49 =	vadd.s32 s5, v8;
	v31 =	vld.idx.msk [tilespmem:v31+s23+$0x0], $0xffff  }
0x214: {  	v50 =	vadd.s32 s5, v10;
	v51 =	vadd.s32 s5, v12;
	v52 =	vadd.s32 s5, v14;
	v37 =	vld.idx.msk [tilespmem:v37+s23+$0x0], $0xffff  }
0x215: {  	v45 =	vand.u32 $0x3F8, v45;
	v42 =	vand.u32 $0xFF8, v42;
	v43 =	vand.u32 $0x4F8, v43;
	v39 =	vld.idx.msk [tilespmem:v39+s23+$0x0], $0xffff  }
0x216: {  	v44 =	vand.u32 v3, v44;
	v47 =	vand.u32 $0xF8, v47;
	v46 =	vand.u32 $0x7F8, v46;
	v40 =	vld.idx.msk [tilespmem:v40+s23+$0x0], $0xffff  }
0x217: {  	v48 =	vand.u32 $0x1F8, v48;
	v28 =	vadd.f32 v35, v28;
	v34 =	vadd.f32 v34, v36;
	v41 =	vld.idx.msk [tilespmem:v41+s23+$0x0], $0xffff  }
0x218: {  	v56 =	vor.u32 v11, v42;
	v33 =	vadd.f32 v38, v33;
	v31 =	vadd.f32 v31, v32  }
0x219: {  	v57 =	vor.u32 v13, v43;
	v28 =	vadd.f32 v29, v28;
	v29 =	vadd.f32 v30, v34  }
0x21a: {  	v30 =	vor.u32 v2, v45;
	v58 =	vadd.f32 v37, v33;
	v31 =	vadd.f32 v39, v31  }
0x21b: {  	p3 =	por $0x1, $0x1;
	v59 =	vor.u32 v5, v46;
	v60 =	vadd.f32 v26, v28;
	v29 =	vadd.f32 v27, v29  }
.Ltmp9:
0x21c: {  	v61 =	vand.u32 $0x1F8, v50;
	v28 =	vld.idx.msk [tilespmem:v44+s23+$0x0], $0xffff;
	v37 =	vadd.f32 v40, v58;
	v31 =	vadd.f32 v41, v31;
	(pc) =	sbr.rel @!p3 .LBB2_17-.Ltmp9, $4  }
0x21d: {  	v63 =	vand.u32 $0x3F8, v51;
	v36 =	vor.u32 v5, v47;
	v27 =	vand.u32 $0x3F8, v49;
	v26 =	vld.idx.msk [tilespmem:v56+s23+$0x0], $0xffff  }
0x21e: {  	v32 =	vor.u32 v9, v27;
	v27 =	vld.idx.msk [tilespmem:v57+s23+$0x0], $0xffff;
	v62 =	vadd.f32 v29, v60;
	v31 =	vadd.f32 v31, v37  }
0x21f: {  	v35 =	vor.u32 v11, v61;
	v34 =	vor.u32 v13, v63;
	v38 =	vand.u32 $0x7F8, v52;
	v29 =	vld.idx.msk [tilespmem:v30+s23+$0x0], $0xffff  }
0x220: {  	s1 =	simm.s32 $0x20;
	p1 =	por $0x1, $0x1;
	v33 =	vor.u32 v7, v48;
	v30 =	vld.idx.msk [tilespmem:v59+s23+$0x0], $0xffff;
	v37 =	vadd.s32 s5, v16;
	v31 =	vadd.f32 v31, v62  }
0x221: {  	_ =	sdelay $0x2  }
0x222: {  	v37 =	vand.u32 $0x2F8, v37;
	v39 =	vadd.s32 s5, v20  }
0x223: {  	v36 =	vld.idx.msk [tilespmem:v36+s23+$0x0], $0xffff;
	v38 =	vor.u32 v15, v38;
	v40 =	vadd.s32 s5, v21;
	v41 =	vadd.s32 s5, v24  }
0x224: {  	v33 =	vld.idx.msk [tilespmem:v33+s23+$0x0], $0xffff;
	v42 =	vadd.s32 s5, v25;
	v37 =	vor.u32 v17, v37;
	v39 =	vand.u32 $0x3F8, v39  }
0x225: {  	v35 =	vld.idx.msk [tilespmem:v35+s23+$0x0], $0xffff;
	v43 =	vadd.s32 s1, v22;
	v40 =	vand.u32 $0x7F8, v40;
	v39 =	vor.u32 v7, v39  }
0x226: {  	v32 =	vld.idx.msk [tilespmem:v32+s23+$0x0], $0xffff;
	v44 =	vadd.s32 s1, v23;
	v41 =	vand.u32 $0x5F8, v41;
	v40 =	vor.u32 v9, v40  }
0x227: {  	v34 =	vld.idx.msk [tilespmem:v34+s23+$0x0], $0xffff;
	v45 =	vor.u32 s1, v0;
	v42 =	vand.u32 $0x7F8, v42;
	v41 =	vor.u32 v15, v41  }
0x228: {  	v46 =	vadd.s32 s1, v18;
	v47 =	vadd.s32 s1, v19;
	v42 =	vor.u32 v17, v42;
	v38 =	vld.idx.msk [tilespmem:v38+s23+$0x0], $0xffff  }
0x229: {  	v48 =	vadd.s32 s1, v4;
	v49 =	vadd.s32 s1, v6;
	v50 =	vadd.s32 s1, v8;
	v37 =	vld.idx.msk [tilespmem:v37+s23+$0x0], $0xffff  }
0x22a: {  	v51 =	vadd.s32 s1, v10;
	v52 =	vadd.s32 s1, v12;
	v54 =	vand.u32 $0x3F8, v46;
	v39 =	vld.idx.msk [tilespmem:v39+s23+$0x0], $0xffff  }
0x22b: {  	v43 =	vand.u32 $0xFF8, v43;
	v44 =	vand.u32 $0x4F8, v44;
	v45 =	vand.u32 v3, v45;
	v63 =	vld.idx.msk [tilespmem:v40+s23+$0x0], $0xffff  }
0x22c: {  	v55 =	vand.u32 $0xF8, v48;
	v47 =	vand.u32 $0x7F8, v47;
	v56 =	vand.u32 $0x1F8, v49;
	v41 =	vld.idx.msk [tilespmem:v41+s23+$0x0], $0xffff  }
0x22d: {  	v62 =	vand.u32 $0x1F8, v51;
	v28 =	vadd.f32 v35, v28;
	v34 =	vadd.f32 v34, v36;
	v42 =	vld.idx.msk [tilespmem:v42+s23+$0x0], $0xffff  }
0x22e: {  	v43 =	vor.u32 v11, v43;
	v33 =	vadd.f32 v38, v33;
	v32 =	vadd.f32 v37, v32  }
0x22f: {  	v28 =	vadd.f32 v29, v28;
	v29 =	vadd.f32 v30, v34;
	v30 =	vor.u32 v2, v54  }
0x230: {  	v58 =	vor.u32 v5, v47;
	v33 =	vadd.f32 v39, v33;
	v32 =	vadd.f32 v63, v32  }
0x231: {  	p3 =	por $0x1, $0x1;
	v57 =	vor.u32 v13, v44;
	v59 =	vadd.f32 v26, v28;
	v29 =	vadd.f32 v27, v29  }
.Ltmp10:
0x232: {  	v36 =	vor.u32 v5, v55;
	v28 =	vld.idx.msk [tilespmem:v45+s23+$0x0], $0xffff;
	v60 =	vadd.f32 v41, v33;
	v61 =	vadd.f32 v42, v32;
	(pc) =	sbr.rel @!p3 .LBB2_19-.Ltmp10, $4  }
0x233: {  	[tilespmem:s10+$0x0] =	vst v31;
	v31 =	vand.u32 $0x3F8, v52;
	v27 =	vand.u32 $0x3F8, v50;
	v26 =	vld.idx.msk [tilespmem:v43+s23+$0x0], $0xffff;
	v33 =	vor.u32 v7, v56  }
0x234: {  	v63 =	vadd.f32 v29, v59;
	v29 =	vld.idx.msk [tilespmem:v30+s23+$0x0], $0xffff;
	v32 =	vor.u32 v9, v27;
	v42 =	vadd.f32 v61, v60  }
0x235: {  	v53 =	vadd.s32 s1, v14;
	v35 =	vor.u32 v11, v62;
	v34 =	vor.u32 v13, v31;
	v30 =	vld.idx.msk [tilespmem:v58+s23+$0x0], $0xffff  }
0x236: {  	s17 =	simm.s32 $0x30;
	p2 =	por $0x1, $0x1;
	s5 =	simm.s32 $0x5140;
	v38 =	vand.u32 $0x7F8, v53;
	v37 =	vadd.s32 s1, v16;
	v27 =	vld.idx.msk [tilespmem:v57+s23+$0x0], $0xffff;
	v31 =	vadd.f32 v42, v63  }
.LBB2_20:
0x237: {  	p3 =	sne.s32 s17, $0x40;
	v36 =	vld.idx.msk [tilespmem:v36+s23+$0x0], $0xffff;
	v38 =	vor.u32 v15, v38;
	v37 =	vand.u32 $0x2F8, v37;
	v39 =	vadd.s32 s1, v20;
	s5 =	sadd.s32 $0x10, s5  }
0x238: {  	v40 =	vadd.s32 s1, v21;
	v33 =	vld.idx.msk [tilespmem:v33+s23+$0x0], $0xffff;
	v37 =	vor.u32 v17, v37;
	v39 =	vand.u32 $0x3F8, v39;
	[tilespmem:s5+$0x0] =	vst v31  }
0x239: {  	v31 =	vld.idx.msk [tilespmem:v32+s23+$0x0], $0xffff;
	v32 =	vor.u32 v7, v39;
	v39 =	vand.u32 $0x7F8, v40;
	v40 =	vadd.s32 s1, v24  }
0x23a: {  	v41 =	vadd.s32 s1, v25;
	s1 =	smov.u32 s17;
	v35 =	vld.idx.msk [tilespmem:v35+s23+$0x0], $0xffff;
	v39 =	vor.u32 v9, v39;
	v40 =	vand.u32 $0x5F8, v40  }
0x23b: {  	v41 =	vand.u32 $0x7F8, v41;
	v34 =	vld.idx.msk [tilespmem:v34+s23+$0x0], $0xffff;
	v40 =	vor.u32 v15, v40  }
0x23c: {  	v42 =	vadd.s32 s17, v22;
	v43 =	vadd.s32 s17, v23;
	v41 =	vor.u32 v17, v41;
	v38 =	vld.idx.msk [tilespmem:v38+s23+$0x0], $0xffff  }
0x23d: {  	v44 =	vor.u32 s17, v0;
	v45 =	vadd.s32 s17, v18;
	v46 =	vadd.s32 s17, v19;
	v37 =	vld.idx.msk [tilespmem:v37+s23+$0x0], $0xffff  }
0x23e: {  	v47 =	vadd.s32 s17, v4;
	v48 =	vadd.s32 s17, v6;
	v49 =	vadd.s32 s17, v8;
	v32 =	vld.idx.msk [tilespmem:v32+s23+$0x0], $0xffff  }
0x23f: {  	v50 =	vadd.s32 s17, v10;
	v51 =	vadd.s32 s17, v12;
	v52 =	vadd.s32 s17, v14;
	v39 =	vld.idx.msk [tilespmem:v39+s23+$0x0], $0xffff  }
0x240: {  	v45 =	vand.u32 $0x3F8, v45;
	v42 =	vand.u32 $0xFF8, v42;
	v43 =	vand.u32 $0x4F8, v43;
	v40 =	vld.idx.msk [tilespmem:v40+s23+$0x0], $0xffff  }
0x241: {  	v44 =	vand.u32 v3, v44;
	v47 =	vand.u32 $0xF8, v47;
	v46 =	vand.u32 $0x7F8, v46;
	v41 =	vld.idx.msk [tilespmem:v41+s23+$0x0], $0xffff  }
0x242: {  	v48 =	vand.u32 $0x1F8, v48;
	v28 =	vadd.f32 v35, v28;
	v34 =	vadd.f32 v34, v36  }
0x243: {  	v35 =	vor.u32 v11, v42;
	v33 =	vadd.f32 v38, v33;
	v31 =	vadd.f32 v37, v31  }
0x244: {  	v28 =	vadd.f32 v29, v28;
	v37 =	vor.u32 v13, v43;
	v29 =	vadd.f32 v30, v34  }
0x245: {  	v30 =	vor.u32 v2, v45;
	v32 =	vadd.f32 v32, v33;
	v31 =	vadd.f32 v39, v31  }
0x246: {  	v34 =	vadd.f32 v26, v28;
	v39 =	vor.u32 v5, v46;
	v29 =	vadd.f32 v27, v29  }
.Ltmp11:
0x247: {  	v36 =	vor.u32 v5, v47;
	v38 =	vadd.f32 v40, v32;
	v31 =	vadd.f32 v41, v31;
	v28 =	vld.idx.msk [tilespmem:v44+s23+$0x0], $0xffff;
	(pc) =	sbr.rel @p3 .LBB2_20-.Ltmp11, $4  }
0x248: {  	v33 =	vor.u32 v7, v48;
	v27 =	vand.u32 $0x3F8, v49;
	v40 =	vand.u32 $0x1F8, v50;
	v26 =	vld.idx.msk [tilespmem:v35+s23+$0x0], $0xffff  }
0x249: {  	v32 =	vor.u32 v9, v27;
	v41 =	vadd.f32 v29, v34;
	v31 =	vadd.f32 v31, v38;
	v27 =	vld.idx.msk [tilespmem:v37+s23+$0x0], $0xffff  }
0x24a: {  	v34 =	vand.u32 $0x3F8, v51;
	v35 =	vor.u32 v11, v40;
	v37 =	vadd.s32 s17, v16;
	v29 =	vld.idx.msk [tilespmem:v30+s23+$0x0], $0xffff  }
0x24b: {  	v34 =	vor.u32 v13, v34;
	v38 =	vand.u32 $0x7F8, v52;
	s17 =	sadd.s32 $0x10, s17;
	v31 =	vadd.f32 v31, v41;
	v30 =	vld.idx.msk [tilespmem:v39+s23+$0x0], $0xffff  }
.LBB2_21:
0x24c: {  	_ =	sdelay $0x3  }
0x24d: {  	v36 =	vld.idx.msk [tilespmem:v36+s23+$0x0], $0xffff;
	v38 =	vor.u32 v15, v38;
	v37 =	vand.u32 $0x2F8, v37;
	v39 =	vadd.s32 s1, v20  }
0x24e: {  	v33 =	vld.idx.msk [tilespmem:v33+s23+$0x0], $0xffff;
	v40 =	vadd.s32 s1, v21;
	v37 =	vor.u32 v17, v37;
	v39 =	vand.u32 $0x3F8, v39  }
0x24f: {  	v32 =	vld.idx.msk [tilespmem:v32+s23+$0x0], $0xffff;
	v41 =	vadd.s32 s1, v24;
	v40 =	vand.u32 $0x7F8, v40;
	v39 =	vor.u32 v7, v39  }
0x250: {  	v35 =	vld.idx.msk [tilespmem:v35+s23+$0x0], $0xffff;
	v42 =	vadd.s32 s1, v25;
	v41 =	vand.u32 $0x5F8, v41;
	v40 =	vor.u32 v9, v40  }
0x251: {  	v34 =	vld.idx.msk [tilespmem:v34+s23+$0x0], $0xffff;
	v42 =	vand.u32 $0x7F8, v42;
	v41 =	vor.u32 v15, v41  }
0x252: {  	v42 =	vor.u32 v17, v42;
	v38 =	vld.idx.msk [tilespmem:v38+s23+$0x0], $0xffff  }
0x253: {  	v37 =	vld.idx.msk [tilespmem:v37+s23+$0x0], $0xffff  }
0x254: {  	v39 =	vld.idx.msk [tilespmem:v39+s23+$0x0], $0xffff  }
0x255: {  	v40 =	vld.idx.msk [tilespmem:v40+s23+$0x0], $0xffff  }
0x256: {  	v41 =	vld.idx.msk [tilespmem:v41+s23+$0x0], $0xffff  }
0x257: {  	v28 =	vadd.f32 v35, v28;
	v34 =	vadd.f32 v34, v36;
	v56 =	vld.idx.msk [tilespmem:v42+s23+$0x0], $0xffff  }
0x258: {  	v33 =	vadd.f32 v38, v33;
	v32 =	vadd.f32 v37, v32  }
0x259: {  	v28 =	vadd.f32 v29, v28;
	v29 =	vadd.f32 v30, v34  }
0x25a: {  	v30 =	vadd.f32 v39, v33;
	v32 =	vadd.f32 v40, v32  }
0x25b: {  	v26 =	vadd.f32 v26, v28;
	v27 =	vadd.f32 v27, v29  }
0x25c: {  	v28 =	vadd.f32 v41, v30;
	v29 =	vadd.f32 v56, v32;
	_ =	sdelay $0x1  }
0x25d: {  	s5 =	sadd.s32 @p2 $0x10, s5;
	s17 =	simm.s32 $0x5140;
	s1 =	smul.u32 $0xA0, s13;
	v26 =	vadd.f32 v27, v26;
	v27 =	vadd.f32 v29, v28  }
0x25e: {  	s17 =	smov.u32 @p2 s5  }
0x25f: {  	s5 =	sadd.s32 @p1 $0x10, s17;
	s18 =	sadd.s32 s9, s1;
	v26 =	vadd.f32 v27, v26  }
0x260: {  	[tilespmem:s17+$0x0] =	vst @p1 v31;
	s10 =	smov.u32 @p1 s5;
	s19 =	sshrl.u32 s18, $0x3  }
0x261: {  	s5 =	sadd.s32 s8, s19;
	[tilespmem:s10+$0x0] =	vst v26  }
0x262: {  	[hbm4b:s5+s4] =	stream.linear.scatter [tilespmem:s24], [sflag:$0x5], $0x50, $0x38;
	[tilespmem:$0x1AF30] =	vst v63  }
0x263: {  	_ =	swait.ge [sflag:s25], $0xA00  }
0x264: {  	[sflag:s25] =	ssyncset.done $0x0  }
0x265: {  	[sflag:s25] =	ssyncadd.s32 $0xFFFFF600  }
0x266: {  	_ =	swait.ge [sflag:s25], $0xA00  }
0x267: {  	[sflag:s25] =	ssyncset.done $0x0  }
0x268: {  	[sflag:s25] =	ssyncadd.s32 $0xFFFFF600  }
0x269: {  	_ =	swait.ge [sflag:s25], $0xA00  }
0x26a: {  	[sflag:s25] =	ssyncset.done $0x0  }
0x26b: {  	[sflag:s25] =	ssyncadd.s32 $0xFFFFF600  }
0x26c: {  	s5 =	sadd.s32 @!p0 s1, s31;
	_ =	swait.ge [sflag:s25], $0xA00  }
0x26d: {  	s17 =	simm.s32 @!p0 $0x0;
	s5 =	sshrl.u32 @!p0 s5, $0x3;
	[sflag:s25] =	ssyncset.done $0x0  }
0x26e: {  	s18 =	simm.s32 @!p0 $0x50;
	s10 =	sadd.s32 @!p0 s6, s5;
	[sflag:s25] =	ssyncadd.s32 $0xFFFFF600  }
0x26f: {  	[tilespmem:s18], [sflag:$0x4] =	stream.linear.gather @!p0 [hbm4b:s10+s17], $0x50, $0x38;
	[tilespmem:$0x1AF30] =	vst v63  }
0x270: {  	s5 =	sadd.s32 @!p0 s7, s5;
	s10 =	simm.s32 @!p0 $0xF0  }
0x271: {  	[tilespmem:s10], [sflag:$0x4] =	stream.linear.gather @!p0 [hbm4b:s5+s17], $0x50, $0x38;
	[tilespmem:$0x1AF30] =	vst v63  }
0x272: {  	s5 =	simm.s32 @!p0 $0x3  }
0x273: {  	_ =	swait.ge @!p0 [sflag:s5], $0x50  }
0x274: {  	[sflag:s5] =	ssyncset.done @!p0 $0x0  }
0x275: {  	[sflag:s5] =	ssyncadd.s32 @!p0 $0xFFFFFFB0  }
0x276: {  	_ =	swait.ge @!p0 [sflag:s5], $0x50  }
0x277: {  	[sflag:s5] =	ssyncset.done @!p0 $0x0  }
0x278: {  	s10 =	simm.s32 @!p0 $0x140;
	[sflag:s5] =	ssyncadd.s32 @!p0 $0xFFFFFFB0;
	s5 =	simm.s32 @!p0 $0x28  }
0x279: {  	[tilespmem:s10], [sflag:$0x1] =	stream.indirect.gather @!p0 [spmem:s2], $0x40, s17, s5, $0xb8;
	[tilespmem:$0x1AF30] =	vst v63  }
0x27a: {  	s10 =	simm.s32 @!p0 $0xA0;
	s17 =	simm.s32 @!p0 $0x2940  }
0x27b: {  	[tilespmem:s17], [sflag:$0x1] =	stream.indirect.gather @!p0 [spmem:s3], $0x40, s10, s5, $0xb8;
	[tilespmem:$0x1AF30] =	vst v63  }
0x27c: {  	s10 =	simm.s32 @!p0 $0xB40  }
0x27d: {  	[tilespmem:s10], [sflag:$0x1] =	stream.indirect.gather @!p0 [spmem:s2], $0x40, s5, s5, $0xb8;
	[tilespmem:$0x1AF30] =	vst v63  }
0x27e: {  	p1 =	seq.s32 @!p0 s13, $0x0;
	s17 =	simm.s32 @!p0 $0x3340;
	s10 =	simm.s32 @!p0 $0xC8  }
0x27f: {  	[tilespmem:s17], [sflag:$0x1] =	stream.indirect.gather @!p0 [spmem:s3], $0x40, s10, s5, $0xb8;
	[tilespmem:$0x1AF30] =	vst v63  }
0x280: {  	p0 =	por p0, !p1  }
0x281: {  	_ =	swait.ge @p0 [sflag:s29], $0x50  }
0x282: {  	[sflag:s29] =	ssyncset.done @p0 $0x0  }
0x283: {  	s21 =	simm.s32 $0x1630;
	[sflag:s29] =	ssyncadd.s32 @p0 $0xFFFFFFB0  }
0x284: {  	s18 =	simm.s32 $0x3E30;
	v26 =	vld [tilespmem:s21+$0xFFFFFFD0]  }
0x285: {  	v27 =	vld [tilespmem:s18+$0xFFFFFFD0]  }
0x286: {  	v28 =	vld [tilespmem:s21+$0xFFFFFFE0]  }
0x287: {  	v29 =	vld [tilespmem:s18+$0xFFFFFFE0]  }
0x288: {  	v30 =	vld [tilespmem:s21+$0xFFFFFFF0]  }
0x289: {  	v31 =	vld [tilespmem:s18+$0xFFFFFFF0]  }
0x28a: {  	v57 =	vld [tilespmem:s21+$0x0]  }
0x28b: {  	v58 =	vld [tilespmem:s18+$0x0]  }
0x28c: {  	v59 =	vld [tilespmem:s21+$0xFFFFFF20]  }
0x28d: {  	v60 =	vld [tilespmem:s18+$0xFFFFFF20]  }
0x28e: {  	v61 =	vld [tilespmem:s21+$0xFFFFFF30]  }
0x28f: {  	v62 =	vld [tilespmem:s18+$0xFFFFFF30]  }
0x290: {  	v63 =	vld [tilespmem:s21+$0xFFFFFF50]  }
0x291: {  	v47 =	vld [tilespmem:s18+$0xFFFFFF50]  }
0x292: {  	v43 =	vld [tilespmem:s21+$0xFFFFFF60]  }
0x293: {  	v49 =	vld [tilespmem:s18+$0xFFFFFF60]  }
0x294: {  	v50 =	vld [tilespmem:s21+$0xFFFFFF70]  }
0x295: {  	v52 =	vld [tilespmem:s18+$0xFFFFFF70]  }
0x296: {  	v55 =	vld [tilespmem:s21+$0xFFFFFF90];
	v26 =	vmul.bf16 v27, v26;
	v28 =	vmul.bf16 v29, v28  }
0x297: {  	v56 =	vld [tilespmem:s18+$0xFFFFFF90];
	v29 =	vmul.bf16 v31, v30;
	v32 =	vmul.bf16 v58, v57  }
0x298: {  	v27 =	vld [tilespmem:s21+$0xFFFFFF40];
	v37 =	vmul.bf16 v62, v61;
	v33 =	vmul.bf16 v47, v63  }
0x299: {  	v30 =	vld [tilespmem:s18+$0xFFFFFF40];
	v34 =	vmul.bf16 v49, v43;
	v31 =	vunpack.i.u.bf16.f32 v26;
	v26 =	vunpack.i.l.bf16.f32 v26  }
0x29a: {  	v58 =	vld [tilespmem:s21+$0xFFFFFFA0];
	v45 =	vunpack.i.u.bf16.f32 v28;
	v28 =	vunpack.i.l.bf16.f32 v28;
	v46 =	vunpack.i.u.bf16.f32 v29  }
0x29b: {  	v61 =	vld [tilespmem:s21+$0xFFFFFFB0];
	v29 =	vunpack.i.l.bf16.f32 v29;
	v48 =	vunpack.i.u.bf16.f32 v32;
	v32 =	vunpack.i.l.bf16.f32 v32  }
0x29c: {  	v62 =	vld [tilespmem:s18+$0xFFFFFFB0];
	v26 =	vadd.f32 v26, v31;
	v28 =	vadd.f32 v28, v45;
	v31 =	vmul.bf16 v60, v59  }
0x29d: {  	v63 =	vld [tilespmem:s21+$0xFFFFFFC0];
	v53 =	vunpack.i.u.bf16.f32 v37;
	v29 =	vadd.f32 v29, v46;
	v32 =	vadd.f32 v32, v48  }
0x29e: {  	v37 =	vunpack.i.l.bf16.f32 v37;
	v59 =	vld [tilespmem:s18+$0xFFFFFFA0];
	v51 =	vunpack.i.u.bf16.f32 v31;
	v26 =	vadd.f32 v28, v26  }
0x29f: {  	v28 =	vadd.f32 v32, v29;
	v29 =	vunpack.i.l.bf16.f32 v31;
	v30 =	vmul.bf16 v30, v27;
	v31 =	vld [tilespmem:s21+$0xFFFFFF80]  }
0x2a0: {  	v57 =	vunpack.i.u.bf16.f32 v33;
	v33 =	vunpack.i.l.bf16.f32 v33;
	v27 =	vadd.f32 v29, v51;
	v29 =	vld [tilespmem:s18+$0xFFFFFF80]  }
0x2a1: {  	v49 =	vld [tilespmem:s18+$0xFFFFFFC0];
	v33 =	vadd.f32 v33, v57;
	v54 =	vunpack.i.u.bf16.f32 v30;
	v30 =	vunpack.i.l.bf16.f32 v30  }
0x2a2: {  	v60 =	vunpack.i.u.bf16.f32 v34;
	v32 =	vadd.f32 v37, v53;
	v30 =	vadd.f32 v30, v54  }
0x2a3: {  	v34 =	vunpack.i.l.bf16.f32 v34;
	v37 =	vmul.bf16 v56, v55;
	v38 =	vmul.bf16 v62, v61  }
0x2a4: {  	v26 =	vadd.f32 v28, v26;
	v28 =	vadd.f32 v30, v32;
	v30 =	vmul.bf16 v52, v50  }
0x2a5: {  	v53 =	vunpack.i.l.bf16.f32 v37;
	v54 =	vmul.bf16 v59, v58;
	v29 =	vmul.bf16 v29, v31  }
0x2a6: {  	v36 =	vld [tilespmem:s18+$0xFFFFFF10];
	v58 =	vmul.bf16 v49, v63;
	v59 =	vunpack.i.u.bf16.f32 v38;
	v39 =	vunpack.i.u.bf16.f32 v30  }
0x2a7: {  	s5 =	simm.s32 $0x1730;
	v44 =	vld [tilespmem:s21+$0xFFFFFF10];
	v30 =	vunpack.i.l.bf16.f32 v30;
	v48 =	vunpack.i.u.bf16.f32 v29;
	v29 =	vunpack.i.l.bf16.f32 v29  }
0x2a8: {  	s19 =	simm.s32 $0x3;
	v35 =	vld [tilespmem:s5+$0xFFFFFFF0];
	s18 =	simm.s32 $0x3F30;
	v38 =	vunpack.i.l.bf16.f32 v38;
	v30 =	vadd.f32 v30, v39;
	v29 =	vadd.f32 v29, v48  }
0x2a9: {  	s21 =	simm.s32 $0x1;
	v61 =	vadd.f32 v38, v59;
	v38 =	vld [tilespmem:s18+$0x0];
	v50 =	vadd.s32 s19, v1;
	v31 =	vadd.f32 v34, v60  }
0x2aa: {  	v52 =	vunpack.i.u.bf16.f32 v37;
	v32 =	vld [tilespmem:s18+$0xFFFFFFD0];
	v29 =	vadd.f32 v29, v30;
	v30 =	vadd.s32 s21, v1  }
0x2ab: {  	v56 =	vunpack.i.u.bf16.f32 v54;
	v37 =	vunpack.i.l.bf16.f32 v54;
	v34 =	vld [tilespmem:s18+$0xFFFFFFE0];
	v51 =	vadd.f32 v31, v33  }
0x2ac: {  	v62 =	vunpack.i.u.bf16.f32 v58;
	v55 =	vadd.f32 v53, v52;
	v60 =	vmul.bf16 v36, v44;
	v36 =	vld [tilespmem:s18+$0xFFFFFFF0]  }
0x2ad: {  	v63 =	vunpack.i.l.bf16.f32 v58;
	v57 =	vadd.f32 v37, v56;
	v31 =	vld [tilespmem:s5+$0xFFFFFFD0];
	v29 =	vadd.f32 v29, v51  }
0x2ae: {  	s19 =	simm.s32 $0x2;
	v45 =	vadd.f32 v63, v62;
	v33 =	vld [tilespmem:s5+$0xFFFFFFE0];
	v46 =	vunpack.i.u.bf16.f32 v60;
	v43 =	vunpack.i.l.bf16.f32 v60  }
0x2af: {  	s10 =	simm.s32 $0x0;
	v37 =	vld [tilespmem:s5+$0x0];
	v40 =	vadd.f32 v43, v46;
	[tilespmem:v30+s23+$0x0] =	vst.idx.msk $0xffff, v29;
	v30 =	vadd.s32 s19, v1  }
0x2b0: {  	s17 =	simm.s32 $0x4;
	v39 =	vadd.f32 v57, v55;
	v41 =	vadd.f32 v45, v61;
	[tilespmem:v50+s23+$0x0] =	vst.idx.msk $0xffff, v26;
	v26 =	vld [tilespmem:s18+$0xFFFFFF10];
	s19 =	simm.s32 $0x8;
	v29 =	vadd.s32 s10, v1  }
.LBB2_22:
0x2b1: {  	p0 =	slt.u32 s19, $0x4C;
	v42 =	vld [tilespmem:s5+$0xFFFFFF20];
	v27 =	vadd.f32 v27, v40  }
0x2b2: {  	v31 =	vmul.bf16 v32, v31;
	v40 =	vld [tilespmem:s18+$0xFFFFFF20];
	v32 =	vadd.f32 v41, v39  }
0x2b3: {  	v33 =	vmul.bf16 v34, v33;
	v39 =	vld [tilespmem:s5+$0xFFFFFF30];
	v27 =	vadd.f32 v28, v27  }
0x2b4: {  	v35 =	vmul.bf16 v36, v35;
	v34 =	vunpack.i.u.bf16.f32 v31;
	v28 =	vld [tilespmem:s18+$0xFFFFFF30];
	v36 =	vmul.bf16 v38, v37;
	[tilespmem:v30+s23+$0x0] =	vst.idx.msk $0xffff, v32  }
0x2b5: {  	v31 =	vunpack.i.l.bf16.f32 v31;
	v32 =	vunpack.i.u.bf16.f32 v33;
	v33 =	vunpack.i.l.bf16.f32 v33;
	v30 =	vld [tilespmem:s5+$0xFFFFFF40];
	[tilespmem:v29+s23+$0x0] =	vst.idx.msk $0xffff, v27  }
0x2b6: {  	v29 =	vunpack.i.u.bf16.f32 v35;
	v35 =	vunpack.i.l.bf16.f32 v35;
	v27 =	vld [tilespmem:s18+$0xFFFFFF40];
	v37 =	vunpack.i.u.bf16.f32 v36  }
0x2b7: {  	v31 =	vadd.f32 v31, v34;
	v32 =	vadd.f32 v33, v32;
	v36 =	vunpack.i.l.bf16.f32 v36;
	v38 =	vld [tilespmem:s5+$0xFFFFFF50]  }
0x2b8: {  	s21 =	sadd.s32 $0x3, s17;
	v29 =	vadd.f32 v35, v29;
	v33 =	vmul.bf16 v40, v42;
	v35 =	vadd.f32 v36, v37;
	v34 =	vld [tilespmem:s18+$0xFFFFFF50]  }
0x2b9: {  	v37 =	vadd.s32 s21, v1;
	v28 =	vmul.bf16 v28, v39;
	v36 =	vld [tilespmem:s5+$0xFFFFFF60]  }
0x2ba: {  	v31 =	vadd.f32 v32, v31;
	v39 =	vunpack.i.u.bf16.f32 v33;
	v29 =	vadd.f32 v35, v29;
	v40 =	vld [tilespmem:s18+$0xFFFFFF60]  }
0x2bb: {  	v32 =	vunpack.i.l.bf16.f32 v33;
	v33 =	vunpack.i.u.bf16.f32 v28;
	v30 =	vmul.bf16 v27, v30;
	v35 =	vld [tilespmem:s5+$0xFFFFFF70]  }
0x2bc: {  	v28 =	vunpack.i.l.bf16.f32 v28;
	v27 =	vadd.f32 v32, v39;
	v29 =	vadd.f32 v29, v31;
	v32 =	vld [tilespmem:s18+$0xFFFFFF70]  }
0x2bd: {  	v31 =	vunpack.i.u.bf16.f32 v30;
	v30 =	vunpack.i.l.bf16.f32 v30;
	v34 =	vmul.bf16 v34, v38;
	v38 =	vld [tilespmem:s5+$0xFFFFFF80]  }
0x2be: {  	v28 =	vadd.f32 v28, v33;
	v30 =	vadd.f32 v30, v31;
	v31 =	vld [tilespmem:s18+$0xFFFFFF80];
	[tilespmem:v37+s23+$0x0] =	vst.idx.msk $0xffff, v29  }
0x2bf: {  	v29 =	vunpack.i.u.bf16.f32 v34;
	v33 =	vunpack.i.l.bf16.f32 v34;
	v34 =	vmul.bf16 v40, v36;
	v36 =	vld [tilespmem:s5+$0xFFFFFF90]  }
0x2c0: {  	v28 =	vadd.f32 v30, v28;
	v29 =	vadd.f32 v33, v29;
	v30 =	vld [tilespmem:s18+$0xFFFFFF90]  }
0x2c1: {  	v33 =	vunpack.i.u.bf16.f32 v34;
	v34 =	vunpack.i.l.bf16.f32 v34;
	v32 =	vmul.bf16 v32, v35;
	v35 =	vld [tilespmem:s5+$0xFFFFFFA0]  }
0x2c2: {  	v33 =	vadd.f32 v34, v33;
	v34 =	vld [tilespmem:s18+$0xFFFFFFA0]  }
0x2c3: {  	v37 =	vunpack.i.u.bf16.f32 v32;
	v32 =	vunpack.i.l.bf16.f32 v32;
	v31 =	vmul.bf16 v31, v38;
	v38 =	vld [tilespmem:s5+$0xFFFFFFB0]  }
0x2c4: {  	v32 =	vadd.f32 v32, v37;
	v29 =	vadd.f32 v33, v29;
	v33 =	vld [tilespmem:s18+$0xFFFFFFB0]  }
0x2c5: {  	v37 =	vunpack.i.u.bf16.f32 v31;
	v31 =	vunpack.i.l.bf16.f32 v31;
	v30 =	vmul.bf16 v30, v36;
	v36 =	vld [tilespmem:s5+$0xFFFFFFC0]  }
0x2c6: {  	v37 =	vadd.f32 v31, v37;
	v39 =	vld [tilespmem:s18+$0xFFFFFFC0]  }
0x2c7: {  	s21 =	sadd.s32 $0x1, s17;
	v40 =	vld [tilespmem:s5+$0xFFFFFF10];
	v41 =	vunpack.i.u.bf16.f32 v30;
	v30 =	vunpack.i.l.bf16.f32 v30;
	v34 =	vmul.bf16 v34, v35;
	s5 =	sadd.s32 $0x100, s5  }
0x2c8: {  	s18 =	sadd.s32 $0x100, s18;
	v31 =	vld [tilespmem:s5+$0xFFFFFFD0];
	v35 =	vadd.f32 v37, v32;
	v37 =	vadd.s32 s21, v1;
	v30 =	vadd.f32 v30, v41  }
0x2c9: {  	v32 =	vld [tilespmem:s18+$0xFFFFFFD0];
	v41 =	vunpack.i.u.bf16.f32 v34;
	v34 =	vunpack.i.l.bf16.f32 v34;
	v38 =	vmul.bf16 v33, v38  }
0x2ca: {  	v33 =	vld [tilespmem:s5+$0xFFFFFFE0];
	v29 =	vadd.f32 v35, v29;
	v41 =	vadd.f32 v34, v41  }
0x2cb: {  	v34 =	vld [tilespmem:s18+$0xFFFFFFE0];
	v42 =	vunpack.i.u.bf16.f32 v38;
	v38 =	vunpack.i.l.bf16.f32 v38;
	v43 =	vmul.bf16 v39, v36  }
.Ltmp12:
0x2cc: {  	v35 =	vld [tilespmem:s5+$0xFFFFFFF0];
	v26 =	vmul.bf16 v26, v40;
	v42 =	vadd.f32 v38, v42;
	v39 =	vadd.f32 v41, v30;
	(pc) =	sbr.rel @p0 .LBB2_22-.Ltmp12, $4  }
0x2cd: {  	v36 =	vld [tilespmem:s18+$0xFFFFFFF0];
	[tilespmem:v37+s23+$0x0] =	vst.idx.msk $0xffff, v29;
	v29 =	vunpack.i.u.bf16.f32 v43;
	v30 =	vunpack.i.l.bf16.f32 v43  }
0x2ce: {  	s21 =	sadd.s32 $0x2, s17;
	v37 =	vld [tilespmem:s5+$0x0];
	v40 =	vunpack.i.u.bf16.f32 v26;
	v26 =	vunpack.i.l.bf16.f32 v26;
	v41 =	vadd.f32 v30, v29  }
0x2cf: {  	v30 =	vadd.s32 s21, v1;
	v38 =	vld [tilespmem:s18+$0x0];
	v40 =	vadd.f32 v26, v40  }
0x2d0: {  	v29 =	vadd.s32 s17, v1;
	s17 =	smov.u32 s19;
	s19 =	sadd.s32 $0x4, s19;
	v26 =	vld [tilespmem:s18+$0xFFFFFF10];
	v41 =	vadd.f32 v41, v42  }
0x2d1: {  	v42 =	vld [tilespmem:s5+$0xFFFFFF20]  }
0x2d2: {  	v43 =	vld [tilespmem:s18+$0xFFFFFF20]  }
0x2d3: {  	v44 =	vld [tilespmem:s5+$0xFFFFFF30]  }
0x2d4: {  	v45 =	vld [tilespmem:s18+$0xFFFFFF30]  }
0x2d5: {  	v46 =	vld [tilespmem:s5+$0xFFFFFF40]  }
0x2d6: {  	v57 =	vld [tilespmem:s18+$0xFFFFFF40]  }
0x2d7: {  	v27 =	vadd.f32 v27, v40;
	v61 =	vld [tilespmem:s5+$0xFFFFFF60]  }
0x2d8: {  	v31 =	vmul.bf16 v32, v31;
	v47 =	vld [tilespmem:s18+$0xFFFFFF60]  }
0x2d9: {  	v33 =	vmul.bf16 v34, v33;
	v49 =	vld [tilespmem:s5+$0xFFFFFF70];
	v32 =	vadd.f32 v41, v39;
	v27 =	vadd.f32 v28, v27  }
0x2da: {  	v51 =	vld [tilespmem:s18+$0xFFFFFF70];
	v28 =	vmul.bf16 v36, v35;
	v59 =	vunpack.i.u.bf16.f32 v31;
	v31 =	vunpack.i.l.bf16.f32 v31  }
0x2db: {  	v52 =	vld [tilespmem:s5+$0xFFFFFF80];
	v62 =	vunpack.i.u.bf16.f32 v33;
	v33 =	vunpack.i.l.bf16.f32 v33;
	v60 =	vmul.bf16 v38, v37  }
0x2dc: {  	v54 =	vld [tilespmem:s18+$0xFFFFFF80];
	v31 =	vadd.f32 v31, v59;
	v33 =	vadd.f32 v33, v62;
	[tilespmem:v30+s23+$0x0] =	vst.idx.msk $0xffff, v32;
	v30 =	vadd.s32 s10, v18  }
0x2dd: {  	v58 =	vld [tilespmem:s18+$0xFFFFFF50];
	v63 =	vunpack.i.u.bf16.f32 v28;
	v28 =	vunpack.i.l.bf16.f32 v28;
	[tilespmem:v29+s23+$0x0] =	vst.idx.msk $0xffff, v27;
	v27 =	vadd.s32 s10, v6  }
0x2de: {  	v39 =	vld [tilespmem:s5+$0xFFFFFF50];
	v30 =	vand.u32 $0x3F8, v30;
	v48 =	vunpack.i.u.bf16.f32 v60;
	v36 =	vunpack.i.l.bf16.f32 v60  }
0x2df: {  	v50 =	vmul.bf16 v43, v42;
	v28 =	vadd.f32 v28, v63;
	v53 =	vmul.bf16 v45, v44  }
0x2e0: {  	v31 =	vadd.f32 v33, v31;
	v55 =	vmul.bf16 v57, v46;
	v37 =	vmul.bf16 v47, v61  }
0x2e1: {  	v38 =	vmul.bf16 v51, v49;
	v33 =	vmul.bf16 v54, v52;
	v45 =	vadd.s32 s10, v19  }
0x2e2: {  	v56 =	vld [tilespmem:s5+$0xFFFFFF90];
	v46 =	vadd.s32 s10, v4;
	v47 =	vadd.s32 s10, v10;
	v30 =	vor.u32 v2, v30  }
0x2e3: {  	v59 =	vld [tilespmem:s18+$0xFFFFFFA0];
	v27 =	vand.u32 $0x1F8, v27;
	v36 =	vadd.f32 v36, v48;
	v34 =	vmul.bf16 v58, v39  }
0x2e4: {  	v57 =	vld [tilespmem:s18+$0xFFFFFF90];
	v32 =	vand.u32 $0x7F8, v45;
	v27 =	vor.u32 v7, v27;
	v43 =	vunpack.i.u.bf16.f32 v50  }
0x2e5: {  	v61 =	vld [tilespmem:s5+$0xFFFFFFB0];
	v35 =	vunpack.i.l.bf16.f32 v50;
	v44 =	vunpack.i.u.bf16.f32 v53;
	v42 =	vunpack.i.l.bf16.f32 v53  }
0x2e6: {  	v63 =	vld [tilespmem:s18+$0xFFFFFFB0];
	v62 =	vunpack.i.u.bf16.f32 v37;
	v37 =	vunpack.i.l.bf16.f32 v37;
	v50 =	vunpack.i.u.bf16.f32 v38  }
0x2e7: {  	v49 =	vld [tilespmem:s5+$0xFFFFFFC0];
	v38 =	vunpack.i.l.bf16.f32 v38;
	v53 =	vunpack.i.u.bf16.f32 v33;
	v33 =	vunpack.i.l.bf16.f32 v33  }
0x2e8: {  	v51 =	vld [tilespmem:s18+$0xFFFFFFC0];
	v32 =	vor.u32 v5, v32;
	v28 =	vadd.f32 v36, v28;
	v35 =	vadd.f32 v35, v43  }
0x2e9: {  	v52 =	vld [tilespmem:s5+$0xFFFFFF10];
	v36 =	vunpack.i.l.bf16.f32 v55;
	v42 =	vadd.f32 v42, v44;
	v60 =	vunpack.i.u.bf16.f32 v34  }
0x2ea: {  	v58 =	vld [tilespmem:s5+$0xFFFFFFA0];
	v34 =	vunpack.i.l.bf16.f32 v34;
	v48 =	vadd.f32 v37, v62;
	v38 =	vadd.f32 v38, v50  }
0x2eb: {  	s18 =	sadd.s32 $0x1, s17;
	v33 =	vadd.f32 v33, v53;
	v62 =	vadd.s32 s17, v1;
	v34 =	vadd.f32 v34, v60  }
0x2ec: {  	v60 =	vadd.s32 s18, v1;
	v28 =	vadd.f32 v28, v31;
	v40 =	vmul.bf16 v57, v56  }
0x2ed: {  	v31 =	vunpack.i.u.bf16.f32 v55;
	v55 =	vmul.bf16 v63, v61;
	v37 =	vmul.bf16 v51, v49  }
0x2ee: {  	s21 =	sadd.s32 $0x3, s17;
	v26 =	vmul.bf16 v26, v52;
	v33 =	vadd.f32 v33, v38;
	v31 =	vadd.f32 v36, v31  }
0x2ef: {  	v34 =	vadd.f32 v48, v34;
	v39 =	vmul.bf16 v59, v58;
	v59 =	vadd.s32 s21, v1  }
0x2f0: {  	v43 =	vunpack.i.u.bf16.f32 v40;
	v40 =	vunpack.i.l.bf16.f32 v40;
	v57 =	vunpack.i.u.bf16.f32 v55  }
0x2f1: {  	v58 =	vunpack.i.u.bf16.f32 v37;
	v37 =	vunpack.i.l.bf16.f32 v37;
	v31 =	vadd.f32 v31, v42  }
0x2f2: {  	v54 =	vadd.f32 v40, v43;
	v56 =	vunpack.i.u.bf16.f32 v39;
	v39 =	vunpack.i.l.bf16.f32 v39  }
0x2f3: {  	v40 =	vunpack.i.l.bf16.f32 v55;
	v42 =	vunpack.i.u.bf16.f32 v26;
	v37 =	vadd.f32 v37, v58  }
0x2f4: {  	s19 =	sadd.s32 $0x2, s17;
	v26 =	vunpack.i.l.bf16.f32 v26;
	v39 =	vadd.f32 v39, v56;
	v40 =	vadd.f32 v40, v57  }
0x2f5: {  	v61 =	vadd.s32 s19, v1;
	v33 =	vadd.f32 v33, v34;
	v26 =	vadd.f32 v26, v42  }
0x2f6: {  	v44 =	vor.u32 s10, v0;
	v36 =	vadd.f32 v39, v54;
	v37 =	vadd.f32 v37, v40  }
0x2f7: {  	v50 =	vand.u32 $0xF8, v46;
	v53 =	vadd.s32 s10, v21;
	v26 =	vadd.f32 v35, v26  }
0x2f8: {  	v63 =	vadd.s32 s10, v23;
	v49 =	vadd.s32 s10, v12;
	[tilespmem:v60+s23+$0x0] =	vst.idx.msk $0xffff, v33;
	v36 =	vadd.f32 v37, v36  }
0x2f9: {  	v51 =	vadd.s32 s10, v16;
	v33 =	vand.u32 $0x1F8, v47;
	[tilespmem:v59+s23+$0x0] =	vst.idx.msk $0xffff, v28;
	v26 =	vadd.f32 v31, v26  }
0x2fa: {  	v52 =	vadd.s32 s10, v20;
	v34 =	vand.u32 $0x3F8, v49;
	v33 =	vor.u32 v11, v33;
	[tilespmem:v61+s23+$0x0] =	vst.idx.msk $0xffff, v36  }
0x2fb: {  	v38 =	vand.u32 $0x3F8, v52;
	v55 =	vadd.s32 s10, v25;
	v34 =	vor.u32 v13, v34;
	[tilespmem:v62+s23+$0x0] =	vst.idx.msk $0xffff, v26  }
0x2fc: {  	s21 =	simm.s32 $0x10;
	v38 =	vor.u32 v7, v38;
	v41 =	vand.u32 $0x7F8, v55;
	v28 =	vadd.s32 s10, v8;
	v30 =	vld.idx.msk [tilespmem:v30+s23+$0x0], $0xffff  }
0x2fd: {  	v52 =	vadd.s32 s21, v14;
	v41 =	vor.u32 v17, v41;
	v28 =	vand.u32 $0x3F8, v28;
	v32 =	vld.idx.msk [tilespmem:v32+s23+$0x0], $0xffff  }
0x2fe: {  	v31 =	vadd.s32 s10, v22;
	v37 =	vand.u32 $0x4F8, v63;
	v28 =	vor.u32 v9, v28;
	v27 =	vld.idx.msk [tilespmem:v27+s23+$0x0], $0xffff  }
0x2ff: {  	v29 =	vand.u32 $0xFF8, v31;
	v31 =	vand.u32 v3, v44;
	v48 =	vor.u32 v13, v37;
	v33 =	vld.idx.msk [tilespmem:v33+s23+$0x0], $0xffff  }
0x300: {  	v37 =	vand.u32 $0x2F8, v51;
	v26 =	vadd.s32 s10, v14;
	v36 =	vor.u32 v5, v50;
	v34 =	vld.idx.msk [tilespmem:v34+s23+$0x0], $0xffff  }
0x301: {  	v58 =	vor.u32 s21, v0;
	v37 =	vor.u32 v17, v37;
	v26 =	vand.u32 $0x7F8, v26;
	v38 =	vld.idx.msk [tilespmem:v38+s23+$0x0], $0xffff  }
0x302: {  	v52 =	vand.u32 $0x7F8, v52;
	v39 =	vand.u32 $0x7F8, v53;
	v41 =	vld.idx.msk [tilespmem:v41+s23+$0x0], $0xffff;
	v26 =	vor.u32 v15, v26  }
0x303: {  	v56 =	vadd.s32 s21, v22;
	v57 =	vadd.s32 s21, v23;
	v39 =	vor.u32 v9, v39;
	v28 =	vld.idx.msk [tilespmem:v28+s23+$0x0], $0xffff  }
0x304: {  	v55 =	vadd.s32 s21, v24;
	v60 =	vadd.s32 s21, v19;
	v54 =	vadd.s32 s10, v24;
	v31 =	vld.idx.msk [tilespmem:v31+s23+$0x0], $0xffff  }
0x305: {  	v42 =	vand.u32 $0xFF8, v56;
	v40 =	vand.u32 $0x5F8, v54;
	v29 =	vor.u32 v11, v29;
	v36 =	vld.idx.msk [tilespmem:v36+s23+$0x0], $0xffff  }
0x306: {  	v56 =	vadd.s32 s21, v25;
	v59 =	vadd.s32 s21, v18;
	v40 =	vor.u32 v15, v40;
	v37 =	vld.idx.msk [tilespmem:v37+s23+$0x0], $0xffff  }
0x307: {  	v46 =	vand.u32 $0x7F8, v60;
	v42 =	vor.u32 v11, v42;
	v53 =	vor.u32 v15, v52;
	v26 =	vld.idx.msk [tilespmem:v26+s23+$0x0], $0xffff  }
0x308: {  	v45 =	vand.u32 $0x3F8, v59;
	v46 =	vor.u32 v5, v46;
	v54 =	vadd.s32 s21, v21;
	v39 =	vld.idx.msk [tilespmem:v39+s23+$0x0], $0xffff  }
0x309: {  	v63 =	vadd.s32 s21, v8;
	v45 =	vor.u32 v2, v45;
	v62 =	vadd.s32 s21, v6;
	v35 =	vld.idx.msk [tilespmem:v48+s23+$0x0], $0xffff  }
0x30a: {  	v51 =	vadd.s32 s21, v12;
	v44 =	vand.u32 v3, v58;
	v48 =	vand.u32 $0x1F8, v62;
	v29 =	vld.idx.msk [tilespmem:v29+s23+$0x0], $0xffff  }
0x30b: {  	v40 =	vld.idx.msk [tilespmem:v40+s23+$0x0], $0xffff;
	v48 =	vor.u32 v7, v48;
	v31 =	vadd.f32 v33, v31;
	v34 =	vadd.f32 v34, v36  }
0x30c: {  	v49 =	vand.u32 $0x3F8, v63;
	v26 =	vadd.f32 v26, v27;
	v27 =	vadd.f32 v37, v28  }
0x30d: {  	v61 =	vadd.s32 s21, v4;
	v30 =	vadd.f32 v30, v31;
	v31 =	vadd.f32 v32, v34  }
0x30e: {  	v47 =	vand.u32 $0xF8, v61;
	v26 =	vadd.f32 v38, v26;
	v27 =	vadd.f32 v39, v27  }
0x30f: {  	v36 =	vld.idx.msk [tilespmem:v42+s23+$0x0], $0xffff;
	v42 =	vand.u32 $0x7F8, v56;
	v29 =	vadd.f32 v29, v30;
	v30 =	vadd.f32 v35, v31  }
0x310: {  	v33 =	vld.idx.msk [tilespmem:v48+s23+$0x0], $0xffff;
	v42 =	vor.u32 v17, v42;
	v26 =	vadd.f32 v40, v26;
	v27 =	vadd.f32 v41, v27  }
0x311: {  	v50 =	vadd.s32 s21, v10;
	v37 =	vor.u32 v9, v49;
	v32 =	vld.idx.msk [tilespmem:v45+s23+$0x0], $0xffff;
	v31 =	vor.u32 v5, v47  }
0x312: {  	v34 =	vld.idx.msk [tilespmem:v46+s23+$0x0], $0xffff;
	v29 =	vadd.f32 v30, v29;
	v30 =	vand.u32 $0x3F8, v51;
	v26 =	vadd.f32 v27, v26  }
0x313: {  	v50 =	vand.u32 $0x1F8, v50;
	v35 =	vld.idx.msk [tilespmem:v44+s23+$0x0], $0xffff;
	v51 =	vadd.s32 s21, v16;
	v30 =	vor.u32 v13, v30  }
0x314: {  	v38 =	vld.idx.msk [tilespmem:v53+s23+$0x0], $0xffff;
	v27 =	vor.u32 v11, v50;
	v40 =	vadd.f32 v26, v29;
	v26 =	vand.u32 $0x2F8, v51  }
0x315: {  	v39 =	vand.u32 $0x7F8, v54;
	v42 =	vld.idx.msk [tilespmem:v42+s23+$0x0], $0xffff;
	v29 =	vadd.s32 s21, v20;
	v26 =	vor.u32 v17, v26  }
0x316: {  	s5 =	simm.s32 $0x20;
	v43 =	vand.u32 $0x4F8, v57;
	v39 =	vor.u32 v9, v39;
	v37 =	vld.idx.msk [tilespmem:v37+s23+$0x0], $0xffff;
	v29 =	vand.u32 $0x3F8, v29  }
0x317: {  	v57 =	vadd.s32 s5, v23;
	v60 =	vadd.s32 s5, v19;
	v31 =	vld.idx.msk [tilespmem:v31+s23+$0x0], $0xffff;
	v29 =	vor.u32 v7, v29  }
0x318: {  	v52 =	vadd.s32 s5, v12;
	v28 =	vor.u32 v13, v43;
	v41 =	vand.u32 $0x5F8, v55;
	v30 =	vld.idx.msk [tilespmem:v30+s23+$0x0], $0xffff  }
0x319: {  	v59 =	vadd.s32 s5, v18;
	v58 =	vor.u32 s5, v0;
	v41 =	vor.u32 v15, v41;
	v27 =	vld.idx.msk [tilespmem:v27+s23+$0x0], $0xffff  }
0x31a: {  	v63 =	vadd.s32 s5, v10;
	v61 =	vadd.s32 s5, v4;
	v62 =	vadd.s32 s5, v6;
	v26 =	vld.idx.msk [tilespmem:v26+s23+$0x0], $0xffff  }
0x31b: {  	v56 =	vand.u32 $0x3F8, v59;
	v43 =	vadd.s32 s5, v22;
	v45 =	vand.u32 v3, v58;
	v55 =	vld.idx.msk [tilespmem:v39+s23+$0x0], $0xffff  }
0x31c: {  	v58 =	vand.u32 $0x1F8, v62;
	v43 =	vand.u32 $0xFF8, v43;
	v44 =	vand.u32 $0x4F8, v57;
	v29 =	vld.idx.msk [tilespmem:v29+s23+$0x0], $0xffff  }
0x31d: {  	v57 =	vand.u32 $0xF8, v61;
	v47 =	vand.u32 $0x7F8, v60;
	v60 =	vor.u32 v2, v56;
	v28 =	vld.idx.msk [tilespmem:v28+s23+$0x0], $0xffff  }
0x31e: {  	v59 =	vor.u32 v13, v44;
	v41 =	vld.idx.msk [tilespmem:v41+s23+$0x0], $0xffff;
	v30 =	vadd.f32 v30, v31;
	v27 =	vadd.f32 v27, v35  }
0x31f: {  	v61 =	vor.u32 v5, v47;
	v33 =	vadd.f32 v38, v33;
	v26 =	vadd.f32 v26, v37  }
0x320: {  	v31 =	vor.u32 v11, v43;
	v30 =	vadd.f32 v34, v30;
	v27 =	vadd.f32 v32, v27  }
0x321: {  	v50 =	vadd.s32 s5, v8;
	v29 =	vadd.f32 v29, v33;
	v26 =	vadd.f32 v55, v26  }
0x322: {  	v30 =	vadd.f32 v28, v30;
	v62 =	vadd.f32 v36, v27;
	v36 =	vor.u32 v5, v57  }
0x323: {  	v28 =	vld.idx.msk [tilespmem:v45+s23+$0x0], $0xffff;
	v27 =	vand.u32 $0x3F8, v50;
	v29 =	vadd.f32 v41, v29;
	v35 =	vadd.f32 v42, v26  }
0x324: {  	v63 =	vand.u32 $0x1F8, v63;
	v33 =	vor.u32 v7, v58;
	v32 =	vor.u32 v9, v27;
	v27 =	vld.idx.msk [tilespmem:v59+s23+$0x0], $0xffff  }
0x325: {  	v53 =	vadd.s32 s5, v14;
	v26 =	vld.idx.msk [tilespmem:v31+s23+$0x0], $0xffff;
	v31 =	vadd.f32 v30, v62;
	v42 =	vadd.f32 v35, v29  }
0x326: {  	s10 =	simm.s32 $0x5190;
	v38 =	vand.u32 $0x7F8, v53;
	v34 =	vor.u32 v11, v63;
	v30 =	vand.u32 $0x3F8, v52;
	v29 =	vld.idx.msk [tilespmem:v60+s23+$0x0], $0xffff  }
0x327: {  	s17 =	simm.s32 $0x30;
	[tilespmem:s10+$0x0] =	vst v40;
	v37 =	vadd.s32 s5, v16;
	v35 =	vor.u32 v13, v30;
	v30 =	vld.idx.msk [tilespmem:v61+s23+$0x0], $0xffff;
	v31 =	vadd.f32 v42, v31  }
.LBB2_24:
0x328: {  	p0 =	sne.s32 s17, $0x40;
	v36 =	vld.idx.msk [tilespmem:v36+s23+$0x0], $0xffff;
	v38 =	vor.u32 v15, v38;
	v37 =	vand.u32 $0x2F8, v37;
	v39 =	vadd.s32 s5, v20;
	s10 =	sadd.s32 $0x10, s10  }
0x329: {  	v40 =	vadd.s32 s5, v21;
	v33 =	vld.idx.msk [tilespmem:v33+s23+$0x0], $0xffff;
	v37 =	vor.u32 v17, v37;
	v39 =	vand.u32 $0x3F8, v39;
	[tilespmem:s10+$0x0] =	vst v31  }
0x32a: {  	v31 =	vld.idx.msk [tilespmem:v32+s23+$0x0], $0xffff;
	v32 =	vor.u32 v7, v39;
	v39 =	vand.u32 $0x7F8, v40;
	v40 =	vadd.s32 s5, v24  }
0x32b: {  	v41 =	vadd.s32 s5, v25;
	s5 =	smov.u32 s17;
	v34 =	vld.idx.msk [tilespmem:v34+s23+$0x0], $0xffff;
	v39 =	vor.u32 v9, v39;
	v40 =	vand.u32 $0x5F8, v40  }
0x32c: {  	v41 =	vand.u32 $0x7F8, v41;
	v35 =	vld.idx.msk [tilespmem:v35+s23+$0x0], $0xffff;
	v40 =	vor.u32 v15, v40  }
0x32d: {  	v42 =	vadd.s32 s17, v22;
	v43 =	vadd.s32 s17, v23;
	v41 =	vor.u32 v17, v41;
	v38 =	vld.idx.msk [tilespmem:v38+s23+$0x0], $0xffff  }
0x32e: {  	v44 =	vor.u32 s17, v0;
	v45 =	vadd.s32 s17, v18;
	v46 =	vadd.s32 s17, v19;
	v37 =	vld.idx.msk [tilespmem:v37+s23+$0x0], $0xffff  }
0x32f: {  	v47 =	vadd.s32 s17, v4;
	v48 =	vadd.s32 s17, v6;
	v49 =	vadd.s32 s17, v8;
	v32 =	vld.idx.msk [tilespmem:v32+s23+$0x0], $0xffff  }
0x330: {  	v50 =	vadd.s32 s17, v10;
	v51 =	vadd.s32 s17, v12;
	v52 =	vadd.s32 s17, v14;
	v39 =	vld.idx.msk [tilespmem:v39+s23+$0x0], $0xffff  }
0x331: {  	v45 =	vand.u32 $0x3F8, v45;
	v42 =	vand.u32 $0xFF8, v42;
	v43 =	vand.u32 $0x4F8, v43;
	v40 =	vld.idx.msk [tilespmem:v40+s23+$0x0], $0xffff  }
0x332: {  	v44 =	vand.u32 v3, v44;
	v47 =	vand.u32 $0xF8, v47;
	v46 =	vand.u32 $0x7F8, v46;
	v41 =	vld.idx.msk [tilespmem:v41+s23+$0x0], $0xffff  }
0x333: {  	v48 =	vand.u32 $0x1F8, v48;
	v28 =	vadd.f32 v34, v28;
	v34 =	vadd.f32 v35, v36  }
0x334: {  	v35 =	vor.u32 v11, v42;
	v33 =	vadd.f32 v38, v33;
	v31 =	vadd.f32 v37, v31  }
0x335: {  	v28 =	vadd.f32 v29, v28;
	v37 =	vor.u32 v13, v43;
	v29 =	vadd.f32 v30, v34  }
0x336: {  	v30 =	vor.u32 v2, v45;
	v32 =	vadd.f32 v32, v33;
	v31 =	vadd.f32 v39, v31  }
0x337: {  	v34 =	vadd.f32 v26, v28;
	v39 =	vor.u32 v5, v46;
	v29 =	vadd.f32 v27, v29  }
.Ltmp13:
0x338: {  	v36 =	vor.u32 v5, v47;
	v38 =	vadd.f32 v40, v32;
	v31 =	vadd.f32 v41, v31;
	v28 =	vld.idx.msk [tilespmem:v44+s23+$0x0], $0xffff;
	(pc) =	sbr.rel @p0 .LBB2_24-.Ltmp13, $4  }
0x339: {  	v33 =	vor.u32 v7, v48;
	v27 =	vand.u32 $0x3F8, v49;
	v40 =	vand.u32 $0x1F8, v50;
	v26 =	vld.idx.msk [tilespmem:v35+s23+$0x0], $0xffff  }
0x33a: {  	v32 =	vor.u32 v9, v27;
	v41 =	vadd.f32 v29, v34;
	v31 =	vadd.f32 v31, v38;
	v27 =	vld.idx.msk [tilespmem:v37+s23+$0x0], $0xffff  }
0x33b: {  	v34 =	vor.u32 v11, v40;
	v35 =	vand.u32 $0x3F8, v51;
	v37 =	vadd.s32 s17, v16;
	v29 =	vld.idx.msk [tilespmem:v30+s23+$0x0], $0xffff  }
0x33c: {  	v38 =	vand.u32 $0x7F8, v52;
	v35 =	vor.u32 v13, v35;
	s17 =	sadd.s32 $0x10, s17;
	v31 =	vadd.f32 v31, v41;
	v30 =	vld.idx.msk [tilespmem:v39+s23+$0x0], $0xffff  }
0x33d: {  	_ =	sdelay $0x3  }
0x33e: {  	v36 =	vld.idx.msk [tilespmem:v36+s23+$0x0], $0xffff;
	v38 =	vor.u32 v15, v38;
	v37 =	vand.u32 $0x2F8, v37;
	v39 =	vadd.s32 s5, v20  }
0x33f: {  	v33 =	vld.idx.msk [tilespmem:v33+s23+$0x0], $0xffff;
	v40 =	vadd.s32 s5, v21;
	v37 =	vor.u32 v17, v37;
	v39 =	vand.u32 $0x3F8, v39  }
0x340: {  	v32 =	vld.idx.msk [tilespmem:v32+s23+$0x0], $0xffff;
	v41 =	vadd.s32 s5, v24;
	v40 =	vand.u32 $0x7F8, v40;
	v39 =	vor.u32 v7, v39  }
0x341: {  	v34 =	vld.idx.msk [tilespmem:v34+s23+$0x0], $0xffff;
	v42 =	vadd.s32 s5, v25;
	v41 =	vand.u32 $0x5F8, v41;
	v40 =	vor.u32 v9, v40  }
0x342: {  	v35 =	vld.idx.msk [tilespmem:v35+s23+$0x0], $0xffff;
	v42 =	vand.u32 $0x7F8, v42;
	v41 =	vor.u32 v15, v41  }
0x343: {  	v42 =	vor.u32 v17, v42;
	v38 =	vld.idx.msk [tilespmem:v38+s23+$0x0], $0xffff  }
0x344: {  	v37 =	vld.idx.msk [tilespmem:v37+s23+$0x0], $0xffff  }
0x345: {  	v39 =	vld.idx.msk [tilespmem:v39+s23+$0x0], $0xffff  }
0x346: {  	v40 =	vld.idx.msk [tilespmem:v40+s23+$0x0], $0xffff  }
0x347: {  	v41 =	vld.idx.msk [tilespmem:v41+s23+$0x0], $0xffff  }
0x348: {  	v28 =	vadd.f32 v34, v28;
	v35 =	vadd.f32 v35, v36;
	v59 =	vld.idx.msk [tilespmem:v42+s23+$0x0], $0xffff  }
0x349: {  	v33 =	vadd.f32 v38, v33;
	v32 =	vadd.f32 v37, v32  }
0x34a: {  	v28 =	vadd.f32 v29, v28;
	v60 =	vadd.f32 v30, v35  }
0x34b: {  	v61 =	vadd.f32 v39, v33;
	v32 =	vadd.f32 v40, v32  }
0x34c: {  	v26 =	vadd.f32 v26, v28;
	v27 =	vadd.f32 v27, v60  }
0x34d: {  	v62 =	vadd.f32 v41, v61;
	v63 =	vadd.f32 v59, v32  }
0x34e: {  	s13 =	sadd.s32 $0x1, s13  }
0x34f: {  	p0 =	sne.s32 s13, $0x7D;
	v26 =	vadd.f32 v27, v26;
	v27 =	vadd.f32 v63, v62  }
.Ltmp14:
0x350: {  	_ = 	snop;
	(pc) =	sbr.rel @p0 .LBB2_12-.Ltmp14, $4  }
.Ltmp15:
0x351: {  	s21 =	sadd.s32 $0x10, s10;
	s1 =	sadd.s32 s1, s20;
	v26 =	vadd.f32 v27, v26;
	(pc) =	sbr.rel @!p0 .LBB2_26-.Ltmp15, $4  }
0x352: {  	[tilespmem:s21+$0x0] =	vst v31;
	s5 =	sadd.s32 $0x10, s21;
	s1 =	sshrl.u32 s1, $0x3  }
0x353: {  	s1 =	sadd.s32 s8, s1;
	[tilespmem:s5+$0x0] =	vst v26  }
0x354: {  	[hbm4b:s1+s4] =	stream.linear.scatter [tilespmem:s26], [sflag:$0x6], $0x50, $0x38;
	[tilespmem:$0x1AF30] =	vst v63  }
0x355: {  	_ = 	snop  }
.LBB2_15:
.Ltmp16:
0x356: {  	(pc) =	sbr.rel .LBB2_21-.Ltmp16, $2  }
0x357: {  	_ =	sdelay $0x2  }
0x358: {  	s5 =	simm.s32 $0x5140  }
.LBB2_17:
.Ltmp17:
0x359: {  	(pc) =	sbr.rel .LBB2_21-.Ltmp17, $2  }
0x35a: {  	_ =	sdelay $0x2  }
0x35b: {  	s1 =	simm.s32 $0x10;
	s5 =	simm.s32 $0x5140  }
.LBB2_19:
.Ltmp18:
0x35c: {  	(pc) =	sbr.rel .LBB2_21-.Ltmp18, $2  }
0x35d: {  	_ =	sdelay $0x2  }
0x35e: {  	s5 =	simm.s32 $0x5140  }
.LBB2_27:
0x35f: {  	_ =	sfence.sel $0x180000  }
0x360: {  	[bflag:$0x0] =	sbarrier.arrive $0xFFFF  }
0x361: {  	_ =	strace $0x90000047  }
0x362: {  	s0 =	stileid.u32;
	[bflag:$0x2] =	sbarrier.arrive $0xFFFF  }
0x363: {  	p0 =	sne.s32 s0, $0x0;
	s0 =	rddreg [dreg:$0x4]  }
0x364: {  	s0 =	sadd.s32 @!p0 $0x100000, s0  }
0x365: {  	[sflag:s0] =	ssyncadd.tile.s32 @!p0 $0x1;
	_ =	shalt  }
.Lfunc_end2:
_tile_overlayer_lowered:
.L_overlay_start_2:
0x366: {  	(tag) =	ssettag $0x2  }
0x367: {  	s0 =	rddreg [dreg:$0x0];
	s2 =	stileid.u32  }
0x368: {  	s1 =	rddreg [dreg:$0x1];
	p0 =	sne.s32 s2, $0x0  }
0x369: {  	s3 =	rddreg [dreg:$0x2];
	[bflag:$0x3] =	sbarrier.arrive $0xFFFF;
	s2 =	simm.s32 @!p0 $0x1C07  }
0x36a: {  	[timem:s3], [sflag:s2] =	dma.local @!p0 [hbm:s0], s1  }
0x36b: {  	s0 =	simm.s32 @!p0 $0x7  }
0x36c: {  	_ =	swait.ge @!p0 [sflag:s0], s1  }
0x36d: {  	s1 =	ssub.s32 @!p0 $0x0, s1;
	[sflag:s0] =	ssyncset.done @!p0 $0x0  }
0x36e: {  	[sflag:s0] =	ssyncadd.s32 @!p0 s1  }
0x36f: {  	[bflag:$0x3] =	sbarrier.arrive $0xFFFF  }
0x370: {  	_ =	shalt  }

</sc_bundles>
